<compile_context>
chip_gen: v7x
topology: tpu7x:2x2x1
jax: 0.10.2.dev20260603
libtpu: 0.0.44.dev20260713+nightly
codegen_flags: <defaults>
</compile_context>

<pallas_src>
import functools

import jax
import jax.numpy as jnp
from jax import lax
from jax.experimental import pallas as pl
from jax.experimental.pallas import tpu as pltpu
from jax.experimental.pallas import tpu_sc as plsc

F = 26
V = 100000
E = 16
ND = 11
B = 16384
H1, H2, OUT = 128, 64, 10

NC, NS = 2, 16
HB = B // NC


def _sc_body(tt, codes, bi_out, row_v, codes_v, acc_s, acc_q, sem):
    e = lax.axis_index("s")
    ch = lax.axis_index("c")
    zeros16 = jnp.zeros((16,), jnp.int32)

    def src(f):
        return tt.at[f, pl.ds(e, 1), :]

    def compute(first):
        def grp(g, cr):
            sl = pl.ds(g * 16, 16)
            v = plsc.load_gather(row_v, [zeros16, codes_v[sl]])
            if first:
                acc_s[0, sl] = v
                acc_q[sl] = v * v
            else:
                acc_s[0, sl] += v
                acc_q[sl] += v * v
            return cr
        lax.fori_loop(0, HB // 16, grp, 0)

    pltpu.async_copy(src(0), row_v, sem)
    pltpu.sync_copy(codes.at[0, pl.ds(ch * HB, HB)], codes_v)

    for f in range(F):
        pltpu.make_async_copy(src(f), row_v, sem).wait()
        compute(first=(f == 0))
        if f + 1 < F:
            pltpu.async_copy(src(f + 1), row_v, sem)
            pltpu.sync_copy(codes.at[f + 1, pl.ds(ch * HB, HB)], codes_v)

    def fin(g, cr):
        sl = pl.ds(g * 16, 16)
        s = acc_s[0, sl]
        q = acc_q[sl]
        acc_s[0, sl] = 0.5 * (s * s - q)
        return cr
    lax.fori_loop(0, HB // 16, fin, 0)

    pltpu.sync_copy(acc_s, bi_out.at[pl.ds(e, 1), pl.ds(ch * HB, HB)])


_sc_pool = functools.partial(
    pl.kernel,
    out_type=jax.ShapeDtypeStruct((E, B), jnp.float32),
    mesh=plsc.VectorSubcoreMesh(core_axis_name="c", subcore_axis_name="s"),
    scratch_types=[
        pltpu.VMEM((1, V), jnp.float32),
        pltpu.VMEM((HB,), jnp.int32),
        pltpu.VMEM((1, HB), jnp.float32),
        pltpu.VMEM((HB,), jnp.float32),
        pltpu.SemaphoreType.DMA,
    ],
    compiler_params=pltpu.CompilerParams(needs_layout_passes=False),
)(_sc_body)


BM = 2048


def _mlp_body(dense_ref, bit_ref, w1a_ref, w1b_ref, b1_ref, w2_ref, b2_ref,
              w3_ref, b3_ref, out_ref):
    h = jnp.dot(dense_ref[...], w1a_ref[...], preferred_element_type=jnp.float32)
    h += lax.dot_general(bit_ref[...], w1b_ref[...],
                         (((0,), (0,)), ((), ())),
                         preferred_element_type=jnp.float32)
    h = jnp.maximum(h + b1_ref[...], 0.0)
    h = jnp.dot(h, w2_ref[...], preferred_element_type=jnp.float32)
    h = jnp.maximum(h + b2_ref[...], 0.0)
    out_ref[...] = (
        jnp.dot(h, w3_ref[...], preferred_element_type=jnp.float32)
        + b3_ref[...])


def _mlp(dense, bi_t, W1a, W1b, b1, W2, b2, W3, b3):
    grid = (B // BM,)
    full = lambda shape: pl.BlockSpec(shape, lambda i: (0, 0))
    return pl.pallas_call(
        _mlp_body,
        grid=grid,
        in_specs=[
            pl.BlockSpec((BM, ND), lambda i: (i, 0)),
            pl.BlockSpec((E, BM), lambda i: (0, i)),
            full((ND, H1)),
            full((E, H1)),
            full((1, H1)),
            full((H1, H2)),
            full((1, H2)),
            full((H2, OUT)),
            full((1, OUT)),
        ],
        out_specs=pl.BlockSpec((BM, OUT), lambda i: (i, 0)),
        out_shape=jax.ShapeDtypeStruct((B, OUT), jnp.float32),
    )(dense, bi_t, W1a, W1b, b1, W2, b2, W3, b3)


def kernel(target_x, tables, W1, b1, W2, b2, W3, b3):
    dense = target_x[:, :ND]
    sparse = target_x[:, ND:].astype(jnp.int32)
    codes_t = jnp.transpose(sparse, (1, 0))
    tt = jnp.transpose(tables, (0, 2, 1))

    bi_t = _sc_pool(tt, codes_t)

    return _mlp(dense, bi_t, W1[:ND], W1[ND:], b1[None, :], W2, b2[None, :],
                W3, b3[None, :])

# --- scband reference (transcript-rebuilt; emitter-appended) ---
"""Pipeline reference for scband-nfm-54984171324013 (READ-ONLY COPY).

The authoritative reference and input builder live on the scoring server;
editing this copy changes nothing except your own understanding.
"""

import jax, jax.numpy as jnp
import numpy as np

NUM_FIELDS = 26
VOCAB = 100000
EMBED = 16
NDENSE = 11  # len(dense_features) + 1 per module slicing
B = 16384
H1, H2, OUT = 128, 64, 10
IN_MLP = EMBED + NDENSE  # 27


def setup_inputs(seed: int = 0) -> dict:
    key = jax.random.key(seed)
    ks = jax.random.split(key, 9)
    # target_x holds float-encoded values; sparse columns are cast to int indices in forward
    target_x = jax.random.randint(ks[0], (B, NDENSE + NUM_FIELDS), 0, VOCAB).astype(jnp.float32)
    tables = jax.random.normal(ks[1], (NUM_FIELDS, VOCAB, EMBED), dtype=jnp.float32) * 0.01
    W1 = jax.random.normal(ks[2], (IN_MLP, H1), dtype=jnp.float32) * 0.05
    b1 = jnp.zeros((H1,), dtype=jnp.float32)
    W2 = jax.random.normal(ks[3], (H1, H2), dtype=jnp.float32) * 0.05
    b2 = jnp.zeros((H2,), dtype=jnp.float32)
    W3 = jax.random.normal(ks[4], (H2, OUT), dtype=jnp.float32) * 0.05
    b3 = jnp.zeros((OUT,), dtype=jnp.float32)
    return {"target_x": target_x, "tables": tables, "W1": W1, "b1": b1, "W2": W2, "b2": b2, "W3": W3, "b3": b3}


def reference(target_x, tables, W1, b1, W2, b2, W3, b3):
    dense_input = target_x[:, :NDENSE]
    sparse_inputs = target_x[:, NDENSE:].astype(jnp.int32)  # [B, F]
    field_idx = jnp.arange(NUM_FIELDS)[None, :]  # [1, F]
    sparse_embeds = tables[field_idx, sparse_inputs]  # gather -> [B, F, E]
    # BiInteractionLayer
    sum_of_square = jnp.sum(sparse_embeds, axis=1) ** 2
    square_of_sum = jnp.sum(sparse_embeds ** 2, axis=1)
    bi_interaction = 0.5 * (sum_of_square - square_of_sum)  # [B, E]
    combined_input = jnp.concatenate([dense_input, bi_interaction], axis=-1)  # [B, 27]
    h = jax.nn.relu(combined_input @ W1 + b1)
    h = jax.nn.relu(h @ W2 + b2)
    outputs = h @ W3 + b3
    return outputs

if __name__ == "__main__":
    import jax
    _d = setup_inputs()
    print(jax.jit(kernel)(*tuple(_d.values())))

</pallas_src>

<mosaic_0001>
#map = affine_map<(d0, d1) -> (0, 0, 0)>
#map1 = affine_map<(d0, d1) -> (0, 0)>
module attributes {stable_mosaic.version = 14 : i64} {
  func.func @_sc_body(%arg0: i32, %arg1: i32, %arg2: memref<26x16x100000xf32, #tpu.memory_space<hbm>>, %arg3: memref<26x16384xi32, #tpu.memory_space<hbm>>, %arg4: memref<16x16384xf32, #tpu.memory_space<hbm>>, %arg5: memref<1x100000xf32, #tpu.memory_space<vmem>>, %arg6: memref<8192xi32, #tpu.memory_space<vmem>>, %arg7: memref<1x8192xf32, #tpu.memory_space<vmem>>, %arg8: memref<8192xf32, #tpu.memory_space<vmem>>, %arg9: memref<!tpu.dma_semaphore, #tpu.memory_space<semaphore_mem>>) attributes {dimension_semantics = [#tpu.dimension_semantics<core_parallel>, #tpu.dimension_semantics<subcore_parallel>], iteration_bounds = array<i64: 2, 16>, scalar_prefetch = 0 : i64, scratch_operands = 5 : i64, tpu.core_type = #tpu.core_type<sc_vector_subcore>, window_params = [{transform_indices = #map}, {transform_indices = #map1}, {transform_indices = #map1}]} {
    %broadcast_in_dim3A = arith.constant 0 : i32
    %broadcast_in_dim3A_0 = vector.broadcast %broadcast_in_dim3A : i32 to vector<16xi32>
    %dma_start3A = arith.constant 0 : i32
    %dma_start3A_1 = arith.constant 0 : i32
    %dma_start3A_2 = tpu.memref_slice %arg2[%dma_start3A, %arg1, %dma_start3A_1] : memref<26x16x100000xf32, #tpu.memory_space<hbm>> -> memref<1x1x100000xf32, #tpu.memory_space<hbm>>
    %dma_start3A_3 = tpu.memref_squeeze %dma_start3A_2 : memref<1x1x100000xf32, #tpu.memory_space<hbm>> -> memref<1x100000xf32, #tpu.memory_space<hbm>>
    %dma_start3A_4 = arith.constant 0 : i32
    %dma_start3A_5 = tpu.memref_slice %arg2[%dma_start3A, %arg1, %dma_start3A_4] : memref<26x16x100000xf32, #tpu.memory_space<hbm>> -> memref<1x1x100000xf32, #tpu.memory_space<hbm>>
    %dma_start3A_6 = tpu.memref_squeeze %dma_start3A_5 : memref<1x1x100000xf32, #tpu.memory_space<hbm>> -> memref<1x100000xf32, #tpu.memory_space<hbm>>
    tpu.enqueue_dma source(%dma_start3A_6 : memref<1x100000xf32, #tpu.memory_space<hbm>>) target(%arg5 : memref<1x100000xf32, #tpu.memory_space<vmem>>) target_semaphore(%arg9 : memref<!tpu.dma_semaphore, #tpu.memory_space<semaphore_mem>>)
    %mul3A = arith.constant 8192 : i32
    %mul3A_7 = arith.muli %arg0, %mul3A : i32
    %run_scoped3A = arith.constant 0 : i32
    "tpu.region"() ({
      %run_scoped3A_602 = tpu.sem_alloc : memref<!tpu.dma_semaphore, #tpu.memory_space<semaphore_mem>>
      %dma_start3A_603 = tpu.memref_slice %arg3[%run_scoped3A, %mul3A_7] : memref<26x16384xi32, #tpu.memory_space<hbm>> -> memref<1x8192xi32, #tpu.memory_space<hbm>>
      %dma_start3A_604 = tpu.memref_squeeze %dma_start3A_603 : memref<1x8192xi32, #tpu.memory_space<hbm>> -> memref<8192xi32, #tpu.memory_space<hbm>>
      %dma_start3A_605 = tpu.memref_slice %arg3[%run_scoped3A, %mul3A_7] : memref<26x16384xi32, #tpu.memory_space<hbm>> -> memref<1x8192xi32, #tpu.memory_space<hbm>>
      %dma_start3A_606 = tpu.memref_squeeze %dma_start3A_605 : memref<1x8192xi32, #tpu.memory_space<hbm>> -> memref<8192xi32, #tpu.memory_space<hbm>>
      tpu.enqueue_dma source(%dma_start3A_606 : memref<8192xi32, #tpu.memory_space<hbm>>) target(%arg6 : memref<8192xi32, #tpu.memory_space<vmem>>) target_semaphore(%run_scoped3A_602 : memref<!tpu.dma_semaphore, #tpu.memory_space<semaphore_mem>>)
      %dma_wait3A_607 = tpu.memref_slice %arg3[%run_scoped3A, %mul3A_7] : memref<26x16384xi32, #tpu.memory_space<hbm>> -> memref<1x8192xi32, #tpu.memory_space<hbm>>
      %dma_wait3A_608 = tpu.memref_squeeze %dma_wait3A_607 : memref<1x8192xi32, #tpu.memory_space<hbm>> -> memref<8192xi32, #tpu.memory_space<hbm>>
      %dma_wait3A_609 = tpu.memref_slice %arg3[%run_scoped3A, %mul3A_7] : memref<26x16384xi32, #tpu.memory_space<hbm>> -> memref<1x8192xi32, #tpu.memory_space<hbm>>
      %dma_wait3A_610 = tpu.memref_squeeze %dma_wait3A_609 : memref<1x8192xi32, #tpu.memory_space<hbm>> -> memref<8192xi32, #tpu.memory_space<hbm>>
      tpu.wait_dma2 semaphore(%run_scoped3A_602 : memref<!tpu.dma_semaphore, #tpu.memory_space<semaphore_mem>>) src(%dma_wait3A_610 : memref<8192xi32, #tpu.memory_space<hbm>>) dst(%arg6 : memref<8192xi32, #tpu.memory_space<vmem>>)
      tpu.yield
    }) : () -> ()
    %dma_wait3A = arith.constant 0 : i32
    %dma_wait3A_8 = arith.constant 0 : i32
    %dma_wait3A_9 = tpu.memref_slice %arg2[%dma_wait3A, %arg1, %dma_wait3A_8] : memref<26x16x100000xf32, #tpu.memory_space<hbm>> -> memref<1x1x100000xf32, #tpu.memory_space<hbm>>
    %dma_wait3A_10 = tpu.memref_squeeze %dma_wait3A_9 : memref<1x1x100000xf32, #tpu.memory_space<hbm>> -> memref<1x100000xf32, #tpu.memory_space<hbm>>
    %dma_wait3A_11 = arith.constant 0 : i32
    %dma_wait3A_12 = tpu.memref_slice %arg2[%dma_wait3A, %arg1, %dma_wait3A_11] : memref<26x16x100000xf32, #tpu.memory_space<hbm>> -> memref<1x1x100000xf32, #tpu.memory_space<hbm>>
    %dma_wait3A_13 = tpu.memref_squeeze %dma_wait3A_12 : memref<1x1x100000xf32, #tpu.memory_space<hbm>> -> memref<1x100000xf32, #tpu.memory_space<hbm>>
    tpu.wait_dma2 semaphore(%arg9 : memref<!tpu.dma_semaphore, #tpu.memory_space<semaphore_mem>>) src(%dma_wait3A_13 : memref<1x100000xf32, #tpu.memory_space<hbm>>) dst(%arg5 : memref<1x100000xf32, #tpu.memory_space<vmem>>)
    %scan3A = arith.constant 0 : i32
    %scan3A_14 = arith.constant 0 : i32
    %scan3A_15 = arith.constant 512 : i32
    %scan3A_16 = arith.addi %scan3A_14, %scan3A_15 : i32
    %scan3A_17 = arith.constant 1 : i32
    scf.for %scan3A_602 = %scan3A_14 to %scan3A_16 step %scan3A_17  : i32 {
      %mul3A_603 = arith.constant 16 : i32
      %mul3A_604 = arith.muli %scan3A_602, %mul3A_603 : i32
      %get3A = arith.index_cast %mul3A_604 : i32 to index
      %get3A_605 = tpu.vector_load %arg6[%get3A] {strides = array<i32>} : memref<8192xi32, #tpu.memory_space<vmem>>, vector<16xi32>,
      %gather3A = tpu.vector_load_idx %arg5[%broadcast_in_dim3A_0, %get3A_605] : memref<1x100000xf32, #tpu.memory_space<vmem>>[vector<16xi32>, vector<16xi32>], vector<16xf32>,
      %swap3A = arith.constant 0 : i32
      %swap3A_606 = arith.index_cast %swap3A : i32 to index
      %swap3A_607 = arith.index_cast %mul3A_604 : i32 to index
      %swap3A_608 = tpu.vector_load %arg7[%swap3A_606, %swap3A_607] {strides = array<i32>} : memref<1x8192xf32, #tpu.memory_space<vmem>>, vector<16xf32>,
      tpu.vector_store %arg7[%swap3A_606, %swap3A_607], %gather3A {strides = array<i32>} : memref<1x8192xf32, #tpu.memory_space<vmem>>, vector<16xf32>,
      %mul3A_609 = arith.mulf %gather3A, %gather3A : vector<16xf32>
      %swap3A_610 = arith.index_cast %mul3A_604 : i32 to index
      %swap3A_611 = tpu.vector_load %arg8[%swap3A_610] {strides = array<i32>} : memref<8192xf32, #tpu.memory_space<vmem>>, vector<16xf32>,
      tpu.vector_store %arg8[%swap3A_610], %mul3A_609 {strides = array<i32>} : memref<8192xf32, #tpu.memory_space<vmem>>, vector<16xf32>,
    }
    %scan3A_18 = arith.constant 512 : i32
    %dma_start3A_19 = arith.constant 1 : i32
    %dma_start3A_20 = arith.constant 0 : i32
    %dma_start3A_21 = tpu.memref_slice %arg2[%dma_start3A_19, %arg1, %dma_start3A_20] : memref<26x16x100000xf32, #tpu.memory_space<hbm>> -> memref<1x1x100000xf32, #tpu.memory_space<hbm>>
    %dma_start3A_22 = tpu.memref_squeeze %dma_start3A_21 : memref<1x1x100000xf32, #tpu.memory_space<hbm>> -> memref<1x100000xf32, #tpu.memory_space<hbm>>
    %dma_start3A_23 = arith.constant 0 : i32
    %dma_start3A_24 = tpu.memref_slice %arg2[%dma_start3A_19, %arg1, %dma_start3A_23] : memref<26x16x100000xf32, #tpu.memory_space<hbm>> -> memref<1x1x100000xf32, #tpu.memory_space<hbm>>
    %dma_start3A_25 = tpu.memref_squeeze %dma_start3A_24 : memref<1x1x100000xf32, #tpu.memory_space<hbm>> -> memref<1x100000xf32, #tpu.memory_space<hbm>>
    tpu.enqueue_dma source(%dma_start3A_25 : memref<1x100000xf32, #tpu.memory_space<hbm>>) target(%arg5 : memref<1x100000xf32, #tpu.memory_space<vmem>>) target_semaphore(%arg9 : memref<!tpu.dma_semaphore, #tpu.memory_space<semaphore_mem>>)
    %mul3A_26 = arith.constant 8192 : i32
    %mul3A_27 = arith.muli %arg0, %mul3A_26 : i32
    %run_scoped3A_28 = arith.constant 1 : i32
    "tpu.region"() ({
      %run_scoped3A_602 = tpu.sem_alloc : memref<!tpu.dma_semaphore, #tpu.memory_space<semaphore_mem>>
      %dma_start3A_603 = tpu.memref_slice %arg3[%run_scoped3A_28, %mul3A_27] : memref<26x16384xi32, #tpu.memory_space<hbm>> -> memref<1x8192xi32, #tpu.memory_space<hbm>>
      %dma_start3A_604 = tpu.memref_squeeze %dma_start3A_603 : memref<1x8192xi32, #tpu.memory_space<hbm>> -> memref<8192xi32, #tpu.memory_space<hbm>>
      %dma_start3A_605 = tpu.memref_slice %arg3[%run_scoped3A_28, %mul3A_27] : memref<26x16384xi32, #tpu.memory_space<hbm>> -> memref<1x8192xi32, #tpu.memory_space<hbm>>
      %dma_start3A_606 = tpu.memref_squeeze %dma_start3A_605 : memref<1x8192xi32, #tpu.memory_space<hbm>> -> memref<8192xi32, #tpu.memory_space<hbm>>
      tpu.enqueue_dma source(%dma_start3A_606 : memref<8192xi32, #tpu.memory_space<hbm>>) target(%arg6 : memref<8192xi32, #tpu.memory_space<vmem>>) target_semaphore(%run_scoped3A_602 : memref<!tpu.dma_semaphore, #tpu.memory_space<semaphore_mem>>)
      %dma_wait3A_607 = tpu.memref_slice %arg3[%run_scoped3A_28, %mul3A_27] : memref<26x16384xi32, #tpu.memory_space<hbm>> -> memref<1x8192xi32, #tpu.memory_space<hbm>>
      %dma_wait3A_608 = tpu.memref_squeeze %dma_wait3A_607 : memref<1x8192xi32, #tpu.memory_space<hbm>> -> memref<8192xi32, #tpu.memory_space<hbm>>
      %dma_wait3A_609 = tpu.memref_slice %arg3[%run_scoped3A_28, %mul3A_27] : memref<26x16384xi32, #tpu.memory_space<hbm>> -> memref<1x8192xi32, #tpu.memory_space<hbm>>
      %dma_wait3A_610 = tpu.memref_squeeze %dma_wait3A_609 : memref<1x8192xi32, #tpu.memory_space<hbm>> -> memref<8192xi32, #tpu.memory_space<hbm>>
      tpu.wait_dma2 semaphore(%run_scoped3A_602 : memref<!tpu.dma_semaphore, #tpu.memory_space<semaphore_mem>>) src(%dma_wait3A_610 : memref<8192xi32, #tpu.memory_space<hbm>>) dst(%arg6 : memref<8192xi32, #tpu.memory_space<vmem>>)
      tpu.yield
    }) : () -> ()
    %dma_wait3A_29 = arith.constant 1 : i32
    %dma_wait3A_30 = arith.constant 0 : i32
    %dma_wait3A_31 = tpu.memref_slice %arg2[%dma_wait3A_29, %arg1, %dma_wait3A_30] : memref<26x16x100000xf32, #tpu.memory_space<hbm>> -> memref<1x1x100000xf32, #tpu.memory_space<hbm>>
    %dma_wait3A_32 = tpu.memref_squeeze %dma_wait3A_31 : memref<1x1x100000xf32, #tpu.memory_space<hbm>> -> memref<1x100000xf32, #tpu.memory_space<hbm>>
    %dma_wait3A_33 = arith.constant 0 : i32
    %dma_wait3A_34 = tpu.memref_slice %arg2[%dma_wait3A_29, %arg1, %dma_wait3A_33] : memref<26x16x100000xf32, #tpu.memory_space<hbm>> -> memref<1x1x100000xf32, #tpu.memory_space<hbm>>
    %dma_wait3A_35 = tpu.memref_squeeze %dma_wait3A_34 : memref<1x1x100000xf32, #tpu.memory_space<hbm>> -> memref<1x100000xf32, #tpu.memory_space<hbm>>
    tpu.wait_dma2 semaphore(%arg9 : memref<!tpu.dma_semaphore, #tpu.memory_space<semaphore_mem>>) src(%dma_wait3A_35 : memref<1x100000xf32, #tpu.memory_space<hbm>>) dst(%arg5 : memref<1x100000xf32, #tpu.memory_space<vmem>>)
    %scan3A_36 = arith.constant 0 : i32
    %scan3A_37 = arith.constant 0 : i32
    %scan3A_38 = arith.constant 512 : i32
    %scan3A_39 = arith.addi %scan3A_37, %scan3A_38 : i32
    %scan3A_40 = arith.constant 1 : i32
    scf.for %scan3A_602 = %scan3A_37 to %scan3A_39 step %scan3A_40  : i32 {
      %mul3A_603 = arith.constant 16 : i32
      %mul3A_604 = arith.muli %scan3A_602, %mul3A_603 : i32
      %get3A = arith.index_cast %mul3A_604 : i32 to index
      %get3A_605 = tpu.vector_load %arg6[%get3A] {strides = array<i32>} : memref<8192xi32, #tpu.memory_space<vmem>>, vector<16xi32>,
      %gather3A = tpu.vector_load_idx %arg5[%broadcast_in_dim3A_0, %get3A_605] : memref<1x100000xf32, #tpu.memory_space<vmem>>[vector<16xi32>, vector<16xi32>], vector<16xf32>,
      %get3A_606 = arith.constant 0 : i32
      %get3A_607 = arith.index_cast %get3A_606 : i32 to index
      %get3A_608 = arith.index_cast %mul3A_604 : i32 to index
      %get3A_609 = tpu.vector_load %arg7[%get3A_607, %get3A_608] {strides = array<i32>} : memref<1x8192xf32, #tpu.memory_space<vmem>>, vector<16xf32>,
      %add3A = arith.addf %get3A_609, %gather3A : vector<16xf32>
      %swap3A = arith.constant 0 : i32
      %swap3A_610 = arith.index_cast %swap3A : i32 to index
      %swap3A_611 = arith.index_cast %mul3A_604 : i32 to index
      %swap3A_612 = tpu.vector_load %arg7[%swap3A_610, %swap3A_611] {strides = array<i32>} : memref<1x8192xf32, #tpu.memory_space<vmem>>, vector<16xf32>,
      tpu.vector_store %arg7[%swap3A_610, %swap3A_611], %add3A {strides = array<i32>} : memref<1x8192xf32, #tpu.memory_space<vmem>>, vector<16xf32>,
      %get3A_613 = arith.index_cast %mul3A_604 : i32 to index
      %get3A_614 = tpu.vector_load %arg8[%get3A_613] {strides = array<i32>} : memref<8192xf32, #tpu.memory_space<vmem>>, vector<16xf32>,
      %mul3A_615 = arith.mulf %gather3A, %gather3A : vector<16xf32>
      %add3A_616 = arith.addf %get3A_614, %mul3A_615 : vector<16xf32>
      %swap3A_617 = arith.index_cast %mul3A_604 : i32 to index
      %swap3A_618 = tpu.vector_load %arg8[%swap3A_617] {strides = array<i32>} : memref<8192xf32, #tpu.memory_space<vmem>>, vector<16xf32>,
      tpu.vector_store %arg8[%swap3A_617], %add3A_616 {strides = array<i32>} : memref<8192xf32, #tpu.memory_space<vmem>>, vector<16xf32>,
    }
    %scan3A_41 = arith.constant 512 : i32
    %dma_start3A_42 = arith.constant 2 : i32
    %dma_start3A_43 = arith.constant 0 : i32
    %dma_start3A_44 = tpu.memref_slice %arg2[%dma_start3A_42, %arg1, %dma_start3A_43] : memref<26x16x100000xf32, #tpu.memory_space<hbm>> -> memref<1x1x100000xf32, #tpu.memory_space<hbm>>
    %dma_start3A_45 = tpu.memref_squeeze %dma_start3A_44 : memref<1x1x100000xf32, #tpu.memory_space<hbm>> -> memref<1x100000xf32, #tpu.memory_space<hbm>>
    %dma_start3A_46 = arith.constant 0 : i32
    %dma_start3A_47 = tpu.memref_slice %arg2[%dma_start3A_42, %arg1, %dma_start3A_46] : memref<26x16x100000xf32, #tpu.memory_space<hbm>> -> memref<1x1x100000xf32, #tpu.memory_space<hbm>>
    %dma_start3A_48 = tpu.memref_squeeze %dma_start3A_47 : memref<1x1x100000xf32, #tpu.memory_space<hbm>> -> memref<1x100000xf32, #tpu.memory_space<hbm>>
    tpu.enqueue_dma source(%dma_start3A_48 : memref<1x100000xf32, #tpu.memory_space<hbm>>) target(%arg5 : memref<1x100000xf32, #tpu.memory_space<vmem>>) target_semaphore(%arg9 : memref<!tpu.dma_semaphore, #tpu.memory_space<semaphore_mem>>)
    %mul3A_49 = arith.constant 8192 : i32
    %mul3A_50 = arith.muli %arg0, %mul3A_49 : i32
    %run_scoped3A_51 = arith.constant 2 : i32
    "tpu.region"() ({
      %run_scoped3A_602 = tpu.sem_alloc : memref<!tpu.dma_semaphore, #tpu.memory_space<semaphore_mem>>
      %dma_start3A_603 = tpu.memref_slice %arg3[%run_scoped3A_51, %mul3A_50] : memref<26x16384xi32, #tpu.memory_space<hbm>> -> memref<1x8192xi32, #tpu.memory_space<hbm>>
      %dma_start3A_604 = tpu.memref_squeeze %dma_start3A_603 : memref<1x8192xi32, #tpu.memory_space<hbm>> -> memref<8192xi32, #tpu.memory_space<hbm>>
      %dma_start3A_605 = tpu.memref_slice %arg3[%run_scoped3A_51, %mul3A_50] : memref<26x16384xi32, #tpu.memory_space<hbm>> -> memref<1x8192xi32, #tpu.memory_space<hbm>>
      %dma_start3A_606 = tpu.memref_squeeze %dma_start3A_605 : memref<1x8192xi32, #tpu.memory_space<hbm>> -> memref<8192xi32, #tpu.memory_space<hbm>>
      tpu.enqueue_dma source(%dma_start3A_606 : memref<8192xi32, #tpu.memory_space<hbm>>) target(%arg6 : memref<8192xi32, #tpu.memory_space<vmem>>) target_semaphore(%run_scoped3A_602 : memref<!tpu.dma_semaphore, #tpu.memory_space<semaphore_mem>>)
      %dma_wait3A_607 = tpu.memref_slice %arg3[%run_scoped3A_51, %mul3A_50] : memref<26x16384xi32, #tpu.memory_space<hbm>> -> memref<1x8192xi32, #tpu.memory_space<hbm>>
      %dma_wait3A_608 = tpu.memref_squeeze %dma_wait3A_607 : memref<1x8192xi32, #tpu.memory_space<hbm>> -> memref<8192xi32, #tpu.memory_space<hbm>>
      %dma_wait3A_609 = tpu.memref_slice %arg3[%run_scoped3A_51, %mul3A_50] : memref<26x16384xi32, #tpu.memory_space<hbm>> -> memref<1x8192xi32, #tpu.memory_space<hbm>>
      %dma_wait3A_610 = tpu.memref_squeeze %dma_wait3A_609 : memref<1x8192xi32, #tpu.memory_space<hbm>> -> memref<8192xi32, #tpu.memory_space<hbm>>
      tpu.wait_dma2 semaphore(%run_scoped3A_602 : memref<!tpu.dma_semaphore, #tpu.memory_space<semaphore_mem>>) src(%dma_wait3A_610 : memref<8192xi32, #tpu.memory_space<hbm>>) dst(%arg6 : memref<8192xi32, #tpu.memory_space<vmem>>)
      tpu.yield
    }) : () -> ()
    %dma_wait3A_52 = arith.constant 2 : i32
    %dma_wait3A_53 = arith.constant 0 : i32
    %dma_wait3A_54 = tpu.memref_slice %arg2[%dma_wait3A_52, %arg1, %dma_wait3A_53] : memref<26x16x100000xf32, #tpu.memory_space<hbm>> -> memref<1x1x100000xf32, #tpu.memory_space<hbm>>
    %dma_wait3A_55 = tpu.memref_squeeze %dma_wait3A_54 : memref<1x1x100000xf32, #tpu.memory_space<hbm>> -> memref<1x100000xf32, #tpu.memory_space<hbm>>
    %dma_wait3A_56 = arith.constant 0 : i32
    %dma_wait3A_57 = tpu.memref_slice %arg2[%dma_wait3A_52, %arg1, %dma_wait3A_56] : memref<26x16x100000xf32, #tpu.memory_space<hbm>> -> memref<1x1x100000xf32, #tpu.memory_space<hbm>>
    %dma_wait3A_58 = tpu.memref_squeeze %dma_wait3A_57 : memref<1x1x100000xf32, #tpu.memory_space<hbm>> -> memref<1x100000xf32, #tpu.memory_space<hbm>>
    tpu.wait_dma2 semaphore(%arg9 : memref<!tpu.dma_semaphore, #tpu.memory_space<semaphore_mem>>) src(%dma_wait3A_58 : memref<1x100000xf32, #tpu.memory_space<hbm>>) dst(%arg5 : memref<1x100000xf32, #tpu.memory_space<vmem>>)
    %scan3A_59 = arith.constant 0 : i32
    %scan3A_60 = arith.constant 0 : i32
    %scan3A_61 = arith.constant 512 : i32
    %scan3A_62 = arith.addi %scan3A_60, %scan3A_61 : i32
    %scan3A_63 = arith.constant 1 : i32
    scf.for %scan3A_602 = %scan3A_60 to %scan3A_62 step %scan3A_63  : i32 {
      %mul3A_603 = arith.constant 16 : i32
      %mul3A_604 = arith.muli %scan3A_602, %mul3A_603 : i32
      %get3A = arith.index_cast %mul3A_604 : i32 to index
      %get3A_605 = tpu.vector_load %arg6[%get3A] {strides = array<i32>} : memref<8192xi32, #tpu.memory_space<vmem>>, vector<16xi32>,
      %gather3A = tpu.vector_load_idx %arg5[%broadcast_in_dim3A_0, %get3A_605] : memref<1x100000xf32, #tpu.memory_space<vmem>>[vector<16xi32>, vector<16xi32>], vector<16xf32>,
      %get3A_606 = arith.constant 0 : i32
      %get3A_607 = arith.index_cast %get3A_606 : i32 to index
      %get3A_608 = arith.index_cast %mul3A_604 : i32 to index
      %get3A_609 = tpu.vector_load %arg7[%get3A_607, %get3A_608] {strides = array<i32>} : memref<1x8192xf32, #tpu.memory_space<vmem>>, vector<16xf32>,
      %add3A = arith.addf %get3A_609, %gather3A : vector<16xf32>
      %swap3A = arith.constant 0 : i32
      %swap3A_610 = arith.index_cast %swap3A : i32 to index
      %swap3A_611 = arith.index_cast %mul3A_604 : i32 to index
      %swap3A_612 = tpu.vector_load %arg7[%swap3A_610, %swap3A_611] {strides = array<i32>} : memref<1x8192xf32, #tpu.memory_space<vmem>>, vector<16xf32>,
      tpu.vector_store %arg7[%swap3A_610, %swap3A_611], %add3A {strides = array<i32>} : memref<1x8192xf32, #tpu.memory_space<vmem>>, vector<16xf32>,
      %get3A_613 = arith.index_cast %mul3A_604 : i32 to index
      %get3A_614 = tpu.vector_load %arg8[%get3A_613] {strides = array<i32>} : memref<8192xf32, #tpu.memory_space<vmem>>, vector<16xf32>,
      %mul3A_615 = arith.mulf %gather3A, %gather3A : vector<16xf32>
      %add3A_616 = arith.addf %get3A_614, %mul3A_615 : vector<16xf32>
      %swap3A_617 = arith.index_cast %mul3A_604 : i32 to index
      %swap3A_618 = tpu.vector_load %arg8[%swap3A_617] {strides = array<i32>} : memref<8192xf32, #tpu.memory_space<vmem>>, vector<16xf32>,
      tpu.vector_store %arg8[%swap3A_617], %add3A_616 {strides = array<i32>} : memref<8192xf32, #tpu.memory_space<vmem>>, vector<16xf32>,
    }
    %scan3A_64 = arith.constant 512 : i32
    %dma_start3A_65 = arith.constant 3 : i32
    %dma_start3A_66 = arith.constant 0 : i32
    %dma_start3A_67 = tpu.memref_slice %arg2[%dma_start3A_65, %arg1, %dma_start3A_66] : memref<26x16x100000xf32, #tpu.memory_space<hbm>> -> memref<1x1x100000xf32, #tpu.memory_space<hbm>>
    %dma_start3A_68 = tpu.memref_squeeze %dma_start3A_67 : memref<1x1x100000xf32, #tpu.memory_space<hbm>> -> memref<1x100000xf32, #tpu.memory_space<hbm>>
    %dma_start3A_69 = arith.constant 0 : i32
    %dma_start3A_70 = tpu.memref_slice %arg2[%dma_start3A_65, %arg1, %dma_start3A_69] : memref<26x16x100000xf32, #tpu.memory_space<hbm>> -> memref<1x1x100000xf32, #tpu.memory_space<hbm>>
    %dma_start3A_71 = tpu.memref_squeeze %dma_start3A_70 : memref<1x1x100000xf32, #tpu.memory_space<hbm>> -> memref<1x100000xf32, #tpu.memory_space<hbm>>
    tpu.enqueue_dma source(%dma_start3A_71 : memref<1x100000xf32, #tpu.memory_space<hbm>>) target(%arg5 : memref<1x100000xf32, #tpu.memory_space<vmem>>) target_semaphore(%arg9 : memref<!tpu.dma_semaphore, #tpu.memory_space<semaphore_mem>>)
    %mul3A_72 = arith.constant 8192 : i32
    %mul3A_73 = arith.muli %arg0, %mul3A_72 : i32
    %run_scoped3A_74 = arith.constant 3 : i32
    "tpu.region"() ({
      %run_scoped3A_602 = tpu.sem_alloc : memref<!tpu.dma_semaphore, #tpu.memory_space<semaphore_mem>>
      %dma_start3A_603 = tpu.memref_slice %arg3[%run_scoped3A_74, %mul3A_73] : memref<26x16384xi32, #tpu.memory_space<hbm>> -> memref<1x8192xi32, #tpu.memory_space<hbm>>
      %dma_start3A_604 = tpu.memref_squeeze %dma_start3A_603 : memref<1x8192xi32, #tpu.memory_space<hbm>> -> memref<8192xi32, #tpu.memory_space<hbm>>
      %dma_start3A_605 = tpu.memref_slice %arg3[%run_scoped3A_74, %mul3A_73] : memref<26x16384xi32, #tpu.memory_space<hbm>> -> memref<1x8192xi32, #tpu.memory_space<hbm>>
      %dma_start3A_606 = tpu.memref_squeeze %dma_start3A_605 : memref<1x8192xi32, #tpu.memory_space<hbm>> -> memref<8192xi32, #tpu.memory_space<hbm>>
      tpu.enqueue_dma source(%dma_start3A_606 : memref<8192xi32, #tpu.memory_space<hbm>>) target(%arg6 : memref<8192xi32, #tpu.memory_space<vmem>>) target_semaphore(%run_scoped3A_602 : memref<!tpu.dma_semaphore, #tpu.memory_space<semaphore_mem>>)
      %dma_wait3A_607 = tpu.memref_slice %arg3[%run_scoped3A_74, %mul3A_73] : memref<26x16384xi32, #tpu.memory_space<hbm>> -> memref<1x8192xi32, #tpu.memory_space<hbm>>
      %dma_wait3A_608 = tpu.memref_squeeze %dma_wait3A_607 : memref<1x8192xi32, #tpu.memory_space<hbm>> -> memref<8192xi32, #tpu.memory_space<hbm>>
      %dma_wait3A_609 = tpu.memref_slice %arg3[%run_scoped3A_74, %mul3A_73] : memref<26x16384xi32, #tpu.memory_space<hbm>> -> memref<1x8192xi32, #tpu.memory_space<hbm>>
      %dma_wait3A_610 = tpu.memref_squeeze %dma_wait3A_609 : memref<1x8192xi32, #tpu.memory_space<hbm>> -> memref<8192xi32, #tpu.memory_space<hbm>>
      tpu.wait_dma2 semaphore(%run_scoped3A_602 : memref<!tpu.dma_semaphore, #tpu.memory_space<semaphore_mem>>) src(%dma_wait3A_610 : memref<8192xi32, #tpu.memory_space<hbm>>) dst(%arg6 : memref<8192xi32, #tpu.memory_space<vmem>>)
      tpu.yield
    }) : () -> ()
    %dma_wait3A_75 = arith.constant 3 : i32
    %dma_wait3A_76 = arith.constant 0 : i32
    %dma_wait3A_77 = tpu.memref_slice %arg2[%dma_wait3A_75, %arg1, %dma_wait3A_76] : memref<26x16x100000xf32, #tpu.memory_space<hbm>> -> memref<1x1x100000xf32, #tpu.memory_space<hbm>>
    %dma_wait3A_78 = tpu.memref_squeeze %dma_wait3A_77 : memref<1x1x100000xf32, #tpu.memory_space<hbm>> -> memref<1x100000xf32, #tpu.memory_space<hbm>>
    %dma_wait3A_79 = arith.constant 0 : i32
    %dma_wait3A_80 = tpu.memref_slice %arg2[%dma_wait3A_75, %arg1, %dma_wait3A_79] : memref<26x16x100000xf32, #tpu.memory_space<hbm>> -> memref<1x1x100000xf32, #tpu.memory_space<hbm>>
    %dma_wait3A_81 = tpu.memref_squeeze %dma_wait3A_80 : memref<1x1x100000xf32, #tpu.memory_space<hbm>> -> memref<1x100000xf32, #tpu.memory_space<hbm>>
    tpu.wait_dma2 semaphore(%arg9 : memref<!tpu.dma_semaphore, #tpu.memory_space<semaphore_mem>>) src(%dma_wait3A_81 : memref<1x100000xf32, #tpu.memory_space<hbm>>) dst(%arg5 : memref<1x100000xf32, #tpu.memory_space<vmem>>)
    %scan3A_82 = arith.constant 0 : i32
    %scan3A_83 = arith.constant 0 : i32
    %scan3A_84 = arith.constant 512 : i32
    %scan3A_85 = arith.addi %scan3A_83, %scan3A_84 : i32
    %scan3A_86 = arith.constant 1 : i32
    scf.for %scan3A_602 = %scan3A_83 to %scan3A_85 step %scan3A_86  : i32 {
      %mul3A_603 = arith.constant 16 : i32
      %mul3A_604 = arith.muli %scan3A_602, %mul3A_603 : i32
      %get3A = arith.index_cast %mul3A_604 : i32 to index
      %get3A_605 = tpu.vector_load %arg6[%get3A] {strides = array<i32>} : memref<8192xi32, #tpu.memory_space<vmem>>, vector<16xi32>,
      %gather3A = tpu.vector_load_idx %arg5[%broadcast_in_dim3A_0, %get3A_605] : memref<1x100000xf32, #tpu.memory_space<vmem>>[vector<16xi32>, vector<16xi32>], vector<16xf32>,
      %get3A_606 = arith.constant 0 : i32
      %get3A_607 = arith.index_cast %get3A_606 : i32 to index
      %get3A_608 = arith.index_cast %mul3A_604 : i32 to index
      %get3A_609 = tpu.vector_load %arg7[%get3A_607, %get3A_608] {strides = array<i32>} : memref<1x8192xf32, #tpu.memory_space<vmem>>, vector<16xf32>,
      %add3A = arith.addf %get3A_609, %gather3A : vector<16xf32>
      %swap3A = arith.constant 0 : i32
      %swap3A_610 = arith.index_cast %swap3A : i32 to index
      %swap3A_611 = arith.index_cast %mul3A_604 : i32 to index
      %swap3A_612 = tpu.vector_load %arg7[%swap3A_610, %swap3A_611] {strides = array<i32>} : memref<1x8192xf32, #tpu.memory_space<vmem>>, vector<16xf32>,
      tpu.vector_store %arg7[%swap3A_610, %swap3A_611], %add3A {strides = array<i32>} : memref<1x8192xf32, #tpu.memory_space<vmem>>, vector<16xf32>,
      %get3A_613 = arith.index_cast %mul3A_604 : i32 to index
      %get3A_614 = tpu.vector_load %arg8[%get3A_613] {strides = array<i32>} : memref<8192xf32, #tpu.memory_space<vmem>>, vector<16xf32>,
      %mul3A_615 = arith.mulf %gather3A, %gather3A : vector<16xf32>
      %add3A_616 = arith.addf %get3A_614, %mul3A_615 : vector<16xf32>
      %swap3A_617 = arith.index_cast %mul3A_604 : i32 to index
      %swap3A_618 = tpu.vector_load %arg8[%swap3A_617] {strides = array<i32>} : memref<8192xf32, #tpu.memory_space<vmem>>, vector<16xf32>,
      tpu.vector_store %arg8[%swap3A_617], %add3A_616 {strides = array<i32>} : memref<8192xf32, #tpu.memory_space<vmem>>, vector<16xf32>,
    }
    %scan3A_87 = arith.constant 512 : i32
    %dma_start3A_88 = arith.constant 4 : i32
    %dma_start3A_89 = arith.constant 0 : i32
    %dma_start3A_90 = tpu.memref_slice %arg2[%dma_start3A_88, %arg1, %dma_start3A_89] : memref<26x16x100000xf32, #tpu.memory_space<hbm>> -> memref<1x1x100000xf32, #tpu.memory_space<hbm>>
    %dma_start3A_91 = tpu.memref_squeeze %dma_start3A_90 : memref<1x1x100000xf32, #tpu.memory_space<hbm>> -> memref<1x100000xf32, #tpu.memory_space<hbm>>
    %dma_start3A_92 = arith.constant 0 : i32
    %dma_start3A_93 = tpu.memref_slice %arg2[%dma_start3A_88, %arg1, %dma_start3A_92] : memref<26x16x100000xf32, #tpu.memory_space<hbm>> -> memref<1x1x100000xf32, #tpu.memory_space<hbm>>
    %dma_start3A_94 = tpu.memref_squeeze %dma_start3A_93 : memref<1x1x100000xf32, #tpu.memory_space<hbm>> -> memref<1x100000xf32, #tpu.memory_space<hbm>>
    tpu.enqueue_dma source(%dma_start3A_94 : memref<1x100000xf32, #tpu.memory_space<hbm>>) target(%arg5 : memref<1x100000xf32, #tpu.memory_space<vmem>>) target_semaphore(%arg9 : memref<!tpu.dma_semaphore, #tpu.memory_space<semaphore_mem>>)
    %mul3A_95 = arith.constant 8192 : i32
    %mul3A_96 = arith.muli %arg0, %mul3A_95 : i32
    %run_scoped3A_97 = arith.constant 4 : i32
    "tpu.region"() ({
      %run_scoped3A_602 = tpu.sem_alloc : memref<!tpu.dma_semaphore, #tpu.memory_space<semaphore_mem>>
      %dma_start3A_603 = tpu.memref_slice %arg3[%run_scoped3A_97, %mul3A_96] : memref<26x16384xi32, #tpu.memory_space<hbm>> -> memref<1x8192xi32, #tpu.memory_space<hbm>>
      %dma_start3A_604 = tpu.memref_squeeze %dma_start3A_603 : memref<1x8192xi32, #tpu.memory_space<hbm>> -> memref<8192xi32, #tpu.memory_space<hbm>>
      %dma_start3A_605 = tpu.memref_slice %arg3[%run_scoped3A_97, %mul3A_96] : memref<26x16384xi32, #tpu.memory_space<hbm>> -> memref<1x8192xi32, #tpu.memory_space<hbm>>
      %dma_start3A_606 = tpu.memref_squeeze %dma_start3A_605 : memref<1x8192xi32, #tpu.memory_space<hbm>> -> memref<8192xi32, #tpu.memory_space<hbm>>
      tpu.enqueue_dma source(%dma_start3A_606 : memref<8192xi32, #tpu.memory_space<hbm>>) target(%arg6 : memref<8192xi32, #tpu.memory_space<vmem>>) target_semaphore(%run_scoped3A_602 : memref<!tpu.dma_semaphore, #tpu.memory_space<semaphore_mem>>)
      %dma_wait3A_607 = tpu.memref_slice %arg3[%run_scoped3A_97, %mul3A_96] : memref<26x16384xi32, #tpu.memory_space<hbm>> -> memref<1x8192xi32, #tpu.memory_space<hbm>>
      %dma_wait3A_608 = tpu.memref_squeeze %dma_wait3A_607 : memref<1x8192xi32, #tpu.memory_space<hbm>> -> memref<8192xi32, #tpu.memory_space<hbm>>
      %dma_wait3A_609 = tpu.memref_slice %arg3[%run_scoped3A_97, %mul3A_96] : memref<26x16384xi32, #tpu.memory_space<hbm>> -> memref<1x8192xi32, #tpu.memory_space<hbm>>
      %dma_wait3A_610 = tpu.memref_squeeze %dma_wait3A_609 : memref<1x8192xi32, #tpu.memory_space<hbm>> -> memref<8192xi32, #tpu.memory_space<hbm>>
      tpu.wait_dma2 semaphore(%run_scoped3A_602 : memref<!tpu.dma_semaphore, #tpu.memory_space<semaphore_mem>>) src(%dma_wait3A_610 : memref<8192xi32, #tpu.memory_space<hbm>>) dst(%arg6 : memref<8192xi32, #tpu.memory_space<vmem>>)
      tpu.yield
    }) : () -> ()
    %dma_wait3A_98 = arith.constant 4 : i32
    %dma_wait3A_99 = arith.constant 0 : i32
    %dma_wait3A_100 = tpu.memref_slice %arg2[%dma_wait3A_98, %arg1, %dma_wait3A_99] : memref<26x16x100000xf32, #tpu.memory_space<hbm>> -> memref<1x1x100000xf32, #tpu.memory_space<hbm>>
    %dma_wait3A_101 = tpu.memref_squeeze %dma_wait3A_100 : memref<1x1x100000xf32, #tpu.memory_space<hbm>> -> memref<1x100000xf32, #tpu.memory_space<hbm>>
    %dma_wait3A_102 = arith.constant 0 : i32
    %dma_wait3A_103 = tpu.memref_slice %arg2[%dma_wait3A_98, %arg1, %dma_wait3A_102] : memref<26x16x100000xf32, #tpu.memory_space<hbm>> -> memref<1x1x100000xf32, #tpu.memory_space<hbm>>
    %dma_wait3A_104 = tpu.memref_squeeze %dma_wait3A_103 : memref<1x1x100000xf32, #tpu.memory_space<hbm>> -> memref<1x100000xf32, #tpu.memory_space<hbm>>
    tpu.wait_dma2 semaphore(%arg9 : memref<!tpu.dma_semaphore, #tpu.memory_space<semaphore_mem>>) src(%dma_wait3A_104 : memref<1x100000xf32, #tpu.memory_space<hbm>>) dst(%arg5 : memref<1x100000xf32, #tpu.memory_space<vmem>>)
    %scan3A_105 = arith.constant 0 : i32
    %scan3A_106 = arith.constant 0 : i32
    %scan3A_107 = arith.constant 512 : i32
    %scan3A_108 = arith.addi %scan3A_106, %scan3A_107 : i32
    %scan3A_109 = arith.constant 1 : i32
    scf.for %scan3A_602 = %scan3A_106 to %scan3A_108 step %scan3A_109  : i32 {
      %mul3A_603 = arith.constant 16 : i32
      %mul3A_604 = arith.muli %scan3A_602, %mul3A_603 : i32
      %get3A = arith.index_cast %mul3A_604 : i32 to index
      %get3A_605 = tpu.vector_load %arg6[%get3A] {strides = array<i32>} : memref<8192xi32, #tpu.memory_space<vmem>>, vector<16xi32>,
      %gather3A = tpu.vector_load_idx %arg5[%broadcast_in_dim3A_0, %get3A_605] : memref<1x100000xf32, #tpu.memory_space<vmem>>[vector<16xi32>, vector<16xi32>], vector<16xf32>,
      %get3A_606 = arith.constant 0 : i32
      %get3A_607 = arith.index_cast %get3A_606 : i32 to index
      %get3A_608 = arith.index_cast %mul3A_604 : i32 to index
      %get3A_609 = tpu.vector_load %arg7[%get3A_607, %get3A_608] {strides = array<i32>} : memref<1x8192xf32, #tpu.memory_space<vmem>>, vector<16xf32>,
      %add3A = arith.addf %get3A_609, %gather3A : vector<16xf32>
      %swap3A = arith.constant 0 : i32
      %swap3A_610 = arith.index_cast %swap3A : i32 to index
      %swap3A_611 = arith.index_cast %mul3A_604 : i32 to index
      %swap3A_612 = tpu.vector_load %arg7[%swap3A_610, %swap3A_611] {strides = array<i32>} : memref<1x8192xf32, #tpu.memory_space<vmem>>, vector<16xf32>,
      tpu.vector_store %arg7[%swap3A_610, %swap3A_611], %add3A {strides = array<i32>} : memref<1x8192xf32, #tpu.memory_space<vmem>>, vector<16xf32>,
      %get3A_613 = arith.index_cast %mul3A_604 : i32 to index
      %get3A_614 = tpu.vector_load %arg8[%get3A_613] {strides = array<i32>} : memref<8192xf32, #tpu.memory_space<vmem>>, vector<16xf32>,
      %mul3A_615 = arith.mulf %gather3A, %gather3A : vector<16xf32>
      %add3A_616 = arith.addf %get3A_614, %mul3A_615 : vector<16xf32>
      %swap3A_617 = arith.index_cast %mul3A_604 : i32 to index
      %swap3A_618 = tpu.vector_load %arg8[%swap3A_617] {strides = array<i32>} : memref<8192xf32, #tpu.memory_space<vmem>>, vector<16xf32>,
      tpu.vector_store %arg8[%swap3A_617], %add3A_616 {strides = array<i32>} : memref<8192xf32, #tpu.memory_space<vmem>>, vector<16xf32>,
    }
    %scan3A_110 = arith.constant 512 : i32
    %dma_start3A_111 = arith.constant 5 : i32
    %dma_start3A_112 = arith.constant 0 : i32
    %dma_start3A_113 = tpu.memref_slice %arg2[%dma_start3A_111, %arg1, %dma_start3A_112] : memref<26x16x100000xf32, #tpu.memory_space<hbm>> -> memref<1x1x100000xf32, #tpu.memory_space<hbm>>
    %dma_start3A_114 = tpu.memref_squeeze %dma_start3A_113 : memref<1x1x100000xf32, #tpu.memory_space<hbm>> -> memref<1x100000xf32, #tpu.memory_space<hbm>>
    %dma_start3A_115 = arith.constant 0 : i32
    %dma_start3A_116 = tpu.memref_slice %arg2[%dma_start3A_111, %arg1, %dma_start3A_115] : memref<26x16x100000xf32, #tpu.memory_space<hbm>> -> memref<1x1x100000xf32, #tpu.memory_space<hbm>>
    %dma_start3A_117 = tpu.memref_squeeze %dma_start3A_116 : memref<1x1x100000xf32, #tpu.memory_space<hbm>> -> memref<1x100000xf32, #tpu.memory_space<hbm>>
    tpu.enqueue_dma source(%dma_start3A_117 : memref<1x100000xf32, #tpu.memory_space<hbm>>) target(%arg5 : memref<1x100000xf32, #tpu.memory_space<vmem>>) target_semaphore(%arg9 : memref<!tpu.dma_semaphore, #tpu.memory_space<semaphore_mem>>)
    %mul3A_118 = arith.constant 8192 : i32
    %mul3A_119 = arith.muli %arg0, %mul3A_118 : i32
    %run_scoped3A_120 = arith.constant 5 : i32
    "tpu.region"() ({
      %run_scoped3A_602 = tpu.sem_alloc : memref<!tpu.dma_semaphore, #tpu.memory_space<semaphore_mem>>
      %dma_start3A_603 = tpu.memref_slice %arg3[%run_scoped3A_120, %mul3A_119] : memref<26x16384xi32, #tpu.memory_space<hbm>> -> memref<1x8192xi32, #tpu.memory_space<hbm>>
      %dma_start3A_604 = tpu.memref_squeeze %dma_start3A_603 : memref<1x8192xi32, #tpu.memory_space<hbm>> -> memref<8192xi32, #tpu.memory_space<hbm>>
      %dma_start3A_605 = tpu.memref_slice %arg3[%run_scoped3A_120, %mul3A_119] : memref<26x16384xi32, #tpu.memory_space<hbm>> -> memref<1x8192xi32, #tpu.memory_space<hbm>>
      %dma_start3A_606 = tpu.memref_squeeze %dma_start3A_605 : memref<1x8192xi32, #tpu.memory_space<hbm>> -> memref<8192xi32, #tpu.memory_space<hbm>>
      tpu.enqueue_dma source(%dma_start3A_606 : memref<8192xi32, #tpu.memory_space<hbm>>) target(%arg6 : memref<8192xi32, #tpu.memory_space<vmem>>) target_semaphore(%run_scoped3A_602 : memref<!tpu.dma_semaphore, #tpu.memory_space<semaphore_mem>>)
      %dma_wait3A_607 = tpu.memref_slice %arg3[%run_scoped3A_120, %mul3A_119] : memref<26x16384xi32, #tpu.memory_space<hbm>> -> memref<1x8192xi32, #tpu.memory_space<hbm>>
      %dma_wait3A_608 = tpu.memref_squeeze %dma_wait3A_607 : memref<1x8192xi32, #tpu.memory_space<hbm>> -> memref<8192xi32, #tpu.memory_space<hbm>>
      %dma_wait3A_609 = tpu.memref_slice %arg3[%run_scoped3A_120, %mul3A_119] : memref<26x16384xi32, #tpu.memory_space<hbm>> -> memref<1x8192xi32, #tpu.memory_space<hbm>>
      %dma_wait3A_610 = tpu.memref_squeeze %dma_wait3A_609 : memref<1x8192xi32, #tpu.memory_space<hbm>> -> memref<8192xi32, #tpu.memory_space<hbm>>
      tpu.wait_dma2 semaphore(%run_scoped3A_602 : memref<!tpu.dma_semaphore, #tpu.memory_space<semaphore_mem>>) src(%dma_wait3A_610 : memref<8192xi32, #tpu.memory_space<hbm>>) dst(%arg6 : memref<8192xi32, #tpu.memory_space<vmem>>)
      tpu.yield
    }) : () -> ()
    %dma_wait3A_121 = arith.constant 5 : i32
    %dma_wait3A_122 = arith.constant 0 : i32
    %dma_wait3A_123 = tpu.memref_slice %arg2[%dma_wait3A_121, %arg1, %dma_wait3A_122] : memref<26x16x100000xf32, #tpu.memory_space<hbm>> -> memref<1x1x100000xf32, #tpu.memory_space<hbm>>
    %dma_wait3A_124 = tpu.memref_squeeze %dma_wait3A_123 : memref<1x1x100000xf32, #tpu.memory_space<hbm>> -> memref<1x100000xf32, #tpu.memory_space<hbm>>
    %dma_wait3A_125 = arith.constant 0 : i32
    %dma_wait3A_126 = tpu.memref_slice %arg2[%dma_wait3A_121, %arg1, %dma_wait3A_125] : memref<26x16x100000xf32, #tpu.memory_space<hbm>> -> memref<1x1x100000xf32, #tpu.memory_space<hbm>>
    %dma_wait3A_127 = tpu.memref_squeeze %dma_wait3A_126 : memref<1x1x100000xf32, #tpu.memory_space<hbm>> -> memref<1x100000xf32, #tpu.memory_space<hbm>>
    tpu.wait_dma2 semaphore(%arg9 : memref<!tpu.dma_semaphore, #tpu.memory_space<semaphore_mem>>) src(%dma_wait3A_127 : memref<1x100000xf32, #tpu.memory_space<hbm>>) dst(%arg5 : memref<1x100000xf32, #tpu.memory_space<vmem>>)
    %scan3A_128 = arith.constant 0 : i32
    %scan3A_129 = arith.constant 0 : i32
    %scan3A_130 = arith.constant 512 : i32
    %scan3A_131 = arith.addi %scan3A_129, %scan3A_130 : i32
    %scan3A_132 = arith.constant 1 : i32
    scf.for %scan3A_602 = %scan3A_129 to %scan3A_131 step %scan3A_132  : i32 {
      %mul3A_603 = arith.constant 16 : i32
      %mul3A_604 = arith.muli %scan3A_602, %mul3A_603 : i32
      %get3A = arith.index_cast %mul3A_604 : i32 to index
      %get3A_605 = tpu.vector_load %arg6[%get3A] {strides = array<i32>} : memref<8192xi32, #tpu.memory_space<vmem>>, vector<16xi32>,
      %gather3A = tpu.vector_load_idx %arg5[%broadcast_in_dim3A_0, %get3A_605] : memref<1x100000xf32, #tpu.memory_space<vmem>>[vector<16xi32>, vector<16xi32>], vector<16xf32>,
      %get3A_606 = arith.constant 0 : i32
      %get3A_607 = arith.index_cast %get3A_606 : i32 to index
      %get3A_608 = arith.index_cast %mul3A_604 : i32 to index
      %get3A_609 = tpu.vector_load %arg7[%get3A_607, %get3A_608] {strides = array<i32>} : memref<1x8192xf32, #tpu.memory_space<vmem>>, vector<16xf32>,
      %add3A = arith.addf %get3A_609, %gather3A : vector<16xf32>
      %swap3A = arith.constant 0 : i32
      %swap3A_610 = arith.index_cast %swap3A : i32 to index
      %swap3A_611 = arith.index_cast %mul3A_604 : i32 to index
      %swap3A_612 = tpu.vector_load %arg7[%swap3A_610, %swap3A_611] {strides = array<i32>} : memref<1x8192xf32, #tpu.memory_space<vmem>>, vector<16xf32>,
      tpu.vector_store %arg7[%swap3A_610, %swap3A_611], %add3A {strides = array<i32>} : memref<1x8192xf32, #tpu.memory_space<vmem>>, vector<16xf32>,
      %get3A_613 = arith.index_cast %mul3A_604 : i32 to index
      %get3A_614 = tpu.vector_load %arg8[%get3A_613] {strides = array<i32>} : memref<8192xf32, #tpu.memory_space<vmem>>, vector<16xf32>,
      %mul3A_615 = arith.mulf %gather3A, %gather3A : vector<16xf32>
      %add3A_616 = arith.addf %get3A_614, %mul3A_615 : vector<16xf32>
      %swap3A_617 = arith.index_cast %mul3A_604 : i32 to index
      %swap3A_618 = tpu.vector_load %arg8[%swap3A_617] {strides = array<i32>} : memref<8192xf32, #tpu.memory_space<vmem>>, vector<16xf32>,
      tpu.vector_store %arg8[%swap3A_617], %add3A_616 {strides = array<i32>} : memref<8192xf32, #tpu.memory_space<vmem>>, vector<16xf32>,
    }
    %scan3A_133 = arith.constant 512 : i32
    %dma_start3A_134 = arith.constant 6 : i32
    %dma_start3A_135 = arith.constant 0 : i32
    %dma_start3A_136 = tpu.memref_slice %arg2[%dma_start3A_134, %arg1, %dma_start3A_135] : memref<26x16x100000xf32, #tpu.memory_space<hbm>> -> memref<1x1x100000xf32, #tpu.memory_space<hbm>>
    %dma_start3A_137 = tpu.memref_squeeze %dma_start3A_136 : memref<1x1x100000xf32, #tpu.memory_space<hbm>> -> memref<1x100000xf32, #tpu.memory_space<hbm>>
    %dma_start3A_138 = arith.constant 0 : i32
    %dma_start3A_139 = tpu.memref_slice %arg2[%dma_start3A_134, %arg1, %dma_start3A_138] : memref<26x16x100000xf32, #tpu.memory_space<hbm>> -> memref<1x1x100000xf32, #tpu.memory_space<hbm>>
    %dma_start3A_140 = tpu.memref_squeeze %dma_start3A_139 : memref<1x1x100000xf32, #tpu.memory_space<hbm>> -> memref<1x100000xf32, #tpu.memory_space<hbm>>
    tpu.enqueue_dma source(%dma_start3A_140 : memref<1x100000xf32, #tpu.memory_space<hbm>>) target(%arg5 : memref<1x100000xf32, #tpu.memory_space<vmem>>) target_semaphore(%arg9 : memref<!tpu.dma_semaphore, #tpu.memory_space<semaphore_mem>>)
    %mul3A_141 = arith.constant 8192 : i32
    %mul3A_142 = arith.muli %arg0, %mul3A_141 : i32
    %run_scoped3A_143 = arith.constant 6 : i32
    "tpu.region"() ({
      %run_scoped3A_602 = tpu.sem_alloc : memref<!tpu.dma_semaphore, #tpu.memory_space<semaphore_mem>>
      %dma_start3A_603 = tpu.memref_slice %arg3[%run_scoped3A_143, %mul3A_142] : memref<26x16384xi32, #tpu.memory_space<hbm>> -> memref<1x8192xi32, #tpu.memory_space<hbm>>
      %dma_start3A_604 = tpu.memref_squeeze %dma_start3A_603 : memref<1x8192xi32, #tpu.memory_space<hbm>> -> memref<8192xi32, #tpu.memory_space<hbm>>
      %dma_start3A_605 = tpu.memref_slice %arg3[%run_scoped3A_143, %mul3A_142] : memref<26x16384xi32, #tpu.memory_space<hbm>> -> memref<1x8192xi32, #tpu.memory_space<hbm>>
      %dma_start3A_606 = tpu.memref_squeeze %dma_start3A_605 : memref<1x8192xi32, #tpu.memory_space<hbm>> -> memref<8192xi32, #tpu.memory_space<hbm>>
      tpu.enqueue_dma source(%dma_start3A_606 : memref<8192xi32, #tpu.memory_space<hbm>>) target(%arg6 : memref<8192xi32, #tpu.memory_space<vmem>>) target_semaphore(%run_scoped3A_602 : memref<!tpu.dma_semaphore, #tpu.memory_space<semaphore_mem>>)
      %dma_wait3A_607 = tpu.memref_slice %arg3[%run_scoped3A_143, %mul3A_142] : memref<26x16384xi32, #tpu.memory_space<hbm>> -> memref<1x8192xi32, #tpu.memory_space<hbm>>
      %dma_wait3A_608 = tpu.memref_squeeze %dma_wait3A_607 : memref<1x8192xi32, #tpu.memory_space<hbm>> -> memref<8192xi32, #tpu.memory_space<hbm>>
      %dma_wait3A_609 = tpu.memref_slice %arg3[%run_scoped3A_143, %mul3A_142] : memref<26x16384xi32, #tpu.memory_space<hbm>> -> memref<1x8192xi32, #tpu.memory_space<hbm>>
      %dma_wait3A_610 = tpu.memref_squeeze %dma_wait3A_609 : memref<1x8192xi32, #tpu.memory_space<hbm>> -> memref<8192xi32, #tpu.memory_space<hbm>>
      tpu.wait_dma2 semaphore(%run_scoped3A_602 : memref<!tpu.dma_semaphore, #tpu.memory_space<semaphore_mem>>) src(%dma_wait3A_610 : memref<8192xi32, #tpu.memory_space<hbm>>) dst(%arg6 : memref<8192xi32, #tpu.memory_space<vmem>>)
      tpu.yield
    }) : () -> ()
    %dma_wait3A_144 = arith.constant 6 : i32
    %dma_wait3A_145 = arith.constant 0 : i32
    %dma_wait3A_146 = tpu.memref_slice %arg2[%dma_wait3A_144, %arg1, %dma_wait3A_145] : memref<26x16x100000xf32, #tpu.memory_space<hbm>> -> memref<1x1x100000xf32, #tpu.memory_space<hbm>>
    %dma_wait3A_147 = tpu.memref_squeeze %dma_wait3A_146 : memref<1x1x100000xf32, #tpu.memory_space<hbm>> -> memref<1x100000xf32, #tpu.memory_space<hbm>>
    %dma_wait3A_148 = arith.constant 0 : i32
    %dma_wait3A_149 = tpu.memref_slice %arg2[%dma_wait3A_144, %arg1, %dma_wait3A_148] : memref<26x16x100000xf32, #tpu.memory_space<hbm>> -> memref<1x1x100000xf32, #tpu.memory_space<hbm>>
    %dma_wait3A_150 = tpu.memref_squeeze %dma_wait3A_149 : memref<1x1x100000xf32, #tpu.memory_space<hbm>> -> memref<1x100000xf32, #tpu.memory_space<hbm>>
    tpu.wait_dma2 semaphore(%arg9 : memref<!tpu.dma_semaphore, #tpu.memory_space<semaphore_mem>>) src(%dma_wait3A_150 : memref<1x100000xf32, #tpu.memory_space<hbm>>) dst(%arg5 : memref<1x100000xf32, #tpu.memory_space<vmem>>)
    %scan3A_151 = arith.constant 0 : i32
    %scan3A_152 = arith.constant 0 : i32
    %scan3A_153 = arith.constant 512 : i32
    %scan3A_154 = arith.addi %scan3A_152, %scan3A_153 : i32
    %scan3A_155 = arith.constant 1 : i32
    scf.for %scan3A_602 = %scan3A_152 to %scan3A_154 step %scan3A_155  : i32 {
      %mul3A_603 = arith.constant 16 : i32
      %mul3A_604 = arith.muli %scan3A_602, %mul3A_603 : i32
      %get3A = arith.index_cast %mul3A_604 : i32 to index
      %get3A_605 = tpu.vector_load %arg6[%get3A] {strides = array<i32>} : memref<8192xi32, #tpu.memory_space<vmem>>, vector<16xi32>,
      %gather3A = tpu.vector_load_idx %arg5[%broadcast_in_dim3A_0, %get3A_605] : memref<1x100000xf32, #tpu.memory_space<vmem>>[vector<16xi32>, vector<16xi32>], vector<16xf32>,
      %get3A_606 = arith.constant 0 : i32
      %get3A_607 = arith.index_cast %get3A_606 : i32 to index
      %get3A_608 = arith.index_cast %mul3A_604 : i32 to index
      %get3A_609 = tpu.vector_load %arg7[%get3A_607, %get3A_608] {strides = array<i32>} : memref<1x8192xf32, #tpu.memory_space<vmem>>, vector<16xf32>,
      %add3A = arith.addf %get3A_609, %gather3A : vector<16xf32>
      %swap3A = arith.constant 0 : i32
      %swap3A_610 = arith.index_cast %swap3A : i32 to index
      %swap3A_611 = arith.index_cast %mul3A_604 : i32 to index
      %swap3A_612 = tpu.vector_load %arg7[%swap3A_610, %swap3A_611] {strides = array<i32>} : memref<1x8192xf32, #tpu.memory_space<vmem>>, vector<16xf32>,
      tpu.vector_store %arg7[%swap3A_610, %swap3A_611], %add3A {strides = array<i32>} : memref<1x8192xf32, #tpu.memory_space<vmem>>, vector<16xf32>,
      %get3A_613 = arith.index_cast %mul3A_604 : i32 to index
      %get3A_614 = tpu.vector_load %arg8[%get3A_613] {strides = array<i32>} : memref<8192xf32, #tpu.memory_space<vmem>>, vector<16xf32>,
      %mul3A_615 = arith.mulf %gather3A, %gather3A : vector<16xf32>
      %add3A_616 = arith.addf %get3A_614, %mul3A_615 : vector<16xf32>
      %swap3A_617 = arith.index_cast %mul3A_604 : i32 to index
      %swap3A_618 = tpu.vector_load %arg8[%swap3A_617] {strides = array<i32>} : memref<8192xf32, #tpu.memory_space<vmem>>, vector<16xf32>,
      tpu.vector_store %arg8[%swap3A_617], %add3A_616 {strides = array<i32>} : memref<8192xf32, #tpu.memory_space<vmem>>, vector<16xf32>,
    }
    %scan3A_156 = arith.constant 512 : i32
    %dma_start3A_157 = arith.constant 7 : i32
    %dma_start3A_158 = arith.constant 0 : i32
    %dma_start3A_159 = tpu.memref_slice %arg2[%dma_start3A_157, %arg1, %dma_start3A_158] : memref<26x16x100000xf32, #tpu.memory_space<hbm>> -> memref<1x1x100000xf32, #tpu.memory_space<hbm>>
    %dma_start3A_160 = tpu.memref_squeeze %dma_start3A_159 : memref<1x1x100000xf32, #tpu.memory_space<hbm>> -> memref<1x100000xf32, #tpu.memory_space<hbm>>
    %dma_start3A_161 = arith.constant 0 : i32
    %dma_start3A_162 = tpu.memref_slice %arg2[%dma_start3A_157, %arg1, %dma_start3A_161] : memref<26x16x100000xf32, #tpu.memory_space<hbm>> -> memref<1x1x100000xf32, #tpu.memory_space<hbm>>
    %dma_start3A_163 = tpu.memref_squeeze %dma_start3A_162 : memref<1x1x100000xf32, #tpu.memory_space<hbm>> -> memref<1x100000xf32, #tpu.memory_space<hbm>>
    tpu.enqueue_dma source(%dma_start3A_163 : memref<1x100000xf32, #tpu.memory_space<hbm>>) target(%arg5 : memref<1x100000xf32, #tpu.memory_space<vmem>>) target_semaphore(%arg9 : memref<!tpu.dma_semaphore, #tpu.memory_space<semaphore_mem>>)
    %mul3A_164 = arith.constant 8192 : i32
    %mul3A_165 = arith.muli %arg0, %mul3A_164 : i32
    %run_scoped3A_166 = arith.constant 7 : i32
    "tpu.region"() ({
      %run_scoped3A_602 = tpu.sem_alloc : memref<!tpu.dma_semaphore, #tpu.memory_space<semaphore_mem>>
      %dma_start3A_603 = tpu.memref_slice %arg3[%run_scoped3A_166, %mul3A_165] : memref<26x16384xi32, #tpu.memory_space<hbm>> -> memref<1x8192xi32, #tpu.memory_space<hbm>>
      %dma_start3A_604 = tpu.memref_squeeze %dma_start3A_603 : memref<1x8192xi32, #tpu.memory_space<hbm>> -> memref<8192xi32, #tpu.memory_space<hbm>>
      %dma_start3A_605 = tpu.memref_slice %arg3[%run_scoped3A_166, %mul3A_165] : memref<26x16384xi32, #tpu.memory_space<hbm>> -> memref<1x8192xi32, #tpu.memory_space<hbm>>
      %dma_start3A_606 = tpu.memref_squeeze %dma_start3A_605 : memref<1x8192xi32, #tpu.memory_space<hbm>> -> memref<8192xi32, #tpu.memory_space<hbm>>
      tpu.enqueue_dma source(%dma_start3A_606 : memref<8192xi32, #tpu.memory_space<hbm>>) target(%arg6 : memref<8192xi32, #tpu.memory_space<vmem>>) target_semaphore(%run_scoped3A_602 : memref<!tpu.dma_semaphore, #tpu.memory_space<semaphore_mem>>)
      %dma_wait3A_607 = tpu.memref_slice %arg3[%run_scoped3A_166, %mul3A_165] : memref<26x16384xi32, #tpu.memory_space<hbm>> -> memref<1x8192xi32, #tpu.memory_space<hbm>>
      %dma_wait3A_608 = tpu.memref_squeeze %dma_wait3A_607 : memref<1x8192xi32, #tpu.memory_space<hbm>> -> memref<8192xi32, #tpu.memory_space<hbm>>
      %dma_wait3A_609 = tpu.memref_slice %arg3[%run_scoped3A_166, %mul3A_165] : memref<26x16384xi32, #tpu.memory_space<hbm>> -> memref<1x8192xi32, #tpu.memory_space<hbm>>
      %dma_wait3A_610 = tpu.memref_squeeze %dma_wait3A_609 : memref<1x8192xi32, #tpu.memory_space<hbm>> -> memref<8192xi32, #tpu.memory_space<hbm>>
      tpu.wait_dma2 semaphore(%run_scoped3A_602 : memref<!tpu.dma_semaphore, #tpu.memory_space<semaphore_mem>>) src(%dma_wait3A_610 : memref<8192xi32, #tpu.memory_space<hbm>>) dst(%arg6 : memref<8192xi32, #tpu.memory_space<vmem>>)
      tpu.yield
    }) : () -> ()
    %dma_wait3A_167 = arith.constant 7 : i32
    %dma_wait3A_168 = arith.constant 0 : i32
    %dma_wait3A_169 = tpu.memref_slice %arg2[%dma_wait3A_167, %arg1, %dma_wait3A_168] : memref<26x16x100000xf32, #tpu.memory_space<hbm>> -> memref<1x1x100000xf32, #tpu.memory_space<hbm>>
    %dma_wait3A_170 = tpu.memref_squeeze %dma_wait3A_169 : memref<1x1x100000xf32, #tpu.memory_space<hbm>> -> memref<1x100000xf32, #tpu.memory_space<hbm>>
    %dma_wait3A_171 = arith.constant 0 : i32
    %dma_wait3A_172 = tpu.memref_slice %arg2[%dma_wait3A_167, %arg1, %dma_wait3A_171] : memref<26x16x100000xf32, #tpu.memory_space<hbm>> -> memref<1x1x100000xf32, #tpu.memory_space<hbm>>
    %dma_wait3A_173 = tpu.memref_squeeze %dma_wait3A_172 : memref<1x1x100000xf32, #tpu.memory_space<hbm>> -> memref<1x100000xf32, #tpu.memory_space<hbm>>
    tpu.wait_dma2 semaphore(%arg9 : memref<!tpu.dma_semaphore, #tpu.memory_space<semaphore_mem>>) src(%dma_wait3A_173 : memref<1x100000xf32, #tpu.memory_space<hbm>>) dst(%arg5 : memref<1x100000xf32, #tpu.memory_space<vmem>>)
    %scan3A_174 = arith.constant 0 : i32
    %scan3A_175 = arith.constant 0 : i32
    %scan3A_176 = arith.constant 512 : i32
    %scan3A_177 = arith.addi %scan3A_175, %scan3A_176 : i32
    %scan3A_178 = arith.constant 1 : i32
    scf.for %scan3A_602 = %scan3A_175 to %scan3A_177 step %scan3A_178  : i32 {
      %mul3A_603 = arith.constant 16 : i32
      %mul3A_604 = arith.muli %scan3A_602, %mul3A_603 : i32
      %get3A = arith.index_cast %mul3A_604 : i32 to index
      %get3A_605 = tpu.vector_load %arg6[%get3A] {strides = array<i32>} : memref<8192xi32, #tpu.memory_space<vmem>>, vector<16xi32>,
      %gather3A = tpu.vector_load_idx %arg5[%broadcast_in_dim3A_0, %get3A_605] : memref<1x100000xf32, #tpu.memory_space<vmem>>[vector<16xi32>, vector<16xi32>], vector<16xf32>,
      %get3A_606 = arith.constant 0 : i32
      %get3A_607 = arith.index_cast %get3A_606 : i32 to index
      %get3A_608 = arith.index_cast %mul3A_604 : i32 to index
      %get3A_609 = tpu.vector_load %arg7[%get3A_607, %get3A_608] {strides = array<i32>} : memref<1x8192xf32, #tpu.memory_space<vmem>>, vector<16xf32>,
      %add3A = arith.addf %get3A_609, %gather3A : vector<16xf32>
      %swap3A = arith.constant 0 : i32
      %swap3A_610 = arith.index_cast %swap3A : i32 to index
      %swap3A_611 = arith.index_cast %mul3A_604 : i32 to index
      %swap3A_612 = tpu.vector_load %arg7[%swap3A_610, %swap3A_611] {strides = array<i32>} : memref<1x8192xf32, #tpu.memory_space<vmem>>, vector<16xf32>,
      tpu.vector_store %arg7[%swap3A_610, %swap3A_611], %add3A {strides = array<i32>} : memref<1x8192xf32, #tpu.memory_space<vmem>>, vector<16xf32>,
      %get3A_613 = arith.index_cast %mul3A_604 : i32 to index
      %get3A_614 = tpu.vector_load %arg8[%get3A_613] {strides = array<i32>} : memref<8192xf32, #tpu.memory_space<vmem>>, vector<16xf32>,
      %mul3A_615 = arith.mulf %gather3A, %gather3A : vector<16xf32>
      %add3A_616 = arith.addf %get3A_614, %mul3A_615 : vector<16xf32>
      %swap3A_617 = arith.index_cast %mul3A_604 : i32 to index
      %swap3A_618 = tpu.vector_load %arg8[%swap3A_617] {strides = array<i32>} : memref<8192xf32, #tpu.memory_space<vmem>>, vector<16xf32>,
      tpu.vector_store %arg8[%swap3A_617], %add3A_616 {strides = array<i32>} : memref<8192xf32, #tpu.memory_space<vmem>>, vector<16xf32>,
    }
    %scan3A_179 = arith.constant 512 : i32
    %dma_start3A_180 = arith.constant 8 : i32
    %dma_start3A_181 = arith.constant 0 : i32
    %dma_start3A_182 = tpu.memref_slice %arg2[%dma_start3A_180, %arg1, %dma_start3A_181] : memref<26x16x100000xf32, #tpu.memory_space<hbm>> -> memref<1x1x100000xf32, #tpu.memory_space<hbm>>
    %dma_start3A_183 = tpu.memref_squeeze %dma_start3A_182 : memref<1x1x100000xf32, #tpu.memory_space<hbm>> -> memref<1x100000xf32, #tpu.memory_space<hbm>>
    %dma_start3A_184 = arith.constant 0 : i32
    %dma_start3A_185 = tpu.memref_slice %arg2[%dma_start3A_180, %arg1, %dma_start3A_184] : memref<26x16x100000xf32, #tpu.memory_space<hbm>> -> memref<1x1x100000xf32, #tpu.memory_space<hbm>>
    %dma_start3A_186 = tpu.memref_squeeze %dma_start3A_185 : memref<1x1x100000xf32, #tpu.memory_space<hbm>> -> memref<1x100000xf32, #tpu.memory_space<hbm>>
    tpu.enqueue_dma source(%dma_start3A_186 : memref<1x100000xf32, #tpu.memory_space<hbm>>) target(%arg5 : memref<1x100000xf32, #tpu.memory_space<vmem>>) target_semaphore(%arg9 : memref<!tpu.dma_semaphore, #tpu.memory_space<semaphore_mem>>)
    %mul3A_187 = arith.constant 8192 : i32
    %mul3A_188 = arith.muli %arg0, %mul3A_187 : i32
    %run_scoped3A_189 = arith.constant 8 : i32
    "tpu.region"() ({
      %run_scoped3A_602 = tpu.sem_alloc : memref<!tpu.dma_semaphore, #tpu.memory_space<semaphore_mem>>
      %dma_start3A_603 = tpu.memref_slice %arg3[%run_scoped3A_189, %mul3A_188] : memref<26x16384xi32, #tpu.memory_space<hbm>> -> memref<1x8192xi32, #tpu.memory_space<hbm>>
      %dma_start3A_604 = tpu.memref_squeeze %dma_start3A_603 : memref<1x8192xi32, #tpu.memory_space<hbm>> -> memref<8192xi32, #tpu.memory_space<hbm>>
      %dma_start3A_605 = tpu.memref_slice %arg3[%run_scoped3A_189, %mul3A_188] : memref<26x16384xi32, #tpu.memory_space<hbm>> -> memref<1x8192xi32, #tpu.memory_space<hbm>>
      %dma_start3A_606 = tpu.memref_squeeze %dma_start3A_605 : memref<1x8192xi32, #tpu.memory_space<hbm>> -> memref<8192xi32, #tpu.memory_space<hbm>>
      tpu.enqueue_dma source(%dma_start3A_606 : memref<8192xi32, #tpu.memory_space<hbm>>) target(%arg6 : memref<8192xi32, #tpu.memory_space<vmem>>) target_semaphore(%run_scoped3A_602 : memref<!tpu.dma_semaphore, #tpu.memory_space<semaphore_mem>>)
      %dma_wait3A_607 = tpu.memref_slice %arg3[%run_scoped3A_189, %mul3A_188] : memref<26x16384xi32, #tpu.memory_space<hbm>> -> memref<1x8192xi32, #tpu.memory_space<hbm>>
      %dma_wait3A_608 = tpu.memref_squeeze %dma_wait3A_607 : memref<1x8192xi32, #tpu.memory_space<hbm>> -> memref<8192xi32, #tpu.memory_space<hbm>>
      %dma_wait3A_609 = tpu.memref_slice %arg3[%run_scoped3A_189, %mul3A_188] : memref<26x16384xi32, #tpu.memory_space<hbm>> -> memref<1x8192xi32, #tpu.memory_space<hbm>>
      %dma_wait3A_610 = tpu.memref_squeeze %dma_wait3A_609 : memref<1x8192xi32, #tpu.memory_space<hbm>> -> memref<8192xi32, #tpu.memory_space<hbm>>
      tpu.wait_dma2 semaphore(%run_scoped3A_602 : memref<!tpu.dma_semaphore, #tpu.memory_space<semaphore_mem>>) src(%dma_wait3A_610 : memref<8192xi32, #tpu.memory_space<hbm>>) dst(%arg6 : memref<8192xi32, #tpu.memory_space<vmem>>)
      tpu.yield
    }) : () -> ()
    %dma_wait3A_190 = arith.constant 8 : i32
    %dma_wait3A_191 = arith.constant 0 : i32
    %dma_wait3A_192 = tpu.memref_slice %arg2[%dma_wait3A_190, %arg1, %dma_wait3A_191] : memref<26x16x100000xf32, #tpu.memory_space<hbm>> -> memref<1x1x100000xf32, #tpu.memory_space<hbm>>
    %dma_wait3A_193 = tpu.memref_squeeze %dma_wait3A_192 : memref<1x1x100000xf32, #tpu.memory_space<hbm>> -> memref<1x100000xf32, #tpu.memory_space<hbm>>
    %dma_wait3A_194 = arith.constant 0 : i32
    %dma_wait3A_195 = tpu.memref_slice %arg2[%dma_wait3A_190, %arg1, %dma_wait3A_194] : memref<26x16x100000xf32, #tpu.memory_space<hbm>> -> memref<1x1x100000xf32, #tpu.memory_space<hbm>>
    %dma_wait3A_196 = tpu.memref_squeeze %dma_wait3A_195 : memref<1x1x100000xf32, #tpu.memory_space<hbm>> -> memref<1x100000xf32, #tpu.memory_space<hbm>>
    tpu.wait_dma2 semaphore(%arg9 : memref<!tpu.dma_semaphore, #tpu.memory_space<semaphore_mem>>) src(%dma_wait3A_196 : memref<1x100000xf32, #tpu.memory_space<hbm>>) dst(%arg5 : memref<1x100000xf32, #tpu.memory_space<vmem>>)
    %scan3A_197 = arith.constant 0 : i32
    %scan3A_198 = arith.constant 0 : i32
    %scan3A_199 = arith.constant 512 : i32
    %scan3A_200 = arith.addi %scan3A_198, %scan3A_199 : i32
    %scan3A_201 = arith.constant 1 : i32
    scf.for %scan3A_602 = %scan3A_198 to %scan3A_200 step %scan3A_201  : i32 {
      %mul3A_603 = arith.constant 16 : i32
      %mul3A_604 = arith.muli %scan3A_602, %mul3A_603 : i32
      %get3A = arith.index_cast %mul3A_604 : i32 to index
      %get3A_605 = tpu.vector_load %arg6[%get3A] {strides = array<i32>} : memref<8192xi32, #tpu.memory_space<vmem>>, vector<16xi32>,
      %gather3A = tpu.vector_load_idx %arg5[%broadcast_in_dim3A_0, %get3A_605] : memref<1x100000xf32, #tpu.memory_space<vmem>>[vector<16xi32>, vector<16xi32>], vector<16xf32>,
      %get3A_606 = arith.constant 0 : i32
      %get3A_607 = arith.index_cast %get3A_606 : i32 to index
      %get3A_608 = arith.index_cast %mul3A_604 : i32 to index
      %get3A_609 = tpu.vector_load %arg7[%get3A_607, %get3A_608] {strides = array<i32>} : memref<1x8192xf32, #tpu.memory_space<vmem>>, vector<16xf32>,
      %add3A = arith.addf %get3A_609, %gather3A : vector<16xf32>
      %swap3A = arith.constant 0 : i32
      %swap3A_610 = arith.index_cast %swap3A : i32 to index
      %swap3A_611 = arith.index_cast %mul3A_604 : i32 to index
      %swap3A_612 = tpu.vector_load %arg7[%swap3A_610, %swap3A_611] {strides = array<i32>} : memref<1x8192xf32, #tpu.memory_space<vmem>>, vector<16xf32>,
      tpu.vector_store %arg7[%swap3A_610, %swap3A_611], %add3A {strides = array<i32>} : memref<1x8192xf32, #tpu.memory_space<vmem>>, vector<16xf32>,
      %get3A_613 = arith.index_cast %mul3A_604 : i32 to index
      %get3A_614 = tpu.vector_load %arg8[%get3A_613] {strides = array<i32>} : memref<8192xf32, #tpu.memory_space<vmem>>, vector<16xf32>,
      %mul3A_615 = arith.mulf %gather3A, %gather3A : vector<16xf32>
      %add3A_616 = arith.addf %get3A_614, %mul3A_615 : vector<16xf32>
      %swap3A_617 = arith.index_cast %mul3A_604 : i32 to index
      %swap3A_618 = tpu.vector_load %arg8[%swap3A_617] {strides = array<i32>} : memref<8192xf32, #tpu.memory_space<vmem>>, vector<16xf32>,
      tpu.vector_store %arg8[%swap3A_617], %add3A_616 {strides = array<i32>} : memref<8192xf32, #tpu.memory_space<vmem>>, vector<16xf32>,
    }
    %scan3A_202 = arith.constant 512 : i32
    %dma_start3A_203 = arith.constant 9 : i32
    %dma_start3A_204 = arith.constant 0 : i32
    %dma_start3A_205 = tpu.memref_slice %arg2[%dma_start3A_203, %arg1, %dma_start3A_204] : memref<26x16x100000xf32, #tpu.memory_space<hbm>> -> memref<1x1x100000xf32, #tpu.memory_space<hbm>>
    %dma_start3A_206 = tpu.memref_squeeze %dma_start3A_205 : memref<1x1x100000xf32, #tpu.memory_space<hbm>> -> memref<1x100000xf32, #tpu.memory_space<hbm>>
    %dma_start3A_207 = arith.constant 0 : i32
    %dma_start3A_208 = tpu.memref_slice %arg2[%dma_start3A_203, %arg1, %dma_start3A_207] : memref<26x16x100000xf32, #tpu.memory_space<hbm>> -> memref<1x1x100000xf32, #tpu.memory_space<hbm>>
    %dma_start3A_209 = tpu.memref_squeeze %dma_start3A_208 : memref<1x1x100000xf32, #tpu.memory_space<hbm>> -> memref<1x100000xf32, #tpu.memory_space<hbm>>
    tpu.enqueue_dma source(%dma_start3A_209 : memref<1x100000xf32, #tpu.memory_space<hbm>>) target(%arg5 : memref<1x100000xf32, #tpu.memory_space<vmem>>) target_semaphore(%arg9 : memref<!tpu.dma_semaphore, #tpu.memory_space<semaphore_mem>>)
    %mul3A_210 = arith.constant 8192 : i32
    %mul3A_211 = arith.muli %arg0, %mul3A_210 : i32
    %run_scoped3A_212 = arith.constant 9 : i32
    "tpu.region"() ({
      %run_scoped3A_602 = tpu.sem_alloc : memref<!tpu.dma_semaphore, #tpu.memory_space<semaphore_mem>>
      %dma_start3A_603 = tpu.memref_slice %arg3[%run_scoped3A_212, %mul3A_211] : memref<26x16384xi32, #tpu.memory_space<hbm>> -> memref<1x8192xi32, #tpu.memory_space<hbm>>
      %dma_start3A_604 = tpu.memref_squeeze %dma_start3A_603 : memref<1x8192xi32, #tpu.memory_space<hbm>> -> memref<8192xi32, #tpu.memory_space<hbm>>
      %dma_start3A_605 = tpu.memref_slice %arg3[%run_scoped3A_212, %mul3A_211] : memref<26x16384xi32, #tpu.memory_space<hbm>> -> memref<1x8192xi32, #tpu.memory_space<hbm>>
      %dma_start3A_606 = tpu.memref_squeeze %dma_start3A_605 : memref<1x8192xi32, #tpu.memory_space<hbm>> -> memref<8192xi32, #tpu.memory_space<hbm>>
      tpu.enqueue_dma source(%dma_start3A_606 : memref<8192xi32, #tpu.memory_space<hbm>>) target(%arg6 : memref<8192xi32, #tpu.memory_space<vmem>>) target_semaphore(%run_scoped3A_602 : memref<!tpu.dma_semaphore, #tpu.memory_space<semaphore_mem>>)
      %dma_wait3A_607 = tpu.memref_slice %arg3[%run_scoped3A_212, %mul3A_211] : memref<26x16384xi32, #tpu.memory_space<hbm>> -> memref<1x8192xi32, #tpu.memory_space<hbm>>
      %dma_wait3A_608 = tpu.memref_squeeze %dma_wait3A_607 : memref<1x8192xi32, #tpu.memory_space<hbm>> -> memref<8192xi32, #tpu.memory_space<hbm>>
      %dma_wait3A_609 = tpu.memref_slice %arg3[%run_scoped3A_212, %mul3A_211] : memref<26x16384xi32, #tpu.memory_space<hbm>> -> memref<1x8192xi32, #tpu.memory_space<hbm>>
      %dma_wait3A_610 = tpu.memref_squeeze %dma_wait3A_609 : memref<1x8192xi32, #tpu.memory_space<hbm>> -> memref<8192xi32, #tpu.memory_space<hbm>>
      tpu.wait_dma2 semaphore(%run_scoped3A_602 : memref<!tpu.dma_semaphore, #tpu.memory_space<semaphore_mem>>) src(%dma_wait3A_610 : memref<8192xi32, #tpu.memory_space<hbm>>) dst(%arg6 : memref<8192xi32, #tpu.memory_space<vmem>>)
      tpu.yield
    }) : () -> ()
    %dma_wait3A_213 = arith.constant 9 : i32
    %dma_wait3A_214 = arith.constant 0 : i32
    %dma_wait3A_215 = tpu.memref_slice %arg2[%dma_wait3A_213, %arg1, %dma_wait3A_214] : memref<26x16x100000xf32, #tpu.memory_space<hbm>> -> memref<1x1x100000xf32, #tpu.memory_space<hbm>>
    %dma_wait3A_216 = tpu.memref_squeeze %dma_wait3A_215 : memref<1x1x100000xf32, #tpu.memory_space<hbm>> -> memref<1x100000xf32, #tpu.memory_space<hbm>>
    %dma_wait3A_217 = arith.constant 0 : i32
    %dma_wait3A_218 = tpu.memref_slice %arg2[%dma_wait3A_213, %arg1, %dma_wait3A_217] : memref<26x16x100000xf32, #tpu.memory_space<hbm>> -> memref<1x1x100000xf32, #tpu.memory_space<hbm>>
    %dma_wait3A_219 = tpu.memref_squeeze %dma_wait3A_218 : memref<1x1x100000xf32, #tpu.memory_space<hbm>> -> memref<1x100000xf32, #tpu.memory_space<hbm>>
    tpu.wait_dma2 semaphore(%arg9 : memref<!tpu.dma_semaphore, #tpu.memory_space<semaphore_mem>>) src(%dma_wait3A_219 : memref<1x100000xf32, #tpu.memory_space<hbm>>) dst(%arg5 : memref<1x100000xf32, #tpu.memory_space<vmem>>)
    %scan3A_220 = arith.constant 0 : i32
    %scan3A_221 = arith.constant 0 : i32
    %scan3A_222 = arith.constant 512 : i32
    %scan3A_223 = arith.addi %scan3A_221, %scan3A_222 : i32
    %scan3A_224 = arith.constant 1 : i32
    scf.for %scan3A_602 = %scan3A_221 to %scan3A_223 step %scan3A_224  : i32 {
      %mul3A_603 = arith.constant 16 : i32
      %mul3A_604 = arith.muli %scan3A_602, %mul3A_603 : i32
      %get3A = arith.index_cast %mul3A_604 : i32 to index
      %get3A_605 = tpu.vector_load %arg6[%get3A] {strides = array<i32>} : memref<8192xi32, #tpu.memory_space<vmem>>, vector<16xi32>,
      %gather3A = tpu.vector_load_idx %arg5[%broadcast_in_dim3A_0, %get3A_605] : memref<1x100000xf32, #tpu.memory_space<vmem>>[vector<16xi32>, vector<16xi32>], vector<16xf32>,
      %get3A_606 = arith.constant 0 : i32
      %get3A_607 = arith.index_cast %get3A_606 : i32 to index
      %get3A_608 = arith.index_cast %mul3A_604 : i32 to index
      %get3A_609 = tpu.vector_load %arg7[%get3A_607, %get3A_608] {strides = array<i32>} : memref<1x8192xf32, #tpu.memory_space<vmem>>, vector<16xf32>,
      %add3A = arith.addf %get3A_609, %gather3A : vector<16xf32>
      %swap3A = arith.constant 0 : i32
      %swap3A_610 = arith.index_cast %swap3A : i32 to index
      %swap3A_611 = arith.index_cast %mul3A_604 : i32 to index
      %swap3A_612 = tpu.vector_load %arg7[%swap3A_610, %swap3A_611] {strides = array<i32>} : memref<1x8192xf32, #tpu.memory_space<vmem>>, vector<16xf32>,
      tpu.vector_store %arg7[%swap3A_610, %swap3A_611], %add3A {strides = array<i32>} : memref<1x8192xf32, #tpu.memory_space<vmem>>, vector<16xf32>,
      %get3A_613 = arith.index_cast %mul3A_604 : i32 to index
      %get3A_614 = tpu.vector_load %arg8[%get3A_613] {strides = array<i32>} : memref<8192xf32, #tpu.memory_space<vmem>>, vector<16xf32>,
      %mul3A_615 = arith.mulf %gather3A, %gather3A : vector<16xf32>
      %add3A_616 = arith.addf %get3A_614, %mul3A_615 : vector<16xf32>
      %swap3A_617 = arith.index_cast %mul3A_604 : i32 to index
      %swap3A_618 = tpu.vector_load %arg8[%swap3A_617] {strides = array<i32>} : memref<8192xf32, #tpu.memory_space<vmem>>, vector<16xf32>,
      tpu.vector_store %arg8[%swap3A_617], %add3A_616 {strides = array<i32>} : memref<8192xf32, #tpu.memory_space<vmem>>, vector<16xf32>,
    }
    %scan3A_225 = arith.constant 512 : i32
    %dma_start3A_226 = arith.constant 10 : i32
    %dma_start3A_227 = arith.constant 0 : i32
    %dma_start3A_228 = tpu.memref_slice %arg2[%dma_start3A_226, %arg1, %dma_start3A_227] : memref<26x16x100000xf32, #tpu.memory_space<hbm>> -> memref<1x1x100000xf32, #tpu.memory_space<hbm>>
    %dma_start3A_229 = tpu.memref_squeeze %dma_start3A_228 : memref<1x1x100000xf32, #tpu.memory_space<hbm>> -> memref<1x100000xf32, #tpu.memory_space<hbm>>
    %dma_start3A_230 = arith.constant 0 : i32
    %dma_start3A_231 = tpu.memref_slice %arg2[%dma_start3A_226, %arg1, %dma_start3A_230] : memref<26x16x100000xf32, #tpu.memory_space<hbm>> -> memref<1x1x100000xf32, #tpu.memory_space<hbm>>
    %dma_start3A_232 = tpu.memref_squeeze %dma_start3A_231 : memref<1x1x100000xf32, #tpu.memory_space<hbm>> -> memref<1x100000xf32, #tpu.memory_space<hbm>>
    tpu.enqueue_dma source(%dma_start3A_232 : memref<1x100000xf32, #tpu.memory_space<hbm>>) target(%arg5 : memref<1x100000xf32, #tpu.memory_space<vmem>>) target_semaphore(%arg9 : memref<!tpu.dma_semaphore, #tpu.memory_space<semaphore_mem>>)
    %mul3A_233 = arith.constant 8192 : i32
    %mul3A_234 = arith.muli %arg0, %mul3A_233 : i32
    %run_scoped3A_235 = arith.constant 10 : i32
    "tpu.region"() ({
      %run_scoped3A_602 = tpu.sem_alloc : memref<!tpu.dma_semaphore, #tpu.memory_space<semaphore_mem>>
      %dma_start3A_603 = tpu.memref_slice %arg3[%run_scoped3A_235, %mul3A_234] : memref<26x16384xi32, #tpu.memory_space<hbm>> -> memref<1x8192xi32, #tpu.memory_space<hbm>>
      %dma_start3A_604 = tpu.memref_squeeze %dma_start3A_603 : memref<1x8192xi32, #tpu.memory_space<hbm>> -> memref<8192xi32, #tpu.memory_space<hbm>>
      %dma_start3A_605 = tpu.memref_slice %arg3[%run_scoped3A_235, %mul3A_234] : memref<26x16384xi32, #tpu.memory_space<hbm>> -> memref<1x8192xi32, #tpu.memory_space<hbm>>
      %dma_start3A_606 = tpu.memref_squeeze %dma_start3A_605 : memref<1x8192xi32, #tpu.memory_space<hbm>> -> memref<8192xi32, #tpu.memory_space<hbm>>
      tpu.enqueue_dma source(%dma_start3A_606 : memref<8192xi32, #tpu.memory_space<hbm>>) target(%arg6 : memref<8192xi32, #tpu.memory_space<vmem>>) target_semaphore(%run_scoped3A_602 : memref<!tpu.dma_semaphore, #tpu.memory_space<semaphore_mem>>)
      %dma_wait3A_607 = tpu.memref_slice %arg3[%run_scoped3A_235, %mul3A_234] : memref<26x16384xi32, #tpu.memory_space<hbm>> -> memref<1x8192xi32, #tpu.memory_space<hbm>>
      %dma_wait3A_608 = tpu.memref_squeeze %dma_wait3A_607 : memref<1x8192xi32, #tpu.memory_space<hbm>> -> memref<8192xi32, #tpu.memory_space<hbm>>
      %dma_wait3A_609 = tpu.memref_slice %arg3[%run_scoped3A_235, %mul3A_234] : memref<26x16384xi32, #tpu.memory_space<hbm>> -> memref<1x8192xi32, #tpu.memory_space<hbm>>
      %dma_wait3A_610 = tpu.memref_squeeze %dma_wait3A_609 : memref<1x8192xi32, #tpu.memory_space<hbm>> -> memref<8192xi32, #tpu.memory_space<hbm>>
      tpu.wait_dma2 semaphore(%run_scoped3A_602 : memref<!tpu.dma_semaphore, #tpu.memory_space<semaphore_mem>>) src(%dma_wait3A_610 : memref<8192xi32, #tpu.memory_space<hbm>>) dst(%arg6 : memref<8192xi32, #tpu.memory_space<vmem>>)
      tpu.yield
    }) : () -> ()
    %dma_wait3A_236 = arith.constant 10 : i32
    %dma_wait3A_237 = arith.constant 0 : i32
    %dma_wait3A_238 = tpu.memref_slice %arg2[%dma_wait3A_236, %arg1, %dma_wait3A_237] : memref<26x16x100000xf32, #tpu.memory_space<hbm>> -> memref<1x1x100000xf32, #tpu.memory_space<hbm>>
    %dma_wait3A_239 = tpu.memref_squeeze %dma_wait3A_238 : memref<1x1x100000xf32, #tpu.memory_space<hbm>> -> memref<1x100000xf32, #tpu.memory_space<hbm>>
    %dma_wait3A_240 = arith.constant 0 : i32
    %dma_wait3A_241 = tpu.memref_slice %arg2[%dma_wait3A_236, %arg1, %dma_wait3A_240] : memref<26x16x100000xf32, #tpu.memory_space<hbm>> -> memref<1x1x100000xf32, #tpu.memory_space<hbm>>
    %dma_wait3A_242 = tpu.memref_squeeze %dma_wait3A_241 : memref<1x1x100000xf32, #tpu.memory_space<hbm>> -> memref<1x100000xf32, #tpu.memory_space<hbm>>
    tpu.wait_dma2 semaphore(%arg9 : memref<!tpu.dma_semaphore, #tpu.memory_space<semaphore_mem>>) src(%dma_wait3A_242 : memref<1x100000xf32, #tpu.memory_space<hbm>>) dst(%arg5 : memref<1x100000xf32, #tpu.memory_space<vmem>>)
    %scan3A_243 = arith.constant 0 : i32
    %scan3A_244 = arith.constant 0 : i32
    %scan3A_245 = arith.constant 512 : i32
    %scan3A_246 = arith.addi %scan3A_244, %scan3A_245 : i32
    %scan3A_247 = arith.constant 1 : i32
    scf.for %scan3A_602 = %scan3A_244 to %scan3A_246 step %scan3A_247  : i32 {
      %mul3A_603 = arith.constant 16 : i32
      %mul3A_604 = arith.muli %scan3A_602, %mul3A_603 : i32
      %get3A = arith.index_cast %mul3A_604 : i32 to index
      %get3A_605 = tpu.vector_load %arg6[%get3A] {strides = array<i32>} : memref<8192xi32, #tpu.memory_space<vmem>>, vector<16xi32>,
      %gather3A = tpu.vector_load_idx %arg5[%broadcast_in_dim3A_0, %get3A_605] : memref<1x100000xf32, #tpu.memory_space<vmem>>[vector<16xi32>, vector<16xi32>], vector<16xf32>,
      %get3A_606 = arith.constant 0 : i32
      %get3A_607 = arith.index_cast %get3A_606 : i32 to index
      %get3A_608 = arith.index_cast %mul3A_604 : i32 to index
      %get3A_609 = tpu.vector_load %arg7[%get3A_607, %get3A_608] {strides = array<i32>} : memref<1x8192xf32, #tpu.memory_space<vmem>>, vector<16xf32>,
      %add3A = arith.addf %get3A_609, %gather3A : vector<16xf32>
      %swap3A = arith.constant 0 : i32
      %swap3A_610 = arith.index_cast %swap3A : i32 to index
      %swap3A_611 = arith.index_cast %mul3A_604 : i32 to index
      %swap3A_612 = tpu.vector_load %arg7[%swap3A_610, %swap3A_611] {strides = array<i32>} : memref<1x8192xf32, #tpu.memory_space<vmem>>, vector<16xf32>,
      tpu.vector_store %arg7[%swap3A_610, %swap3A_611], %add3A {strides = array<i32>} : memref<1x8192xf32, #tpu.memory_space<vmem>>, vector<16xf32>,
      %get3A_613 = arith.index_cast %mul3A_604 : i32 to index
      %get3A_614 = tpu.vector_load %arg8[%get3A_613] {strides = array<i32>} : memref<8192xf32, #tpu.memory_space<vmem>>, vector<16xf32>,
      %mul3A_615 = arith.mulf %gather3A, %gather3A : vector<16xf32>
      %add3A_616 = arith.addf %get3A_614, %mul3A_615 : vector<16xf32>
      %swap3A_617 = arith.index_cast %mul3A_604 : i32 to index
      %swap3A_618 = tpu.vector_load %arg8[%swap3A_617] {strides = array<i32>} : memref<8192xf32, #tpu.memory_space<vmem>>, vector<16xf32>,
      tpu.vector_store %arg8[%swap3A_617], %add3A_616 {strides = array<i32>} : memref<8192xf32, #tpu.memory_space<vmem>>, vector<16xf32>,
    }
    %scan3A_248 = arith.constant 512 : i32
    %dma_start3A_249 = arith.constant 11 : i32
    %dma_start3A_250 = arith.constant 0 : i32
    %dma_start3A_251 = tpu.memref_slice %arg2[%dma_start3A_249, %arg1, %dma_start3A_250] : memref<26x16x100000xf32, #tpu.memory_space<hbm>> -> memref<1x1x100000xf32, #tpu.memory_space<hbm>>
    %dma_start3A_252 = tpu.memref_squeeze %dma_start3A_251 : memref<1x1x100000xf32, #tpu.memory_space<hbm>> -> memref<1x100000xf32, #tpu.memory_space<hbm>>
    %dma_start3A_253 = arith.constant 0 : i32
    %dma_start3A_254 = tpu.memref_slice %arg2[%dma_start3A_249, %arg1, %dma_start3A_253] : memref<26x16x100000xf32, #tpu.memory_space<hbm>> -> memref<1x1x100000xf32, #tpu.memory_space<hbm>>
    %dma_start3A_255 = tpu.memref_squeeze %dma_start3A_254 : memref<1x1x100000xf32, #tpu.memory_space<hbm>> -> memref<1x100000xf32, #tpu.memory_space<hbm>>
    tpu.enqueue_dma source(%dma_start3A_255 : memref<1x100000xf32, #tpu.memory_space<hbm>>) target(%arg5 : memref<1x100000xf32, #tpu.memory_space<vmem>>) target_semaphore(%arg9 : memref<!tpu.dma_semaphore, #tpu.memory_space<semaphore_mem>>)
    %mul3A_256 = arith.constant 8192 : i32
    %mul3A_257 = arith.muli %arg0, %mul3A_256 : i32
    %run_scoped3A_258 = arith.constant 11 : i32
    "tpu.region"() ({
      %run_scoped3A_602 = tpu.sem_alloc : memref<!tpu.dma_semaphore, #tpu.memory_space<semaphore_mem>>
      %dma_start3A_603 = tpu.memref_slice %arg3[%run_scoped3A_258, %mul3A_257] : memref<26x16384xi32, #tpu.memory_space<hbm>> -> memref<1x8192xi32, #tpu.memory_space<hbm>>
      %dma_start3A_604 = tpu.memref_squeeze %dma_start3A_603 : memref<1x8192xi32, #tpu.memory_space<hbm>> -> memref<8192xi32, #tpu.memory_space<hbm>>
      %dma_start3A_605 = tpu.memref_slice %arg3[%run_scoped3A_258, %mul3A_257] : memref<26x16384xi32, #tpu.memory_space<hbm>> -> memref<1x8192xi32, #tpu.memory_space<hbm>>
      %dma_start3A_606 = tpu.memref_squeeze %dma_start3A_605 : memref<1x8192xi32, #tpu.memory_space<hbm>> -> memref<8192xi32, #tpu.memory_space<hbm>>
      tpu.enqueue_dma source(%dma_start3A_606 : memref<8192xi32, #tpu.memory_space<hbm>>) target(%arg6 : memref<8192xi32, #tpu.memory_space<vmem>>) target_semaphore(%run_scoped3A_602 : memref<!tpu.dma_semaphore, #tpu.memory_space<semaphore_mem>>)
      %dma_wait3A_607 = tpu.memref_slice %arg3[%run_scoped3A_258, %mul3A_257] : memref<26x16384xi32, #tpu.memory_space<hbm>> -> memref<1x8192xi32, #tpu.memory_space<hbm>>
      %dma_wait3A_608 = tpu.memref_squeeze %dma_wait3A_607 : memref<1x8192xi32, #tpu.memory_space<hbm>> -> memref<8192xi32, #tpu.memory_space<hbm>>
      %dma_wait3A_609 = tpu.memref_slice %arg3[%run_scoped3A_258, %mul3A_257] : memref<26x16384xi32, #tpu.memory_space<hbm>> -> memref<1x8192xi32, #tpu.memory_space<hbm>>
      %dma_wait3A_610 = tpu.memref_squeeze %dma_wait3A_609 : memref<1x8192xi32, #tpu.memory_space<hbm>> -> memref<8192xi32, #tpu.memory_space<hbm>>
      tpu.wait_dma2 semaphore(%run_scoped3A_602 : memref<!tpu.dma_semaphore, #tpu.memory_space<semaphore_mem>>) src(%dma_wait3A_610 : memref<8192xi32, #tpu.memory_space<hbm>>) dst(%arg6 : memref<8192xi32, #tpu.memory_space<vmem>>)
      tpu.yield
    }) : () -> ()
    %dma_wait3A_259 = arith.constant 11 : i32
    %dma_wait3A_260 = arith.constant 0 : i32
    %dma_wait3A_261 = tpu.memref_slice %arg2[%dma_wait3A_259, %arg1, %dma_wait3A_260] : memref<26x16x100000xf32, #tpu.memory_space<hbm>> -> memref<1x1x100000xf32, #tpu.memory_space<hbm>>
    %dma_wait3A_262 = tpu.memref_squeeze %dma_wait3A_261 : memref<1x1x100000xf32, #tpu.memory_space<hbm>> -> memref<1x100000xf32, #tpu.memory_space<hbm>>
    %dma_wait3A_263 = arith.constant 0 : i32
    %dma_wait3A_264 = tpu.memref_slice %arg2[%dma_wait3A_259, %arg1, %dma_wait3A_263] : memref<26x16x100000xf32, #tpu.memory_space<hbm>> -> memref<1x1x100000xf32, #tpu.memory_space<hbm>>
    %dma_wait3A_265 = tpu.memref_squeeze %dma_wait3A_264 : memref<1x1x100000xf32, #tpu.memory_space<hbm>> -> memref<1x100000xf32, #tpu.memory_space<hbm>>
    tpu.wait_dma2 semaphore(%arg9 : memref<!tpu.dma_semaphore, #tpu.memory_space<semaphore_mem>>) src(%dma_wait3A_265 : memref<1x100000xf32, #tpu.memory_space<hbm>>) dst(%arg5 : memref<1x100000xf32, #tpu.memory_space<vmem>>)
    %scan3A_266 = arith.constant 0 : i32
    %scan3A_267 = arith.constant 0 : i32
    %scan3A_268 = arith.constant 512 : i32
    %scan3A_269 = arith.addi %scan3A_267, %scan3A_268 : i32
    %scan3A_270 = arith.constant 1 : i32
    scf.for %scan3A_602 = %scan3A_267 to %scan3A_269 step %scan3A_270  : i32 {
      %mul3A_603 = arith.constant 16 : i32
      %mul3A_604 = arith.muli %scan3A_602, %mul3A_603 : i32
      %get3A = arith.index_cast %mul3A_604 : i32 to index
      %get3A_605 = tpu.vector_load %arg6[%get3A] {strides = array<i32>} : memref<8192xi32, #tpu.memory_space<vmem>>, vector<16xi32>,
      %gather3A = tpu.vector_load_idx %arg5[%broadcast_in_dim3A_0, %get3A_605] : memref<1x100000xf32, #tpu.memory_space<vmem>>[vector<16xi32>, vector<16xi32>], vector<16xf32>,
      %get3A_606 = arith.constant 0 : i32
      %get3A_607 = arith.index_cast %get3A_606 : i32 to index
      %get3A_608 = arith.index_cast %mul3A_604 : i32 to index
      %get3A_609 = tpu.vector_load %arg7[%get3A_607, %get3A_608] {strides = array<i32>} : memref<1x8192xf32, #tpu.memory_space<vmem>>, vector<16xf32>,
      %add3A = arith.addf %get3A_609, %gather3A : vector<16xf32>
      %swap3A = arith.constant 0 : i32
      %swap3A_610 = arith.index_cast %swap3A : i32 to index
      %swap3A_611 = arith.index_cast %mul3A_604 : i32 to index
      %swap3A_612 = tpu.vector_load %arg7[%swap3A_610, %swap3A_611] {strides = array<i32>} : memref<1x8192xf32, #tpu.memory_space<vmem>>, vector<16xf32>,
      tpu.vector_store %arg7[%swap3A_610, %swap3A_611], %add3A {strides = array<i32>} : memref<1x8192xf32, #tpu.memory_space<vmem>>, vector<16xf32>,
      %get3A_613 = arith.index_cast %mul3A_604 : i32 to index
      %get3A_614 = tpu.vector_load %arg8[%get3A_613] {strides = array<i32>} : memref<8192xf32, #tpu.memory_space<vmem>>, vector<16xf32>,
      %mul3A_615 = arith.mulf %gather3A, %gather3A : vector<16xf32>
      %add3A_616 = arith.addf %get3A_614, %mul3A_615 : vector<16xf32>
      %swap3A_617 = arith.index_cast %mul3A_604 : i32 to index
      %swap3A_618 = tpu.vector_load %arg8[%swap3A_617] {strides = array<i32>} : memref<8192xf32, #tpu.memory_space<vmem>>, vector<16xf32>,
      tpu.vector_store %arg8[%swap3A_617], %add3A_616 {strides = array<i32>} : memref<8192xf32, #tpu.memory_space<vmem>>, vector<16xf32>,
    }
    %scan3A_271 = arith.constant 512 : i32
    %dma_start3A_272 = arith.constant 12 : i32
    %dma_start3A_273 = arith.constant 0 : i32
    %dma_start3A_274 = tpu.memref_slice %arg2[%dma_start3A_272, %arg1, %dma_start3A_273] : memref<26x16x100000xf32, #tpu.memory_space<hbm>> -> memref<1x1x100000xf32, #tpu.memory_space<hbm>>
    %dma_start3A_275 = tpu.memref_squeeze %dma_start3A_274 : memref<1x1x100000xf32, #tpu.memory_space<hbm>> -> memref<1x100000xf32, #tpu.memory_space<hbm>>
    %dma_start3A_276 = arith.constant 0 : i32
    %dma_start3A_277 = tpu.memref_slice %arg2[%dma_start3A_272, %arg1, %dma_start3A_276] : memref<26x16x100000xf32, #tpu.memory_space<hbm>> -> memref<1x1x100000xf32, #tpu.memory_space<hbm>>
    %dma_start3A_278 = tpu.memref_squeeze %dma_start3A_277 : memref<1x1x100000xf32, #tpu.memory_space<hbm>> -> memref<1x100000xf32, #tpu.memory_space<hbm>>
    tpu.enqueue_dma source(%dma_start3A_278 : memref<1x100000xf32, #tpu.memory_space<hbm>>) target(%arg5 : memref<1x100000xf32, #tpu.memory_space<vmem>>) target_semaphore(%arg9 : memref<!tpu.dma_semaphore, #tpu.memory_space<semaphore_mem>>)
    %mul3A_279 = arith.constant 8192 : i32
    %mul3A_280 = arith.muli %arg0, %mul3A_279 : i32
    %run_scoped3A_281 = arith.constant 12 : i32
    "tpu.region"() ({
      %run_scoped3A_602 = tpu.sem_alloc : memref<!tpu.dma_semaphore, #tpu.memory_space<semaphore_mem>>
      %dma_start3A_603 = tpu.memref_slice %arg3[%run_scoped3A_281, %mul3A_280] : memref<26x16384xi32, #tpu.memory_space<hbm>> -> memref<1x8192xi32, #tpu.memory_space<hbm>>
      %dma_start3A_604 = tpu.memref_squeeze %dma_start3A_603 : memref<1x8192xi32, #tpu.memory_space<hbm>> -> memref<8192xi32, #tpu.memory_space<hbm>>
      %dma_start3A_605 = tpu.memref_slice %arg3[%run_scoped3A_281, %mul3A_280] : memref<26x16384xi32, #tpu.memory_space<hbm>> -> memref<1x8192xi32, #tpu.memory_space<hbm>>
      %dma_start3A_606 = tpu.memref_squeeze %dma_start3A_605 : memref<1x8192xi32, #tpu.memory_space<hbm>> -> memref<8192xi32, #tpu.memory_space<hbm>>
      tpu.enqueue_dma source(%dma_start3A_606 : memref<8192xi32, #tpu.memory_space<hbm>>) target(%arg6 : memref<8192xi32, #tpu.memory_space<vmem>>) target_semaphore(%run_scoped3A_602 : memref<!tpu.dma_semaphore, #tpu.memory_space<semaphore_mem>>)
      %dma_wait3A_607 = tpu.memref_slice %arg3[%run_scoped3A_281, %mul3A_280] : memref<26x16384xi32, #tpu.memory_space<hbm>> -> memref<1x8192xi32, #tpu.memory_space<hbm>>
      %dma_wait3A_608 = tpu.memref_squeeze %dma_wait3A_607 : memref<1x8192xi32, #tpu.memory_space<hbm>> -> memref<8192xi32, #tpu.memory_space<hbm>>
      %dma_wait3A_609 = tpu.memref_slice %arg3[%run_scoped3A_281, %mul3A_280] : memref<26x16384xi32, #tpu.memory_space<hbm>> -> memref<1x8192xi32, #tpu.memory_space<hbm>>
      %dma_wait3A_610 = tpu.memref_squeeze %dma_wait3A_609 : memref<1x8192xi32, #tpu.memory_space<hbm>> -> memref<8192xi32, #tpu.memory_space<hbm>>
      tpu.wait_dma2 semaphore(%run_scoped3A_602 : memref<!tpu.dma_semaphore, #tpu.memory_space<semaphore_mem>>) src(%dma_wait3A_610 : memref<8192xi32, #tpu.memory_space<hbm>>) dst(%arg6 : memref<8192xi32, #tpu.memory_space<vmem>>)
      tpu.yield
    }) : () -> ()
    %dma_wait3A_282 = arith.constant 12 : i32
    %dma_wait3A_283 = arith.constant 0 : i32
    %dma_wait3A_284 = tpu.memref_slice %arg2[%dma_wait3A_282, %arg1, %dma_wait3A_283] : memref<26x16x100000xf32, #tpu.memory_space<hbm>> -> memref<1x1x100000xf32, #tpu.memory_space<hbm>>
    %dma_wait3A_285 = tpu.memref_squeeze %dma_wait3A_284 : memref<1x1x100000xf32, #tpu.memory_space<hbm>> -> memref<1x100000xf32, #tpu.memory_space<hbm>>
    %dma_wait3A_286 = arith.constant 0 : i32
    %dma_wait3A_287 = tpu.memref_slice %arg2[%dma_wait3A_282, %arg1, %dma_wait3A_286] : memref<26x16x100000xf32, #tpu.memory_space<hbm>> -> memref<1x1x100000xf32, #tpu.memory_space<hbm>>
    %dma_wait3A_288 = tpu.memref_squeeze %dma_wait3A_287 : memref<1x1x100000xf32, #tpu.memory_space<hbm>> -> memref<1x100000xf32, #tpu.memory_space<hbm>>
    tpu.wait_dma2 semaphore(%arg9 : memref<!tpu.dma_semaphore, #tpu.memory_space<semaphore_mem>>) src(%dma_wait3A_288 : memref<1x100000xf32, #tpu.memory_space<hbm>>) dst(%arg5 : memref<1x100000xf32, #tpu.memory_space<vmem>>)
    %scan3A_289 = arith.constant 0 : i32
    %scan3A_290 = arith.constant 0 : i32
    %scan3A_291 = arith.constant 512 : i32
    %scan3A_292 = arith.addi %scan3A_290, %scan3A_291 : i32
    %scan3A_293 = arith.constant 1 : i32
    scf.for %scan3A_602 = %scan3A_290 to %scan3A_292 step %scan3A_293  : i32 {
      %mul3A_603 = arith.constant 16 : i32
      %mul3A_604 = arith.muli %scan3A_602, %mul3A_603 : i32
      %get3A = arith.index_cast %mul3A_604 : i32 to index
      %get3A_605 = tpu.vector_load %arg6[%get3A] {strides = array<i32>} : memref<8192xi32, #tpu.memory_space<vmem>>, vector<16xi32>,
      %gather3A = tpu.vector_load_idx %arg5[%broadcast_in_dim3A_0, %get3A_605] : memref<1x100000xf32, #tpu.memory_space<vmem>>[vector<16xi32>, vector<16xi32>], vector<16xf32>,
      %get3A_606 = arith.constant 0 : i32
      %get3A_607 = arith.index_cast %get3A_606 : i32 to index
      %get3A_608 = arith.index_cast %mul3A_604 : i32 to index
      %get3A_609 = tpu.vector_load %arg7[%get3A_607, %get3A_608] {strides = array<i32>} : memref<1x8192xf32, #tpu.memory_space<vmem>>, vector<16xf32>,
      %add3A = arith.addf %get3A_609, %gather3A : vector<16xf32>
      %swap3A = arith.constant 0 : i32
      %swap3A_610 = arith.index_cast %swap3A : i32 to index
      %swap3A_611 = arith.index_cast %mul3A_604 : i32 to index
      %swap3A_612 = tpu.vector_load %arg7[%swap3A_610, %swap3A_611] {strides = array<i32>} : memref<1x8192xf32, #tpu.memory_space<vmem>>, vector<16xf32>,
      tpu.vector_store %arg7[%swap3A_610, %swap3A_611], %add3A {strides = array<i32>} : memref<1x8192xf32, #tpu.memory_space<vmem>>, vector<16xf32>,
      %get3A_613 = arith.index_cast %mul3A_604 : i32 to index
      %get3A_614 = tpu.vector_load %arg8[%get3A_613] {strides = array<i32>} : memref<8192xf32, #tpu.memory_space<vmem>>, vector<16xf32>,
      %mul3A_615 = arith.mulf %gather3A, %gather3A : vector<16xf32>
      %add3A_616 = arith.addf %get3A_614, %mul3A_615 : vector<16xf32>
      %swap3A_617 = arith.index_cast %mul3A_604 : i32 to index
      %swap3A_618 = tpu.vector_load %arg8[%swap3A_617] {strides = array<i32>} : memref<8192xf32, #tpu.memory_space<vmem>>, vector<16xf32>,
      tpu.vector_store %arg8[%swap3A_617], %add3A_616 {strides = array<i32>} : memref<8192xf32, #tpu.memory_space<vmem>>, vector<16xf32>,
    }
    %scan3A_294 = arith.constant 512 : i32
    %dma_start3A_295 = arith.constant 13 : i32
    %dma_start3A_296 = arith.constant 0 : i32
    %dma_start3A_297 = tpu.memref_slice %arg2[%dma_start3A_295, %arg1, %dma_start3A_296] : memref<26x16x100000xf32, #tpu.memory_space<hbm>> -> memref<1x1x100000xf32, #tpu.memory_space<hbm>>
    %dma_start3A_298 = tpu.memref_squeeze %dma_start3A_297 : memref<1x1x100000xf32, #tpu.memory_space<hbm>> -> memref<1x100000xf32, #tpu.memory_space<hbm>>
    %dma_start3A_299 = arith.constant 0 : i32
    %dma_start3A_300 = tpu.memref_slice %arg2[%dma_start3A_295, %arg1, %dma_start3A_299] : memref<26x16x100000xf32, #tpu.memory_space<hbm>> -> memref<1x1x100000xf32, #tpu.memory_space<hbm>>
    %dma_start3A_301 = tpu.memref_squeeze %dma_start3A_300 : memref<1x1x100000xf32, #tpu.memory_space<hbm>> -> memref<1x100000xf32, #tpu.memory_space<hbm>>
    tpu.enqueue_dma source(%dma_start3A_301 : memref<1x100000xf32, #tpu.memory_space<hbm>>) target(%arg5 : memref<1x100000xf32, #tpu.memory_space<vmem>>) target_semaphore(%arg9 : memref<!tpu.dma_semaphore, #tpu.memory_space<semaphore_mem>>)
    %mul3A_302 = arith.constant 8192 : i32
    %mul3A_303 = arith.muli %arg0, %mul3A_302 : i32
    %run_scoped3A_304 = arith.constant 13 : i32
    "tpu.region"() ({
      %run_scoped3A_602 = tpu.sem_alloc : memref<!tpu.dma_semaphore, #tpu.memory_space<semaphore_mem>>
      %dma_start3A_603 = tpu.memref_slice %arg3[%run_scoped3A_304, %mul3A_303] : memref<26x16384xi32, #tpu.memory_space<hbm>> -> memref<1x8192xi32, #tpu.memory_space<hbm>>
      %dma_start3A_604 = tpu.memref_squeeze %dma_start3A_603 : memref<1x8192xi32, #tpu.memory_space<hbm>> -> memref<8192xi32, #tpu.memory_space<hbm>>
      %dma_start3A_605 = tpu.memref_slice %arg3[%run_scoped3A_304, %mul3A_303] : memref<26x16384xi32, #tpu.memory_space<hbm>> -> memref<1x8192xi32, #tpu.memory_space<hbm>>
      %dma_start3A_606 = tpu.memref_squeeze %dma_start3A_605 : memref<1x8192xi32, #tpu.memory_space<hbm>> -> memref<8192xi32, #tpu.memory_space<hbm>>
      tpu.enqueue_dma source(%dma_start3A_606 : memref<8192xi32, #tpu.memory_space<hbm>>) target(%arg6 : memref<8192xi32, #tpu.memory_space<vmem>>) target_semaphore(%run_scoped3A_602 : memref<!tpu.dma_semaphore, #tpu.memory_space<semaphore_mem>>)
      %dma_wait3A_607 = tpu.memref_slice %arg3[%run_scoped3A_304, %mul3A_303] : memref<26x16384xi32, #tpu.memory_space<hbm>> -> memref<1x8192xi32, #tpu.memory_space<hbm>>
      %dma_wait3A_608 = tpu.memref_squeeze %dma_wait3A_607 : memref<1x8192xi32, #tpu.memory_space<hbm>> -> memref<8192xi32, #tpu.memory_space<hbm>>
      %dma_wait3A_609 = tpu.memref_slice %arg3[%run_scoped3A_304, %mul3A_303] : memref<26x16384xi32, #tpu.memory_space<hbm>> -> memref<1x8192xi32, #tpu.memory_space<hbm>>
      %dma_wait3A_610 = tpu.memref_squeeze %dma_wait3A_609 : memref<1x8192xi32, #tpu.memory_space<hbm>> -> memref<8192xi32, #tpu.memory_space<hbm>>
      tpu.wait_dma2 semaphore(%run_scoped3A_602 : memref<!tpu.dma_semaphore, #tpu.memory_space<semaphore_mem>>) src(%dma_wait3A_610 : memref<8192xi32, #tpu.memory_space<hbm>>) dst(%arg6 : memref<8192xi32, #tpu.memory_space<vmem>>)
      tpu.yield
    }) : () -> ()
    %dma_wait3A_305 = arith.constant 13 : i32
    %dma_wait3A_306 = arith.constant 0 : i32
    %dma_wait3A_307 = tpu.memref_slice %arg2[%dma_wait3A_305, %arg1, %dma_wait3A_306] : memref<26x16x100000xf32, #tpu.memory_space<hbm>> -> memref<1x1x100000xf32, #tpu.memory_space<hbm>>
    %dma_wait3A_308 = tpu.memref_squeeze %dma_wait3A_307 : memref<1x1x100000xf32, #tpu.memory_space<hbm>> -> memref<1x100000xf32, #tpu.memory_space<hbm>>
    %dma_wait3A_309 = arith.constant 0 : i32
    %dma_wait3A_310 = tpu.memref_slice %arg2[%dma_wait3A_305, %arg1, %dma_wait3A_309] : memref<26x16x100000xf32, #tpu.memory_space<hbm>> -> memref<1x1x100000xf32, #tpu.memory_space<hbm>>
    %dma_wait3A_311 = tpu.memref_squeeze %dma_wait3A_310 : memref<1x1x100000xf32, #tpu.memory_space<hbm>> -> memref<1x100000xf32, #tpu.memory_space<hbm>>
    tpu.wait_dma2 semaphore(%arg9 : memref<!tpu.dma_semaphore, #tpu.memory_space<semaphore_mem>>) src(%dma_wait3A_311 : memref<1x100000xf32, #tpu.memory_space<hbm>>) dst(%arg5 : memref<1x100000xf32, #tpu.memory_space<vmem>>)
    %scan3A_312 = arith.constant 0 : i32
    %scan3A_313 = arith.constant 0 : i32
    %scan3A_314 = arith.constant 512 : i32
    %scan3A_315 = arith.addi %scan3A_313, %scan3A_314 : i32
    %scan3A_316 = arith.constant 1 : i32
    scf.for %scan3A_602 = %scan3A_313 to %scan3A_315 step %scan3A_316  : i32 {
      %mul3A_603 = arith.constant 16 : i32
      %mul3A_604 = arith.muli %scan3A_602, %mul3A_603 : i32
      %get3A = arith.index_cast %mul3A_604 : i32 to index
      %get3A_605 = tpu.vector_load %arg6[%get3A] {strides = array<i32>} : memref<8192xi32, #tpu.memory_space<vmem>>, vector<16xi32>,
      %gather3A = tpu.vector_load_idx %arg5[%broadcast_in_dim3A_0, %get3A_605] : memref<1x100000xf32, #tpu.memory_space<vmem>>[vector<16xi32>, vector<16xi32>], vector<16xf32>,
      %get3A_606 = arith.constant 0 : i32
      %get3A_607 = arith.index_cast %get3A_606 : i32 to index
      %get3A_608 = arith.index_cast %mul3A_604 : i32 to index
      %get3A_609 = tpu.vector_load %arg7[%get3A_607, %get3A_608] {strides = array<i32>} : memref<1x8192xf32, #tpu.memory_space<vmem>>, vector<16xf32>,
      %add3A = arith.addf %get3A_609, %gather3A : vector<16xf32>
      %swap3A = arith.constant 0 : i32
      %swap3A_610 = arith.index_cast %swap3A : i32 to index
      %swap3A_611 = arith.index_cast %mul3A_604 : i32 to index
      %swap3A_612 = tpu.vector_load %arg7[%swap3A_610, %swap3A_611] {strides = array<i32>} : memref<1x8192xf32, #tpu.memory_space<vmem>>, vector<16xf32>,
      tpu.vector_store %arg7[%swap3A_610, %swap3A_611], %add3A {strides = array<i32>} : memref<1x8192xf32, #tpu.memory_space<vmem>>, vector<16xf32>,
      %get3A_613 = arith.index_cast %mul3A_604 : i32 to index
      %get3A_614 = tpu.vector_load %arg8[%get3A_613] {strides = array<i32>} : memref<8192xf32, #tpu.memory_space<vmem>>, vector<16xf32>,
      %mul3A_615 = arith.mulf %gather3A, %gather3A : vector<16xf32>
      %add3A_616 = arith.addf %get3A_614, %mul3A_615 : vector<16xf32>
      %swap3A_617 = arith.index_cast %mul3A_604 : i32 to index
      %swap3A_618 = tpu.vector_load %arg8[%swap3A_617] {strides = array<i32>} : memref<8192xf32, #tpu.memory_space<vmem>>, vector<16xf32>,
      tpu.vector_store %arg8[%swap3A_617], %add3A_616 {strides = array<i32>} : memref<8192xf32, #tpu.memory_space<vmem>>, vector<16xf32>,
    }
    %scan3A_317 = arith.constant 512 : i32
    %dma_start3A_318 = arith.constant 14 : i32
    %dma_start3A_319 = arith.constant 0 : i32
    %dma_start3A_320 = tpu.memref_slice %arg2[%dma_start3A_318, %arg1, %dma_start3A_319] : memref<26x16x100000xf32, #tpu.memory_space<hbm>> -> memref<1x1x100000xf32, #tpu.memory_space<hbm>>
    %dma_start3A_321 = tpu.memref_squeeze %dma_start3A_320 : memref<1x1x100000xf32, #tpu.memory_space<hbm>> -> memref<1x100000xf32, #tpu.memory_space<hbm>>
    %dma_start3A_322 = arith.constant 0 : i32
    %dma_start3A_323 = tpu.memref_slice %arg2[%dma_start3A_318, %arg1, %dma_start3A_322] : memref<26x16x100000xf32, #tpu.memory_space<hbm>> -> memref<1x1x100000xf32, #tpu.memory_space<hbm>>
    %dma_start3A_324 = tpu.memref_squeeze %dma_start3A_323 : memref<1x1x100000xf32, #tpu.memory_space<hbm>> -> memref<1x100000xf32, #tpu.memory_space<hbm>>
    tpu.enqueue_dma source(%dma_start3A_324 : memref<1x100000xf32, #tpu.memory_space<hbm>>) target(%arg5 : memref<1x100000xf32, #tpu.memory_space<vmem>>) target_semaphore(%arg9 : memref<!tpu.dma_semaphore, #tpu.memory_space<semaphore_mem>>)
    %mul3A_325 = arith.constant 8192 : i32
    %mul3A_326 = arith.muli %arg0, %mul3A_325 : i32
    %run_scoped3A_327 = arith.constant 14 : i32
    "tpu.region"() ({
      %run_scoped3A_602 = tpu.sem_alloc : memref<!tpu.dma_semaphore, #tpu.memory_space<semaphore_mem>>
      %dma_start3A_603 = tpu.memref_slice %arg3[%run_scoped3A_327, %mul3A_326] : memref<26x16384xi32, #tpu.memory_space<hbm>> -> memref<1x8192xi32, #tpu.memory_space<hbm>>
      %dma_start3A_604 = tpu.memref_squeeze %dma_start3A_603 : memref<1x8192xi32, #tpu.memory_space<hbm>> -> memref<8192xi32, #tpu.memory_space<hbm>>
      %dma_start3A_605 = tpu.memref_slice %arg3[%run_scoped3A_327, %mul3A_326] : memref<26x16384xi32, #tpu.memory_space<hbm>> -> memref<1x8192xi32, #tpu.memory_space<hbm>>
      %dma_start3A_606 = tpu.memref_squeeze %dma_start3A_605 : memref<1x8192xi32, #tpu.memory_space<hbm>> -> memref<8192xi32, #tpu.memory_space<hbm>>
      tpu.enqueue_dma source(%dma_start3A_606 : memref<8192xi32, #tpu.memory_space<hbm>>) target(%arg6 : memref<8192xi32, #tpu.memory_space<vmem>>) target_semaphore(%run_scoped3A_602 : memref<!tpu.dma_semaphore, #tpu.memory_space<semaphore_mem>>)
      %dma_wait3A_607 = tpu.memref_slice %arg3[%run_scoped3A_327, %mul3A_326] : memref<26x16384xi32, #tpu.memory_space<hbm>> -> memref<1x8192xi32, #tpu.memory_space<hbm>>
      %dma_wait3A_608 = tpu.memref_squeeze %dma_wait3A_607 : memref<1x8192xi32, #tpu.memory_space<hbm>> -> memref<8192xi32, #tpu.memory_space<hbm>>
      %dma_wait3A_609 = tpu.memref_slice %arg3[%run_scoped3A_327, %mul3A_326] : memref<26x16384xi32, #tpu.memory_space<hbm>> -> memref<1x8192xi32, #tpu.memory_space<hbm>>
      %dma_wait3A_610 = tpu.memref_squeeze %dma_wait3A_609 : memref<1x8192xi32, #tpu.memory_space<hbm>> -> memref<8192xi32, #tpu.memory_space<hbm>>
      tpu.wait_dma2 semaphore(%run_scoped3A_602 : memref<!tpu.dma_semaphore, #tpu.memory_space<semaphore_mem>>) src(%dma_wait3A_610 : memref<8192xi32, #tpu.memory_space<hbm>>) dst(%arg6 : memref<8192xi32, #tpu.memory_space<vmem>>)
      tpu.yield
    }) : () -> ()
    %dma_wait3A_328 = arith.constant 14 : i32
    %dma_wait3A_329 = arith.constant 0 : i32
    %dma_wait3A_330 = tpu.memref_slice %arg2[%dma_wait3A_328, %arg1, %dma_wait3A_329] : memref<26x16x100000xf32, #tpu.memory_space<hbm>> -> memref<1x1x100000xf32, #tpu.memory_space<hbm>>
    %dma_wait3A_331 = tpu.memref_squeeze %dma_wait3A_330 : memref<1x1x100000xf32, #tpu.memory_space<hbm>> -> memref<1x100000xf32, #tpu.memory_space<hbm>>
    %dma_wait3A_332 = arith.constant 0 : i32
    %dma_wait3A_333 = tpu.memref_slice %arg2[%dma_wait3A_328, %arg1, %dma_wait3A_332] : memref<26x16x100000xf32, #tpu.memory_space<hbm>> -> memref<1x1x100000xf32, #tpu.memory_space<hbm>>
    %dma_wait3A_334 = tpu.memref_squeeze %dma_wait3A_333 : memref<1x1x100000xf32, #tpu.memory_space<hbm>> -> memref<1x100000xf32, #tpu.memory_space<hbm>>
    tpu.wait_dma2 semaphore(%arg9 : memref<!tpu.dma_semaphore, #tpu.memory_space<semaphore_mem>>) src(%dma_wait3A_334 : memref<1x100000xf32, #tpu.memory_space<hbm>>) dst(%arg5 : memref<1x100000xf32, #tpu.memory_space<vmem>>)
    %scan3A_335 = arith.constant 0 : i32
    %scan3A_336 = arith.constant 0 : i32
    %scan3A_337 = arith.constant 512 : i32
    %scan3A_338 = arith.addi %scan3A_336, %scan3A_337 : i32
    %scan3A_339 = arith.constant 1 : i32
    scf.for %scan3A_602 = %scan3A_336 to %scan3A_338 step %scan3A_339  : i32 {
      %mul3A_603 = arith.constant 16 : i32
      %mul3A_604 = arith.muli %scan3A_602, %mul3A_603 : i32
      %get3A = arith.index_cast %mul3A_604 : i32 to index
      %get3A_605 = tpu.vector_load %arg6[%get3A] {strides = array<i32>} : memref<8192xi32, #tpu.memory_space<vmem>>, vector<16xi32>,
      %gather3A = tpu.vector_load_idx %arg5[%broadcast_in_dim3A_0, %get3A_605] : memref<1x100000xf32, #tpu.memory_space<vmem>>[vector<16xi32>, vector<16xi32>], vector<16xf32>,
      %get3A_606 = arith.constant 0 : i32
      %get3A_607 = arith.index_cast %get3A_606 : i32 to index
      %get3A_608 = arith.index_cast %mul3A_604 : i32 to index
      %get3A_609 = tpu.vector_load %arg7[%get3A_607, %get3A_608] {strides = array<i32>} : memref<1x8192xf32, #tpu.memory_space<vmem>>, vector<16xf32>,
      %add3A = arith.addf %get3A_609, %gather3A : vector<16xf32>
      %swap3A = arith.constant 0 : i32
      %swap3A_610 = arith.index_cast %swap3A : i32 to index
      %swap3A_611 = arith.index_cast %mul3A_604 : i32 to index
      %swap3A_612 = tpu.vector_load %arg7[%swap3A_610, %swap3A_611] {strides = array<i32>} : memref<1x8192xf32, #tpu.memory_space<vmem>>, vector<16xf32>,
      tpu.vector_store %arg7[%swap3A_610, %swap3A_611], %add3A {strides = array<i32>} : memref<1x8192xf32, #tpu.memory_space<vmem>>, vector<16xf32>,
      %get3A_613 = arith.index_cast %mul3A_604 : i32 to index
      %get3A_614 = tpu.vector_load %arg8[%get3A_613] {strides = array<i32>} : memref<8192xf32, #tpu.memory_space<vmem>>, vector<16xf32>,
      %mul3A_615 = arith.mulf %gather3A, %gather3A : vector<16xf32>
      %add3A_616 = arith.addf %get3A_614, %mul3A_615 : vector<16xf32>
      %swap3A_617 = arith.index_cast %mul3A_604 : i32 to index
      %swap3A_618 = tpu.vector_load %arg8[%swap3A_617] {strides = array<i32>} : memref<8192xf32, #tpu.memory_space<vmem>>, vector<16xf32>,
      tpu.vector_store %arg8[%swap3A_617], %add3A_616 {strides = array<i32>} : memref<8192xf32, #tpu.memory_space<vmem>>, vector<16xf32>,
    }
    %scan3A_340 = arith.constant 512 : i32
    %dma_start3A_341 = arith.constant 15 : i32
    %dma_start3A_342 = arith.constant 0 : i32
    %dma_start3A_343 = tpu.memref_slice %arg2[%dma_start3A_341, %arg1, %dma_start3A_342] : memref<26x16x100000xf32, #tpu.memory_space<hbm>> -> memref<1x1x100000xf32, #tpu.memory_space<hbm>>
    %dma_start3A_344 = tpu.memref_squeeze %dma_start3A_343 : memref<1x1x100000xf32, #tpu.memory_space<hbm>> -> memref<1x100000xf32, #tpu.memory_space<hbm>>
    %dma_start3A_345 = arith.constant 0 : i32
    %dma_start3A_346 = tpu.memref_slice %arg2[%dma_start3A_341, %arg1, %dma_start3A_345] : memref<26x16x100000xf32, #tpu.memory_space<hbm>> -> memref<1x1x100000xf32, #tpu.memory_space<hbm>>
    %dma_start3A_347 = tpu.memref_squeeze %dma_start3A_346 : memref<1x1x100000xf32, #tpu.memory_space<hbm>> -> memref<1x100000xf32, #tpu.memory_space<hbm>>
    tpu.enqueue_dma source(%dma_start3A_347 : memref<1x100000xf32, #tpu.memory_space<hbm>>) target(%arg5 : memref<1x100000xf32, #tpu.memory_space<vmem>>) target_semaphore(%arg9 : memref<!tpu.dma_semaphore, #tpu.memory_space<semaphore_mem>>)
    %mul3A_348 = arith.constant 8192 : i32
    %mul3A_349 = arith.muli %arg0, %mul3A_348 : i32
    %run_scoped3A_350 = arith.constant 15 : i32
    "tpu.region"() ({
      %run_scoped3A_602 = tpu.sem_alloc : memref<!tpu.dma_semaphore, #tpu.memory_space<semaphore_mem>>
      %dma_start3A_603 = tpu.memref_slice %arg3[%run_scoped3A_350, %mul3A_349] : memref<26x16384xi32, #tpu.memory_space<hbm>> -> memref<1x8192xi32, #tpu.memory_space<hbm>>
      %dma_start3A_604 = tpu.memref_squeeze %dma_start3A_603 : memref<1x8192xi32, #tpu.memory_space<hbm>> -> memref<8192xi32, #tpu.memory_space<hbm>>
      %dma_start3A_605 = tpu.memref_slice %arg3[%run_scoped3A_350, %mul3A_349] : memref<26x16384xi32, #tpu.memory_space<hbm>> -> memref<1x8192xi32, #tpu.memory_space<hbm>>
      %dma_start3A_606 = tpu.memref_squeeze %dma_start3A_605 : memref<1x8192xi32, #tpu.memory_space<hbm>> -> memref<8192xi32, #tpu.memory_space<hbm>>
      tpu.enqueue_dma source(%dma_start3A_606 : memref<8192xi32, #tpu.memory_space<hbm>>) target(%arg6 : memref<8192xi32, #tpu.memory_space<vmem>>) target_semaphore(%run_scoped3A_602 : memref<!tpu.dma_semaphore, #tpu.memory_space<semaphore_mem>>)
      %dma_wait3A_607 = tpu.memref_slice %arg3[%run_scoped3A_350, %mul3A_349] : memref<26x16384xi32, #tpu.memory_space<hbm>> -> memref<1x8192xi32, #tpu.memory_space<hbm>>
      %dma_wait3A_608 = tpu.memref_squeeze %dma_wait3A_607 : memref<1x8192xi32, #tpu.memory_space<hbm>> -> memref<8192xi32, #tpu.memory_space<hbm>>
      %dma_wait3A_609 = tpu.memref_slice %arg3[%run_scoped3A_350, %mul3A_349] : memref<26x16384xi32, #tpu.memory_space<hbm>> -> memref<1x8192xi32, #tpu.memory_space<hbm>>
      %dma_wait3A_610 = tpu.memref_squeeze %dma_wait3A_609 : memref<1x8192xi32, #tpu.memory_space<hbm>> -> memref<8192xi32, #tpu.memory_space<hbm>>
      tpu.wait_dma2 semaphore(%run_scoped3A_602 : memref<!tpu.dma_semaphore, #tpu.memory_space<semaphore_mem>>) src(%dma_wait3A_610 : memref<8192xi32, #tpu.memory_space<hbm>>) dst(%arg6 : memref<8192xi32, #tpu.memory_space<vmem>>)
      tpu.yield
    }) : () -> ()
    %dma_wait3A_351 = arith.constant 15 : i32
    %dma_wait3A_352 = arith.constant 0 : i32
    %dma_wait3A_353 = tpu.memref_slice %arg2[%dma_wait3A_351, %arg1, %dma_wait3A_352] : memref<26x16x100000xf32, #tpu.memory_space<hbm>> -> memref<1x1x100000xf32, #tpu.memory_space<hbm>>
    %dma_wait3A_354 = tpu.memref_squeeze %dma_wait3A_353 : memref<1x1x100000xf32, #tpu.memory_space<hbm>> -> memref<1x100000xf32, #tpu.memory_space<hbm>>
    %dma_wait3A_355 = arith.constant 0 : i32
    %dma_wait3A_356 = tpu.memref_slice %arg2[%dma_wait3A_351, %arg1, %dma_wait3A_355] : memref<26x16x100000xf32, #tpu.memory_space<hbm>> -> memref<1x1x100000xf32, #tpu.memory_space<hbm>>
    %dma_wait3A_357 = tpu.memref_squeeze %dma_wait3A_356 : memref<1x1x100000xf32, #tpu.memory_space<hbm>> -> memref<1x100000xf32, #tpu.memory_space<hbm>>
    tpu.wait_dma2 semaphore(%arg9 : memref<!tpu.dma_semaphore, #tpu.memory_space<semaphore_mem>>) src(%dma_wait3A_357 : memref<1x100000xf32, #tpu.memory_space<hbm>>) dst(%arg5 : memref<1x100000xf32, #tpu.memory_space<vmem>>)
    %scan3A_358 = arith.constant 0 : i32
    %scan3A_359 = arith.constant 0 : i32
    %scan3A_360 = arith.constant 512 : i32
    %scan3A_361 = arith.addi %scan3A_359, %scan3A_360 : i32
    %scan3A_362 = arith.constant 1 : i32
    scf.for %scan3A_602 = %scan3A_359 to %scan3A_361 step %scan3A_362  : i32 {
      %mul3A_603 = arith.constant 16 : i32
      %mul3A_604 = arith.muli %scan3A_602, %mul3A_603 : i32
      %get3A = arith.index_cast %mul3A_604 : i32 to index
      %get3A_605 = tpu.vector_load %arg6[%get3A] {strides = array<i32>} : memref<8192xi32, #tpu.memory_space<vmem>>, vector<16xi32>,
      %gather3A = tpu.vector_load_idx %arg5[%broadcast_in_dim3A_0, %get3A_605] : memref<1x100000xf32, #tpu.memory_space<vmem>>[vector<16xi32>, vector<16xi32>], vector<16xf32>,
      %get3A_606 = arith.constant 0 : i32
      %get3A_607 = arith.index_cast %get3A_606 : i32 to index
      %get3A_608 = arith.index_cast %mul3A_604 : i32 to index
      %get3A_609 = tpu.vector_load %arg7[%get3A_607, %get3A_608] {strides = array<i32>} : memref<1x8192xf32, #tpu.memory_space<vmem>>, vector<16xf32>,
      %add3A = arith.addf %get3A_609, %gather3A : vector<16xf32>
      %swap3A = arith.constant 0 : i32
      %swap3A_610 = arith.index_cast %swap3A : i32 to index
      %swap3A_611 = arith.index_cast %mul3A_604 : i32 to index
      %swap3A_612 = tpu.vector_load %arg7[%swap3A_610, %swap3A_611] {strides = array<i32>} : memref<1x8192xf32, #tpu.memory_space<vmem>>, vector<16xf32>,
      tpu.vector_store %arg7[%swap3A_610, %swap3A_611], %add3A {strides = array<i32>} : memref<1x8192xf32, #tpu.memory_space<vmem>>, vector<16xf32>,
      %get3A_613 = arith.index_cast %mul3A_604 : i32 to index
      %get3A_614 = tpu.vector_load %arg8[%get3A_613] {strides = array<i32>} : memref<8192xf32, #tpu.memory_space<vmem>>, vector<16xf32>,
      %mul3A_615 = arith.mulf %gather3A, %gather3A : vector<16xf32>
      %add3A_616 = arith.addf %get3A_614, %mul3A_615 : vector<16xf32>
      %swap3A_617 = arith.index_cast %mul3A_604 : i32 to index
      %swap3A_618 = tpu.vector_load %arg8[%swap3A_617] {strides = array<i32>} : memref<8192xf32, #tpu.memory_space<vmem>>, vector<16xf32>,
      tpu.vector_store %arg8[%swap3A_617], %add3A_616 {strides = array<i32>} : memref<8192xf32, #tpu.memory_space<vmem>>, vector<16xf32>,
    }
    %scan3A_363 = arith.constant 512 : i32
    %dma_start3A_364 = arith.constant 16 : i32
    %dma_start3A_365 = arith.constant 0 : i32
    %dma_start3A_366 = tpu.memref_slice %arg2[%dma_start3A_364, %arg1, %dma_start3A_365] : memref<26x16x100000xf32, #tpu.memory_space<hbm>> -> memref<1x1x100000xf32, #tpu.memory_space<hbm>>
    %dma_start3A_367 = tpu.memref_squeeze %dma_start3A_366 : memref<1x1x100000xf32, #tpu.memory_space<hbm>> -> memref<1x100000xf32, #tpu.memory_space<hbm>>
    %dma_start3A_368 = arith.constant 0 : i32
    %dma_start3A_369 = tpu.memref_slice %arg2[%dma_start3A_364, %arg1, %dma_start3A_368] : memref<26x16x100000xf32, #tpu.memory_space<hbm>> -> memref<1x1x100000xf32, #tpu.memory_space<hbm>>
    %dma_start3A_370 = tpu.memref_squeeze %dma_start3A_369 : memref<1x1x100000xf32, #tpu.memory_space<hbm>> -> memref<1x100000xf32, #tpu.memory_space<hbm>>
    tpu.enqueue_dma source(%dma_start3A_370 : memref<1x100000xf32, #tpu.memory_space<hbm>>) target(%arg5 : memref<1x100000xf32, #tpu.memory_space<vmem>>) target_semaphore(%arg9 : memref<!tpu.dma_semaphore, #tpu.memory_space<semaphore_mem>>)
    %mul3A_371 = arith.constant 8192 : i32
    %mul3A_372 = arith.muli %arg0, %mul3A_371 : i32
    %run_scoped3A_373 = arith.constant 16 : i32
    "tpu.region"() ({
      %run_scoped3A_602 = tpu.sem_alloc : memref<!tpu.dma_semaphore, #tpu.memory_space<semaphore_mem>>
      %dma_start3A_603 = tpu.memref_slice %arg3[%run_scoped3A_373, %mul3A_372] : memref<26x16384xi32, #tpu.memory_space<hbm>> -> memref<1x8192xi32, #tpu.memory_space<hbm>>
      %dma_start3A_604 = tpu.memref_squeeze %dma_start3A_603 : memref<1x8192xi32, #tpu.memory_space<hbm>> -> memref<8192xi32, #tpu.memory_space<hbm>>
      %dma_start3A_605 = tpu.memref_slice %arg3[%run_scoped3A_373, %mul3A_372] : memref<26x16384xi32, #tpu.memory_space<hbm>> -> memref<1x8192xi32, #tpu.memory_space<hbm>>
      %dma_start3A_606 = tpu.memref_squeeze %dma_start3A_605 : memref<1x8192xi32, #tpu.memory_space<hbm>> -> memref<8192xi32, #tpu.memory_space<hbm>>
      tpu.enqueue_dma source(%dma_start3A_606 : memref<8192xi32, #tpu.memory_space<hbm>>) target(%arg6 : memref<8192xi32, #tpu.memory_space<vmem>>) target_semaphore(%run_scoped3A_602 : memref<!tpu.dma_semaphore, #tpu.memory_space<semaphore_mem>>)
      %dma_wait3A_607 = tpu.memref_slice %arg3[%run_scoped3A_373, %mul3A_372] : memref<26x16384xi32, #tpu.memory_space<hbm>> -> memref<1x8192xi32, #tpu.memory_space<hbm>>
      %dma_wait3A_608 = tpu.memref_squeeze %dma_wait3A_607 : memref<1x8192xi32, #tpu.memory_space<hbm>> -> memref<8192xi32, #tpu.memory_space<hbm>>
      %dma_wait3A_609 = tpu.memref_slice %arg3[%run_scoped3A_373, %mul3A_372] : memref<26x16384xi32, #tpu.memory_space<hbm>> -> memref<1x8192xi32, #tpu.memory_space<hbm>>
      %dma_wait3A_610 = tpu.memref_squeeze %dma_wait3A_609 : memref<1x8192xi32, #tpu.memory_space<hbm>> -> memref<8192xi32, #tpu.memory_space<hbm>>
      tpu.wait_dma2 semaphore(%run_scoped3A_602 : memref<!tpu.dma_semaphore, #tpu.memory_space<semaphore_mem>>) src(%dma_wait3A_610 : memref<8192xi32, #tpu.memory_space<hbm>>) dst(%arg6 : memref<8192xi32, #tpu.memory_space<vmem>>)
      tpu.yield
    }) : () -> ()
    %dma_wait3A_374 = arith.constant 16 : i32
    %dma_wait3A_375 = arith.constant 0 : i32
    %dma_wait3A_376 = tpu.memref_slice %arg2[%dma_wait3A_374, %arg1, %dma_wait3A_375] : memref<26x16x100000xf32, #tpu.memory_space<hbm>> -> memref<1x1x100000xf32, #tpu.memory_space<hbm>>
    %dma_wait3A_377 = tpu.memref_squeeze %dma_wait3A_376 : memref<1x1x100000xf32, #tpu.memory_space<hbm>> -> memref<1x100000xf32, #tpu.memory_space<hbm>>
    %dma_wait3A_378 = arith.constant 0 : i32
    %dma_wait3A_379 = tpu.memref_slice %arg2[%dma_wait3A_374, %arg1, %dma_wait3A_378] : memref<26x16x100000xf32, #tpu.memory_space<hbm>> -> memref<1x1x100000xf32, #tpu.memory_space<hbm>>
    %dma_wait3A_380 = tpu.memref_squeeze %dma_wait3A_379 : memref<1x1x100000xf32, #tpu.memory_space<hbm>> -> memref<1x100000xf32, #tpu.memory_space<hbm>>
    tpu.wait_dma2 semaphore(%arg9 : memref<!tpu.dma_semaphore, #tpu.memory_space<semaphore_mem>>) src(%dma_wait3A_380 : memref<1x100000xf32, #tpu.memory_space<hbm>>) dst(%arg5 : memref<1x100000xf32, #tpu.memory_space<vmem>>)
    %scan3A_381 = arith.constant 0 : i32
    %scan3A_382 = arith.constant 0 : i32
    %scan3A_383 = arith.constant 512 : i32
    %scan3A_384 = arith.addi %scan3A_382, %scan3A_383 : i32
    %scan3A_385 = arith.constant 1 : i32
    scf.for %scan3A_602 = %scan3A_382 to %scan3A_384 step %scan3A_385  : i32 {
      %mul3A_603 = arith.constant 16 : i32
      %mul3A_604 = arith.muli %scan3A_602, %mul3A_603 : i32
      %get3A = arith.index_cast %mul3A_604 : i32 to index
      %get3A_605 = tpu.vector_load %arg6[%get3A] {strides = array<i32>} : memref<8192xi32, #tpu.memory_space<vmem>>, vector<16xi32>,
      %gather3A = tpu.vector_load_idx %arg5[%broadcast_in_dim3A_0, %get3A_605] : memref<1x100000xf32, #tpu.memory_space<vmem>>[vector<16xi32>, vector<16xi32>], vector<16xf32>,
      %get3A_606 = arith.constant 0 : i32
      %get3A_607 = arith.index_cast %get3A_606 : i32 to index
      %get3A_608 = arith.index_cast %mul3A_604 : i32 to index
      %get3A_609 = tpu.vector_load %arg7[%get3A_607, %get3A_608] {strides = array<i32>} : memref<1x8192xf32, #tpu.memory_space<vmem>>, vector<16xf32>,
      %add3A = arith.addf %get3A_609, %gather3A : vector<16xf32>
      %swap3A = arith.constant 0 : i32
      %swap3A_610 = arith.index_cast %swap3A : i32 to index
      %swap3A_611 = arith.index_cast %mul3A_604 : i32 to index
      %swap3A_612 = tpu.vector_load %arg7[%swap3A_610, %swap3A_611] {strides = array<i32>} : memref<1x8192xf32, #tpu.memory_space<vmem>>, vector<16xf32>,
      tpu.vector_store %arg7[%swap3A_610, %swap3A_611], %add3A {strides = array<i32>} : memref<1x8192xf32, #tpu.memory_space<vmem>>, vector<16xf32>,
      %get3A_613 = arith.index_cast %mul3A_604 : i32 to index
      %get3A_614 = tpu.vector_load %arg8[%get3A_613] {strides = array<i32>} : memref<8192xf32, #tpu.memory_space<vmem>>, vector<16xf32>,
      %mul3A_615 = arith.mulf %gather3A, %gather3A : vector<16xf32>
      %add3A_616 = arith.addf %get3A_614, %mul3A_615 : vector<16xf32>
      %swap3A_617 = arith.index_cast %mul3A_604 : i32 to index
      %swap3A_618 = tpu.vector_load %arg8[%swap3A_617] {strides = array<i32>} : memref<8192xf32, #tpu.memory_space<vmem>>, vector<16xf32>,
      tpu.vector_store %arg8[%swap3A_617], %add3A_616 {strides = array<i32>} : memref<8192xf32, #tpu.memory_space<vmem>>, vector<16xf32>,
    }
    %scan3A_386 = arith.constant 512 : i32
    %dma_start3A_387 = arith.constant 17 : i32
    %dma_start3A_388 = arith.constant 0 : i32
    %dma_start3A_389 = tpu.memref_slice %arg2[%dma_start3A_387, %arg1, %dma_start3A_388] : memref<26x16x100000xf32, #tpu.memory_space<hbm>> -> memref<1x1x100000xf32, #tpu.memory_space<hbm>>
    %dma_start3A_390 = tpu.memref_squeeze %dma_start3A_389 : memref<1x1x100000xf32, #tpu.memory_space<hbm>> -> memref<1x100000xf32, #tpu.memory_space<hbm>>
    %dma_start3A_391 = arith.constant 0 : i32
    %dma_start3A_392 = tpu.memref_slice %arg2[%dma_start3A_387, %arg1, %dma_start3A_391] : memref<26x16x100000xf32, #tpu.memory_space<hbm>> -> memref<1x1x100000xf32, #tpu.memory_space<hbm>>
    %dma_start3A_393 = tpu.memref_squeeze %dma_start3A_392 : memref<1x1x100000xf32, #tpu.memory_space<hbm>> -> memref<1x100000xf32, #tpu.memory_space<hbm>>
    tpu.enqueue_dma source(%dma_start3A_393 : memref<1x100000xf32, #tpu.memory_space<hbm>>) target(%arg5 : memref<1x100000xf32, #tpu.memory_space<vmem>>) target_semaphore(%arg9 : memref<!tpu.dma_semaphore, #tpu.memory_space<semaphore_mem>>)
    %mul3A_394 = arith.constant 8192 : i32
    %mul3A_395 = arith.muli %arg0, %mul3A_394 : i32
    %run_scoped3A_396 = arith.constant 17 : i32
    "tpu.region"() ({
      %run_scoped3A_602 = tpu.sem_alloc : memref<!tpu.dma_semaphore, #tpu.memory_space<semaphore_mem>>
      %dma_start3A_603 = tpu.memref_slice %arg3[%run_scoped3A_396, %mul3A_395] : memref<26x16384xi32, #tpu.memory_space<hbm>> -> memref<1x8192xi32, #tpu.memory_space<hbm>>
      %dma_start3A_604 = tpu.memref_squeeze %dma_start3A_603 : memref<1x8192xi32, #tpu.memory_space<hbm>> -> memref<8192xi32, #tpu.memory_space<hbm>>
      %dma_start3A_605 = tpu.memref_slice %arg3[%run_scoped3A_396, %mul3A_395] : memref<26x16384xi32, #tpu.memory_space<hbm>> -> memref<1x8192xi32, #tpu.memory_space<hbm>>
      %dma_start3A_606 = tpu.memref_squeeze %dma_start3A_605 : memref<1x8192xi32, #tpu.memory_space<hbm>> -> memref<8192xi32, #tpu.memory_space<hbm>>
      tpu.enqueue_dma source(%dma_start3A_606 : memref<8192xi32, #tpu.memory_space<hbm>>) target(%arg6 : memref<8192xi32, #tpu.memory_space<vmem>>) target_semaphore(%run_scoped3A_602 : memref<!tpu.dma_semaphore, #tpu.memory_space<semaphore_mem>>)
      %dma_wait3A_607 = tpu.memref_slice %arg3[%run_scoped3A_396, %mul3A_395] : memref<26x16384xi32, #tpu.memory_space<hbm>> -> memref<1x8192xi32, #tpu.memory_space<hbm>>
      %dma_wait3A_608 = tpu.memref_squeeze %dma_wait3A_607 : memref<1x8192xi32, #tpu.memory_space<hbm>> -> memref<8192xi32, #tpu.memory_space<hbm>>
      %dma_wait3A_609 = tpu.memref_slice %arg3[%run_scoped3A_396, %mul3A_395] : memref<26x16384xi32, #tpu.memory_space<hbm>> -> memref<1x8192xi32, #tpu.memory_space<hbm>>
      %dma_wait3A_610 = tpu.memref_squeeze %dma_wait3A_609 : memref<1x8192xi32, #tpu.memory_space<hbm>> -> memref<8192xi32, #tpu.memory_space<hbm>>
      tpu.wait_dma2 semaphore(%run_scoped3A_602 : memref<!tpu.dma_semaphore, #tpu.memory_space<semaphore_mem>>) src(%dma_wait3A_610 : memref<8192xi32, #tpu.memory_space<hbm>>) dst(%arg6 : memref<8192xi32, #tpu.memory_space<vmem>>)
      tpu.yield
    }) : () -> ()
    %dma_wait3A_397 = arith.constant 17 : i32
    %dma_wait3A_398 = arith.constant 0 : i32
    %dma_wait3A_399 = tpu.memref_slice %arg2[%dma_wait3A_397, %arg1, %dma_wait3A_398] : memref<26x16x100000xf32, #tpu.memory_space<hbm>> -> memref<1x1x100000xf32, #tpu.memory_space<hbm>>
    %dma_wait3A_400 = tpu.memref_squeeze %dma_wait3A_399 : memref<1x1x100000xf32, #tpu.memory_space<hbm>> -> memref<1x100000xf32, #tpu.memory_space<hbm>>
    %dma_wait3A_401 = arith.constant 0 : i32
    %dma_wait3A_402 = tpu.memref_slice %arg2[%dma_wait3A_397, %arg1, %dma_wait3A_401] : memref<26x16x100000xf32, #tpu.memory_space<hbm>> -> memref<1x1x100000xf32, #tpu.memory_space<hbm>>
    %dma_wait3A_403 = tpu.memref_squeeze %dma_wait3A_402 : memref<1x1x100000xf32, #tpu.memory_space<hbm>> -> memref<1x100000xf32, #tpu.memory_space<hbm>>
    tpu.wait_dma2 semaphore(%arg9 : memref<!tpu.dma_semaphore, #tpu.memory_space<semaphore_mem>>) src(%dma_wait3A_403 : memref<1x100000xf32, #tpu.memory_space<hbm>>) dst(%arg5 : memref<1x100000xf32, #tpu.memory_space<vmem>>)
    %scan3A_404 = arith.constant 0 : i32
    %scan3A_405 = arith.constant 0 : i32
    %scan3A_406 = arith.constant 512 : i32
    %scan3A_407 = arith.addi %scan3A_405, %scan3A_406 : i32
    %scan3A_408 = arith.constant 1 : i32
    scf.for %scan3A_602 = %scan3A_405 to %scan3A_407 step %scan3A_408  : i32 {
      %mul3A_603 = arith.constant 16 : i32
      %mul3A_604 = arith.muli %scan3A_602, %mul3A_603 : i32
      %get3A = arith.index_cast %mul3A_604 : i32 to index
      %get3A_605 = tpu.vector_load %arg6[%get3A] {strides = array<i32>} : memref<8192xi32, #tpu.memory_space<vmem>>, vector<16xi32>,
      %gather3A = tpu.vector_load_idx %arg5[%broadcast_in_dim3A_0, %get3A_605] : memref<1x100000xf32, #tpu.memory_space<vmem>>[vector<16xi32>, vector<16xi32>], vector<16xf32>,
      %get3A_606 = arith.constant 0 : i32
      %get3A_607 = arith.index_cast %get3A_606 : i32 to index
      %get3A_608 = arith.index_cast %mul3A_604 : i32 to index
      %get3A_609 = tpu.vector_load %arg7[%get3A_607, %get3A_608] {strides = array<i32>} : memref<1x8192xf32, #tpu.memory_space<vmem>>, vector<16xf32>,
      %add3A = arith.addf %get3A_609, %gather3A : vector<16xf32>
      %swap3A = arith.constant 0 : i32
      %swap3A_610 = arith.index_cast %swap3A : i32 to index
      %swap3A_611 = arith.index_cast %mul3A_604 : i32 to index
      %swap3A_612 = tpu.vector_load %arg7[%swap3A_610, %swap3A_611] {strides = array<i32>} : memref<1x8192xf32, #tpu.memory_space<vmem>>, vector<16xf32>,
      tpu.vector_store %arg7[%swap3A_610, %swap3A_611], %add3A {strides = array<i32>} : memref<1x8192xf32, #tpu.memory_space<vmem>>, vector<16xf32>,
      %get3A_613 = arith.index_cast %mul3A_604 : i32 to index
      %get3A_614 = tpu.vector_load %arg8[%get3A_613] {strides = array<i32>} : memref<8192xf32, #tpu.memory_space<vmem>>, vector<16xf32>,
      %mul3A_615 = arith.mulf %gather3A, %gather3A : vector<16xf32>
      %add3A_616 = arith.addf %get3A_614, %mul3A_615 : vector<16xf32>
      %swap3A_617 = arith.index_cast %mul3A_604 : i32 to index
      %swap3A_618 = tpu.vector_load %arg8[%swap3A_617] {strides = array<i32>} : memref<8192xf32, #tpu.memory_space<vmem>>, vector<16xf32>,
      tpu.vector_store %arg8[%swap3A_617], %add3A_616 {strides = array<i32>} : memref<8192xf32, #tpu.memory_space<vmem>>, vector<16xf32>,
    }
    %scan3A_409 = arith.constant 512 : i32
    %dma_start3A_410 = arith.constant 18 : i32
    %dma_start3A_411 = arith.constant 0 : i32
    %dma_start3A_412 = tpu.memref_slice %arg2[%dma_start3A_410, %arg1, %dma_start3A_411] : memref<26x16x100000xf32, #tpu.memory_space<hbm>> -> memref<1x1x100000xf32, #tpu.memory_space<hbm>>
    %dma_start3A_413 = tpu.memref_squeeze %dma_start3A_412 : memref<1x1x100000xf32, #tpu.memory_space<hbm>> -> memref<1x100000xf32, #tpu.memory_space<hbm>>
    %dma_start3A_414 = arith.constant 0 : i32
    %dma_start3A_415 = tpu.memref_slice %arg2[%dma_start3A_410, %arg1, %dma_start3A_414] : memref<26x16x100000xf32, #tpu.memory_space<hbm>> -> memref<1x1x100000xf32, #tpu.memory_space<hbm>>
    %dma_start3A_416 = tpu.memref_squeeze %dma_start3A_415 : memref<1x1x100000xf32, #tpu.memory_space<hbm>> -> memref<1x100000xf32, #tpu.memory_space<hbm>>
    tpu.enqueue_dma source(%dma_start3A_416 : memref<1x100000xf32, #tpu.memory_space<hbm>>) target(%arg5 : memref<1x100000xf32, #tpu.memory_space<vmem>>) target_semaphore(%arg9 : memref<!tpu.dma_semaphore, #tpu.memory_space<semaphore_mem>>)
    %mul3A_417 = arith.constant 8192 : i32
    %mul3A_418 = arith.muli %arg0, %mul3A_417 : i32
    %run_scoped3A_419 = arith.constant 18 : i32
    "tpu.region"() ({
      %run_scoped3A_602 = tpu.sem_alloc : memref<!tpu.dma_semaphore, #tpu.memory_space<semaphore_mem>>
      %dma_start3A_603 = tpu.memref_slice %arg3[%run_scoped3A_419, %mul3A_418] : memref<26x16384xi32, #tpu.memory_space<hbm>> -> memref<1x8192xi32, #tpu.memory_space<hbm>>
      %dma_start3A_604 = tpu.memref_squeeze %dma_start3A_603 : memref<1x8192xi32, #tpu.memory_space<hbm>> -> memref<8192xi32, #tpu.memory_space<hbm>>
      %dma_start3A_605 = tpu.memref_slice %arg3[%run_scoped3A_419, %mul3A_418] : memref<26x16384xi32, #tpu.memory_space<hbm>> -> memref<1x8192xi32, #tpu.memory_space<hbm>>
      %dma_start3A_606 = tpu.memref_squeeze %dma_start3A_605 : memref<1x8192xi32, #tpu.memory_space<hbm>> -> memref<8192xi32, #tpu.memory_space<hbm>>
      tpu.enqueue_dma source(%dma_start3A_606 : memref<8192xi32, #tpu.memory_space<hbm>>) target(%arg6 : memref<8192xi32, #tpu.memory_space<vmem>>) target_semaphore(%run_scoped3A_602 : memref<!tpu.dma_semaphore, #tpu.memory_space<semaphore_mem>>)
      %dma_wait3A_607 = tpu.memref_slice %arg3[%run_scoped3A_419, %mul3A_418] : memref<26x16384xi32, #tpu.memory_space<hbm>> -> memref<1x8192xi32, #tpu.memory_space<hbm>>
      %dma_wait3A_608 = tpu.memref_squeeze %dma_wait3A_607 : memref<1x8192xi32, #tpu.memory_space<hbm>> -> memref<8192xi32, #tpu.memory_space<hbm>>
      %dma_wait3A_609 = tpu.memref_slice %arg3[%run_scoped3A_419, %mul3A_418] : memref<26x16384xi32, #tpu.memory_space<hbm>> -> memref<1x8192xi32, #tpu.memory_space<hbm>>
      %dma_wait3A_610 = tpu.memref_squeeze %dma_wait3A_609 : memref<1x8192xi32, #tpu.memory_space<hbm>> -> memref<8192xi32, #tpu.memory_space<hbm>>
      tpu.wait_dma2 semaphore(%run_scoped3A_602 : memref<!tpu.dma_semaphore, #tpu.memory_space<semaphore_mem>>) src(%dma_wait3A_610 : memref<8192xi32, #tpu.memory_space<hbm>>) dst(%arg6 : memref<8192xi32, #tpu.memory_space<vmem>>)
      tpu.yield
    }) : () -> ()
    %dma_wait3A_420 = arith.constant 18 : i32
    %dma_wait3A_421 = arith.constant 0 : i32
    %dma_wait3A_422 = tpu.memref_slice %arg2[%dma_wait3A_420, %arg1, %dma_wait3A_421] : memref<26x16x100000xf32, #tpu.memory_space<hbm>> -> memref<1x1x100000xf32, #tpu.memory_space<hbm>>
    %dma_wait3A_423 = tpu.memref_squeeze %dma_wait3A_422 : memref<1x1x100000xf32, #tpu.memory_space<hbm>> -> memref<1x100000xf32, #tpu.memory_space<hbm>>
    %dma_wait3A_424 = arith.constant 0 : i32
    %dma_wait3A_425 = tpu.memref_slice %arg2[%dma_wait3A_420, %arg1, %dma_wait3A_424] : memref<26x16x100000xf32, #tpu.memory_space<hbm>> -> memref<1x1x100000xf32, #tpu.memory_space<hbm>>
    %dma_wait3A_426 = tpu.memref_squeeze %dma_wait3A_425 : memref<1x1x100000xf32, #tpu.memory_space<hbm>> -> memref<1x100000xf32, #tpu.memory_space<hbm>>
    tpu.wait_dma2 semaphore(%arg9 : memref<!tpu.dma_semaphore, #tpu.memory_space<semaphore_mem>>) src(%dma_wait3A_426 : memref<1x100000xf32, #tpu.memory_space<hbm>>) dst(%arg5 : memref<1x100000xf32, #tpu.memory_space<vmem>>)
    %scan3A_427 = arith.constant 0 : i32
    %scan3A_428 = arith.constant 0 : i32
    %scan3A_429 = arith.constant 512 : i32
    %scan3A_430 = arith.addi %scan3A_428, %scan3A_429 : i32
    %scan3A_431 = arith.constant 1 : i32
    scf.for %scan3A_602 = %scan3A_428 to %scan3A_430 step %scan3A_431  : i32 {
      %mul3A_603 = arith.constant 16 : i32
      %mul3A_604 = arith.muli %scan3A_602, %mul3A_603 : i32
      %get3A = arith.index_cast %mul3A_604 : i32 to index
      %get3A_605 = tpu.vector_load %arg6[%get3A] {strides = array<i32>} : memref<8192xi32, #tpu.memory_space<vmem>>, vector<16xi32>,
      %gather3A = tpu.vector_load_idx %arg5[%broadcast_in_dim3A_0, %get3A_605] : memref<1x100000xf32, #tpu.memory_space<vmem>>[vector<16xi32>, vector<16xi32>], vector<16xf32>,
      %get3A_606 = arith.constant 0 : i32
      %get3A_607 = arith.index_cast %get3A_606 : i32 to index
      %get3A_608 = arith.index_cast %mul3A_604 : i32 to index
      %get3A_609 = tpu.vector_load %arg7[%get3A_607, %get3A_608] {strides = array<i32>} : memref<1x8192xf32, #tpu.memory_space<vmem>>, vector<16xf32>,
      %add3A = arith.addf %get3A_609, %gather3A : vector<16xf32>
      %swap3A = arith.constant 0 : i32
      %swap3A_610 = arith.index_cast %swap3A : i32 to index
      %swap3A_611 = arith.index_cast %mul3A_604 : i32 to index
      %swap3A_612 = tpu.vector_load %arg7[%swap3A_610, %swap3A_611] {strides = array<i32>} : memref<1x8192xf32, #tpu.memory_space<vmem>>, vector<16xf32>,
      tpu.vector_store %arg7[%swap3A_610, %swap3A_611], %add3A {strides = array<i32>} : memref<1x8192xf32, #tpu.memory_space<vmem>>, vector<16xf32>,
      %get3A_613 = arith.index_cast %mul3A_604 : i32 to index
      %get3A_614 = tpu.vector_load %arg8[%get3A_613] {strides = array<i32>} : memref<8192xf32, #tpu.memory_space<vmem>>, vector<16xf32>,
      %mul3A_615 = arith.mulf %gather3A, %gather3A : vector<16xf32>
      %add3A_616 = arith.addf %get3A_614, %mul3A_615 : vector<16xf32>
      %swap3A_617 = arith.index_cast %mul3A_604 : i32 to index
      %swap3A_618 = tpu.vector_load %arg8[%swap3A_617] {strides = array<i32>} : memref<8192xf32, #tpu.memory_space<vmem>>, vector<16xf32>,
      tpu.vector_store %arg8[%swap3A_617], %add3A_616 {strides = array<i32>} : memref<8192xf32, #tpu.memory_space<vmem>>, vector<16xf32>,
    }
    %scan3A_432 = arith.constant 512 : i32
    %dma_start3A_433 = arith.constant 19 : i32
    %dma_start3A_434 = arith.constant 0 : i32
    %dma_start3A_435 = tpu.memref_slice %arg2[%dma_start3A_433, %arg1, %dma_start3A_434] : memref<26x16x100000xf32, #tpu.memory_space<hbm>> -> memref<1x1x100000xf32, #tpu.memory_space<hbm>>
    %dma_start3A_436 = tpu.memref_squeeze %dma_start3A_435 : memref<1x1x100000xf32, #tpu.memory_space<hbm>> -> memref<1x100000xf32, #tpu.memory_space<hbm>>
    %dma_start3A_437 = arith.constant 0 : i32
    %dma_start3A_438 = tpu.memref_slice %arg2[%dma_start3A_433, %arg1, %dma_start3A_437] : memref<26x16x100000xf32, #tpu.memory_space<hbm>> -> memref<1x1x100000xf32, #tpu.memory_space<hbm>>
    %dma_start3A_439 = tpu.memref_squeeze %dma_start3A_438 : memref<1x1x100000xf32, #tpu.memory_space<hbm>> -> memref<1x100000xf32, #tpu.memory_space<hbm>>
    tpu.enqueue_dma source(%dma_start3A_439 : memref<1x100000xf32, #tpu.memory_space<hbm>>) target(%arg5 : memref<1x100000xf32, #tpu.memory_space<vmem>>) target_semaphore(%arg9 : memref<!tpu.dma_semaphore, #tpu.memory_space<semaphore_mem>>)
    %mul3A_440 = arith.constant 8192 : i32
    %mul3A_441 = arith.muli %arg0, %mul3A_440 : i32
    %run_scoped3A_442 = arith.constant 19 : i32
    "tpu.region"() ({
      %run_scoped3A_602 = tpu.sem_alloc : memref<!tpu.dma_semaphore, #tpu.memory_space<semaphore_mem>>
      %dma_start3A_603 = tpu.memref_slice %arg3[%run_scoped3A_442, %mul3A_441] : memref<26x16384xi32, #tpu.memory_space<hbm>> -> memref<1x8192xi32, #tpu.memory_space<hbm>>
      %dma_start3A_604 = tpu.memref_squeeze %dma_start3A_603 : memref<1x8192xi32, #tpu.memory_space<hbm>> -> memref<8192xi32, #tpu.memory_space<hbm>>
      %dma_start3A_605 = tpu.memref_slice %arg3[%run_scoped3A_442, %mul3A_441] : memref<26x16384xi32, #tpu.memory_space<hbm>> -> memref<1x8192xi32, #tpu.memory_space<hbm>>
      %dma_start3A_606 = tpu.memref_squeeze %dma_start3A_605 : memref<1x8192xi32, #tpu.memory_space<hbm>> -> memref<8192xi32, #tpu.memory_space<hbm>>
      tpu.enqueue_dma source(%dma_start3A_606 : memref<8192xi32, #tpu.memory_space<hbm>>) target(%arg6 : memref<8192xi32, #tpu.memory_space<vmem>>) target_semaphore(%run_scoped3A_602 : memref<!tpu.dma_semaphore, #tpu.memory_space<semaphore_mem>>)
      %dma_wait3A_607 = tpu.memref_slice %arg3[%run_scoped3A_442, %mul3A_441] : memref<26x16384xi32, #tpu.memory_space<hbm>> -> memref<1x8192xi32, #tpu.memory_space<hbm>>
      %dma_wait3A_608 = tpu.memref_squeeze %dma_wait3A_607 : memref<1x8192xi32, #tpu.memory_space<hbm>> -> memref<8192xi32, #tpu.memory_space<hbm>>
      %dma_wait3A_609 = tpu.memref_slice %arg3[%run_scoped3A_442, %mul3A_441] : memref<26x16384xi32, #tpu.memory_space<hbm>> -> memref<1x8192xi32, #tpu.memory_space<hbm>>
      %dma_wait3A_610 = tpu.memref_squeeze %dma_wait3A_609 : memref<1x8192xi32, #tpu.memory_space<hbm>> -> memref<8192xi32, #tpu.memory_space<hbm>>
      tpu.wait_dma2 semaphore(%run_scoped3A_602 : memref<!tpu.dma_semaphore, #tpu.memory_space<semaphore_mem>>) src(%dma_wait3A_610 : memref<8192xi32, #tpu.memory_space<hbm>>) dst(%arg6 : memref<8192xi32, #tpu.memory_space<vmem>>)
      tpu.yield
    }) : () -> ()
    %dma_wait3A_443 = arith.constant 19 : i32
    %dma_wait3A_444 = arith.constant 0 : i32
    %dma_wait3A_445 = tpu.memref_slice %arg2[%dma_wait3A_443, %arg1, %dma_wait3A_444] : memref<26x16x100000xf32, #tpu.memory_space<hbm>> -> memref<1x1x100000xf32, #tpu.memory_space<hbm>>
    %dma_wait3A_446 = tpu.memref_squeeze %dma_wait3A_445 : memref<1x1x100000xf32, #tpu.memory_space<hbm>> -> memref<1x100000xf32, #tpu.memory_space<hbm>>
    %dma_wait3A_447 = arith.constant 0 : i32
    %dma_wait3A_448 = tpu.memref_slice %arg2[%dma_wait3A_443, %arg1, %dma_wait3A_447] : memref<26x16x100000xf32, #tpu.memory_space<hbm>> -> memref<1x1x100000xf32, #tpu.memory_space<hbm>>
    %dma_wait3A_449 = tpu.memref_squeeze %dma_wait3A_448 : memref<1x1x100000xf32, #tpu.memory_space<hbm>> -> memref<1x100000xf32, #tpu.memory_space<hbm>>
    tpu.wait_dma2 semaphore(%arg9 : memref<!tpu.dma_semaphore, #tpu.memory_space<semaphore_mem>>) src(%dma_wait3A_449 : memref<1x100000xf32, #tpu.memory_space<hbm>>) dst(%arg5 : memref<1x100000xf32, #tpu.memory_space<vmem>>)
    %scan3A_450 = arith.constant 0 : i32
    %scan3A_451 = arith.constant 0 : i32
    %scan3A_452 = arith.constant 512 : i32
    %scan3A_453 = arith.addi %scan3A_451, %scan3A_452 : i32
    %scan3A_454 = arith.constant 1 : i32
    scf.for %scan3A_602 = %scan3A_451 to %scan3A_453 step %scan3A_454  : i32 {
      %mul3A_603 = arith.constant 16 : i32
      %mul3A_604 = arith.muli %scan3A_602, %mul3A_603 : i32
      %get3A = arith.index_cast %mul3A_604 : i32 to index
      %get3A_605 = tpu.vector_load %arg6[%get3A] {strides = array<i32>} : memref<8192xi32, #tpu.memory_space<vmem>>, vector<16xi32>,
      %gather3A = tpu.vector_load_idx %arg5[%broadcast_in_dim3A_0, %get3A_605] : memref<1x100000xf32, #tpu.memory_space<vmem>>[vector<16xi32>, vector<16xi32>], vector<16xf32>,
      %get3A_606 = arith.constant 0 : i32
      %get3A_607 = arith.index_cast %get3A_606 : i32 to index
      %get3A_608 = arith.index_cast %mul3A_604 : i32 to index
      %get3A_609 = tpu.vector_load %arg7[%get3A_607, %get3A_608] {strides = array<i32>} : memref<1x8192xf32, #tpu.memory_space<vmem>>, vector<16xf32>,
      %add3A = arith.addf %get3A_609, %gather3A : vector<16xf32>
      %swap3A = arith.constant 0 : i32
      %swap3A_610 = arith.index_cast %swap3A : i32 to index
      %swap3A_611 = arith.index_cast %mul3A_604 : i32 to index
      %swap3A_612 = tpu.vector_load %arg7[%swap3A_610, %swap3A_611] {strides = array<i32>} : memref<1x8192xf32, #tpu.memory_space<vmem>>, vector<16xf32>,
      tpu.vector_store %arg7[%swap3A_610, %swap3A_611], %add3A {strides = array<i32>} : memref<1x8192xf32, #tpu.memory_space<vmem>>, vector<16xf32>,
      %get3A_613 = arith.index_cast %mul3A_604 : i32 to index
      %get3A_614 = tpu.vector_load %arg8[%get3A_613] {strides = array<i32>} : memref<8192xf32, #tpu.memory_space<vmem>>, vector<16xf32>,
      %mul3A_615 = arith.mulf %gather3A, %gather3A : vector<16xf32>
      %add3A_616 = arith.addf %get3A_614, %mul3A_615 : vector<16xf32>
      %swap3A_617 = arith.index_cast %mul3A_604 : i32 to index
      %swap3A_618 = tpu.vector_load %arg8[%swap3A_617] {strides = array<i32>} : memref<8192xf32, #tpu.memory_space<vmem>>, vector<16xf32>,
      tpu.vector_store %arg8[%swap3A_617], %add3A_616 {strides = array<i32>} : memref<8192xf32, #tpu.memory_space<vmem>>, vector<16xf32>,
    }
    %scan3A_455 = arith.constant 512 : i32
    %dma_start3A_456 = arith.constant 20 : i32
    %dma_start3A_457 = arith.constant 0 : i32
    %dma_start3A_458 = tpu.memref_slice %arg2[%dma_start3A_456, %arg1, %dma_start3A_457] : memref<26x16x100000xf32, #tpu.memory_space<hbm>> -> memref<1x1x100000xf32, #tpu.memory_space<hbm>>
    %dma_start3A_459 = tpu.memref_squeeze %dma_start3A_458 : memref<1x1x100000xf32, #tpu.memory_space<hbm>> -> memref<1x100000xf32, #tpu.memory_space<hbm>>
    %dma_start3A_460 = arith.constant 0 : i32
    %dma_start3A_461 = tpu.memref_slice %arg2[%dma_start3A_456, %arg1, %dma_start3A_460] : memref<26x16x100000xf32, #tpu.memory_space<hbm>> -> memref<1x1x100000xf32, #tpu.memory_space<hbm>>
    %dma_start3A_462 = tpu.memref_squeeze %dma_start3A_461 : memref<1x1x100000xf32, #tpu.memory_space<hbm>> -> memref<1x100000xf32, #tpu.memory_space<hbm>>
    tpu.enqueue_dma source(%dma_start3A_462 : memref<1x100000xf32, #tpu.memory_space<hbm>>) target(%arg5 : memref<1x100000xf32, #tpu.memory_space<vmem>>) target_semaphore(%arg9 : memref<!tpu.dma_semaphore, #tpu.memory_space<semaphore_mem>>)
    %mul3A_463 = arith.constant 8192 : i32
    %mul3A_464 = arith.muli %arg0, %mul3A_463 : i32
    %run_scoped3A_465 = arith.constant 20 : i32
    "tpu.region"() ({
      %run_scoped3A_602 = tpu.sem_alloc : memref<!tpu.dma_semaphore, #tpu.memory_space<semaphore_mem>>
      %dma_start3A_603 = tpu.memref_slice %arg3[%run_scoped3A_465, %mul3A_464] : memref<26x16384xi32, #tpu.memory_space<hbm>> -> memref<1x8192xi32, #tpu.memory_space<hbm>>
      %dma_start3A_604 = tpu.memref_squeeze %dma_start3A_603 : memref<1x8192xi32, #tpu.memory_space<hbm>> -> memref<8192xi32, #tpu.memory_space<hbm>>
      %dma_start3A_605 = tpu.memref_slice %arg3[%run_scoped3A_465, %mul3A_464] : memref<26x16384xi32, #tpu.memory_space<hbm>> -> memref<1x8192xi32, #tpu.memory_space<hbm>>
      %dma_start3A_606 = tpu.memref_squeeze %dma_start3A_605 : memref<1x8192xi32, #tpu.memory_space<hbm>> -> memref<8192xi32, #tpu.memory_space<hbm>>
      tpu.enqueue_dma source(%dma_start3A_606 : memref<8192xi32, #tpu.memory_space<hbm>>) target(%arg6 : memref<8192xi32, #tpu.memory_space<vmem>>) target_semaphore(%run_scoped3A_602 : memref<!tpu.dma_semaphore, #tpu.memory_space<semaphore_mem>>)
      %dma_wait3A_607 = tpu.memref_slice %arg3[%run_scoped3A_465, %mul3A_464] : memref<26x16384xi32, #tpu.memory_space<hbm>> -> memref<1x8192xi32, #tpu.memory_space<hbm>>
      %dma_wait3A_608 = tpu.memref_squeeze %dma_wait3A_607 : memref<1x8192xi32, #tpu.memory_space<hbm>> -> memref<8192xi32, #tpu.memory_space<hbm>>
      %dma_wait3A_609 = tpu.memref_slice %arg3[%run_scoped3A_465, %mul3A_464] : memref<26x16384xi32, #tpu.memory_space<hbm>> -> memref<1x8192xi32, #tpu.memory_space<hbm>>
      %dma_wait3A_610 = tpu.memref_squeeze %dma_wait3A_609 : memref<1x8192xi32, #tpu.memory_space<hbm>> -> memref<8192xi32, #tpu.memory_space<hbm>>
      tpu.wait_dma2 semaphore(%run_scoped3A_602 : memref<!tpu.dma_semaphore, #tpu.memory_space<semaphore_mem>>) src(%dma_wait3A_610 : memref<8192xi32, #tpu.memory_space<hbm>>) dst(%arg6 : memref<8192xi32, #tpu.memory_space<vmem>>)
      tpu.yield
    }) : () -> ()
    %dma_wait3A_466 = arith.constant 20 : i32
    %dma_wait3A_467 = arith.constant 0 : i32
    %dma_wait3A_468 = tpu.memref_slice %arg2[%dma_wait3A_466, %arg1, %dma_wait3A_467] : memref<26x16x100000xf32, #tpu.memory_space<hbm>> -> memref<1x1x100000xf32, #tpu.memory_space<hbm>>
    %dma_wait3A_469 = tpu.memref_squeeze %dma_wait3A_468 : memref<1x1x100000xf32, #tpu.memory_space<hbm>> -> memref<1x100000xf32, #tpu.memory_space<hbm>>
    %dma_wait3A_470 = arith.constant 0 : i32
    %dma_wait3A_471 = tpu.memref_slice %arg2[%dma_wait3A_466, %arg1, %dma_wait3A_470] : memref<26x16x100000xf32, #tpu.memory_space<hbm>> -> memref<1x1x100000xf32, #tpu.memory_space<hbm>>
    %dma_wait3A_472 = tpu.memref_squeeze %dma_wait3A_471 : memref<1x1x100000xf32, #tpu.memory_space<hbm>> -> memref<1x100000xf32, #tpu.memory_space<hbm>>
    tpu.wait_dma2 semaphore(%arg9 : memref<!tpu.dma_semaphore, #tpu.memory_space<semaphore_mem>>) src(%dma_wait3A_472 : memref<1x100000xf32, #tpu.memory_space<hbm>>) dst(%arg5 : memref<1x100000xf32, #tpu.memory_space<vmem>>)
    %scan3A_473 = arith.constant 0 : i32
    %scan3A_474 = arith.constant 0 : i32
    %scan3A_475 = arith.constant 512 : i32
    %scan3A_476 = arith.addi %scan3A_474, %scan3A_475 : i32
    %scan3A_477 = arith.constant 1 : i32
    scf.for %scan3A_602 = %scan3A_474 to %scan3A_476 step %scan3A_477  : i32 {
      %mul3A_603 = arith.constant 16 : i32
      %mul3A_604 = arith.muli %scan3A_602, %mul3A_603 : i32
      %get3A = arith.index_cast %mul3A_604 : i32 to index
      %get3A_605 = tpu.vector_load %arg6[%get3A] {strides = array<i32>} : memref<8192xi32, #tpu.memory_space<vmem>>, vector<16xi32>,
      %gather3A = tpu.vector_load_idx %arg5[%broadcast_in_dim3A_0, %get3A_605] : memref<1x100000xf32, #tpu.memory_space<vmem>>[vector<16xi32>, vector<16xi32>], vector<16xf32>,
      %get3A_606 = arith.constant 0 : i32
      %get3A_607 = arith.index_cast %get3A_606 : i32 to index
      %get3A_608 = arith.index_cast %mul3A_604 : i32 to index
      %get3A_609 = tpu.vector_load %arg7[%get3A_607, %get3A_608] {strides = array<i32>} : memref<1x8192xf32, #tpu.memory_space<vmem>>, vector<16xf32>,
      %add3A = arith.addf %get3A_609, %gather3A : vector<16xf32>
      %swap3A = arith.constant 0 : i32
      %swap3A_610 = arith.index_cast %swap3A : i32 to index
      %swap3A_611 = arith.index_cast %mul3A_604 : i32 to index
      %swap3A_612 = tpu.vector_load %arg7[%swap3A_610, %swap3A_611] {strides = array<i32>} : memref<1x8192xf32, #tpu.memory_space<vmem>>, vector<16xf32>,
      tpu.vector_store %arg7[%swap3A_610, %swap3A_611], %add3A {strides = array<i32>} : memref<1x8192xf32, #tpu.memory_space<vmem>>, vector<16xf32>,
      %get3A_613 = arith.index_cast %mul3A_604 : i32 to index
      %get3A_614 = tpu.vector_load %arg8[%get3A_613] {strides = array<i32>} : memref<8192xf32, #tpu.memory_space<vmem>>, vector<16xf32>,
      %mul3A_615 = arith.mulf %gather3A, %gather3A : vector<16xf32>
      %add3A_616 = arith.addf %get3A_614, %mul3A_615 : vector<16xf32>
      %swap3A_617 = arith.index_cast %mul3A_604 : i32 to index
      %swap3A_618 = tpu.vector_load %arg8[%swap3A_617] {strides = array<i32>} : memref<8192xf32, #tpu.memory_space<vmem>>, vector<16xf32>,
      tpu.vector_store %arg8[%swap3A_617], %add3A_616 {strides = array<i32>} : memref<8192xf32, #tpu.memory_space<vmem>>, vector<16xf32>,
    }
    %scan3A_478 = arith.constant 512 : i32
    %dma_start3A_479 = arith.constant 21 : i32
    %dma_start3A_480 = arith.constant 0 : i32
    %dma_start3A_481 = tpu.memref_slice %arg2[%dma_start3A_479, %arg1, %dma_start3A_480] : memref<26x16x100000xf32, #tpu.memory_space<hbm>> -> memref<1x1x100000xf32, #tpu.memory_space<hbm>>
    %dma_start3A_482 = tpu.memref_squeeze %dma_start3A_481 : memref<1x1x100000xf32, #tpu.memory_space<hbm>> -> memref<1x100000xf32, #tpu.memory_space<hbm>>
    %dma_start3A_483 = arith.constant 0 : i32
    %dma_start3A_484 = tpu.memref_slice %arg2[%dma_start3A_479, %arg1, %dma_start3A_483] : memref<26x16x100000xf32, #tpu.memory_space<hbm>> -> memref<1x1x100000xf32, #tpu.memory_space<hbm>>
    %dma_start3A_485 = tpu.memref_squeeze %dma_start3A_484 : memref<1x1x100000xf32, #tpu.memory_space<hbm>> -> memref<1x100000xf32, #tpu.memory_space<hbm>>
    tpu.enqueue_dma source(%dma_start3A_485 : memref<1x100000xf32, #tpu.memory_space<hbm>>) target(%arg5 : memref<1x100000xf32, #tpu.memory_space<vmem>>) target_semaphore(%arg9 : memref<!tpu.dma_semaphore, #tpu.memory_space<semaphore_mem>>)
    %mul3A_486 = arith.constant 8192 : i32
    %mul3A_487 = arith.muli %arg0, %mul3A_486 : i32
    %run_scoped3A_488 = arith.constant 21 : i32
    "tpu.region"() ({
      %run_scoped3A_602 = tpu.sem_alloc : memref<!tpu.dma_semaphore, #tpu.memory_space<semaphore_mem>>
      %dma_start3A_603 = tpu.memref_slice %arg3[%run_scoped3A_488, %mul3A_487] : memref<26x16384xi32, #tpu.memory_space<hbm>> -> memref<1x8192xi32, #tpu.memory_space<hbm>>
      %dma_start3A_604 = tpu.memref_squeeze %dma_start3A_603 : memref<1x8192xi32, #tpu.memory_space<hbm>> -> memref<8192xi32, #tpu.memory_space<hbm>>
      %dma_start3A_605 = tpu.memref_slice %arg3[%run_scoped3A_488, %mul3A_487] : memref<26x16384xi32, #tpu.memory_space<hbm>> -> memref<1x8192xi32, #tpu.memory_space<hbm>>
      %dma_start3A_606 = tpu.memref_squeeze %dma_start3A_605 : memref<1x8192xi32, #tpu.memory_space<hbm>> -> memref<8192xi32, #tpu.memory_space<hbm>>
      tpu.enqueue_dma source(%dma_start3A_606 : memref<8192xi32, #tpu.memory_space<hbm>>) target(%arg6 : memref<8192xi32, #tpu.memory_space<vmem>>) target_semaphore(%run_scoped3A_602 : memref<!tpu.dma_semaphore, #tpu.memory_space<semaphore_mem>>)
      %dma_wait3A_607 = tpu.memref_slice %arg3[%run_scoped3A_488, %mul3A_487] : memref<26x16384xi32, #tpu.memory_space<hbm>> -> memref<1x8192xi32, #tpu.memory_space<hbm>>
      %dma_wait3A_608 = tpu.memref_squeeze %dma_wait3A_607 : memref<1x8192xi32, #tpu.memory_space<hbm>> -> memref<8192xi32, #tpu.memory_space<hbm>>
      %dma_wait3A_609 = tpu.memref_slice %arg3[%run_scoped3A_488, %mul3A_487] : memref<26x16384xi32, #tpu.memory_space<hbm>> -> memref<1x8192xi32, #tpu.memory_space<hbm>>
      %dma_wait3A_610 = tpu.memref_squeeze %dma_wait3A_609 : memref<1x8192xi32, #tpu.memory_space<hbm>> -> memref<8192xi32, #tpu.memory_space<hbm>>
      tpu.wait_dma2 semaphore(%run_scoped3A_602 : memref<!tpu.dma_semaphore, #tpu.memory_space<semaphore_mem>>) src(%dma_wait3A_610 : memref<8192xi32, #tpu.memory_space<hbm>>) dst(%arg6 : memref<8192xi32, #tpu.memory_space<vmem>>)
      tpu.yield
    }) : () -> ()
    %dma_wait3A_489 = arith.constant 21 : i32
    %dma_wait3A_490 = arith.constant 0 : i32
    %dma_wait3A_491 = tpu.memref_slice %arg2[%dma_wait3A_489, %arg1, %dma_wait3A_490] : memref<26x16x100000xf32, #tpu.memory_space<hbm>> -> memref<1x1x100000xf32, #tpu.memory_space<hbm>>
    %dma_wait3A_492 = tpu.memref_squeeze %dma_wait3A_491 : memref<1x1x100000xf32, #tpu.memory_space<hbm>> -> memref<1x100000xf32, #tpu.memory_space<hbm>>
    %dma_wait3A_493 = arith.constant 0 : i32
    %dma_wait3A_494 = tpu.memref_slice %arg2[%dma_wait3A_489, %arg1, %dma_wait3A_493] : memref<26x16x100000xf32, #tpu.memory_space<hbm>> -> memref<1x1x100000xf32, #tpu.memory_space<hbm>>
    %dma_wait3A_495 = tpu.memref_squeeze %dma_wait3A_494 : memref<1x1x100000xf32, #tpu.memory_space<hbm>> -> memref<1x100000xf32, #tpu.memory_space<hbm>>
    tpu.wait_dma2 semaphore(%arg9 : memref<!tpu.dma_semaphore, #tpu.memory_space<semaphore_mem>>) src(%dma_wait3A_495 : memref<1x100000xf32, #tpu.memory_space<hbm>>) dst(%arg5 : memref<1x100000xf32, #tpu.memory_space<vmem>>)
    %scan3A_496 = arith.constant 0 : i32
    %scan3A_497 = arith.constant 0 : i32
    %scan3A_498 = arith.constant 512 : i32
    %scan3A_499 = arith.addi %scan3A_497, %scan3A_498 : i32
    %scan3A_500 = arith.constant 1 : i32
    scf.for %scan3A_602 = %scan3A_497 to %scan3A_499 step %scan3A_500  : i32 {
      %mul3A_603 = arith.constant 16 : i32
      %mul3A_604 = arith.muli %scan3A_602, %mul3A_603 : i32
      %get3A = arith.index_cast %mul3A_604 : i32 to index
      %get3A_605 = tpu.vector_load %arg6[%get3A] {strides = array<i32>} : memref<8192xi32, #tpu.memory_space<vmem>>, vector<16xi32>,
      %gather3A = tpu.vector_load_idx %arg5[%broadcast_in_dim3A_0, %get3A_605] : memref<1x100000xf32, #tpu.memory_space<vmem>>[vector<16xi32>, vector<16xi32>], vector<16xf32>,
      %get3A_606 = arith.constant 0 : i32
      %get3A_607 = arith.index_cast %get3A_606 : i32 to index
      %get3A_608 = arith.index_cast %mul3A_604 : i32 to index
      %get3A_609 = tpu.vector_load %arg7[%get3A_607, %get3A_608] {strides = array<i32>} : memref<1x8192xf32, #tpu.memory_space<vmem>>, vector<16xf32>,
      %add3A = arith.addf %get3A_609, %gather3A : vector<16xf32>
      %swap3A = arith.constant 0 : i32
      %swap3A_610 = arith.index_cast %swap3A : i32 to index
      %swap3A_611 = arith.index_cast %mul3A_604 : i32 to index
      %swap3A_612 = tpu.vector_load %arg7[%swap3A_610, %swap3A_611] {strides = array<i32>} : memref<1x8192xf32, #tpu.memory_space<vmem>>, vector<16xf32>,
      tpu.vector_store %arg7[%swap3A_610, %swap3A_611], %add3A {strides = array<i32>} : memref<1x8192xf32, #tpu.memory_space<vmem>>, vector<16xf32>,
      %get3A_613 = arith.index_cast %mul3A_604 : i32 to index
      %get3A_614 = tpu.vector_load %arg8[%get3A_613] {strides = array<i32>} : memref<8192xf32, #tpu.memory_space<vmem>>, vector<16xf32>,
      %mul3A_615 = arith.mulf %gather3A, %gather3A : vector<16xf32>
      %add3A_616 = arith.addf %get3A_614, %mul3A_615 : vector<16xf32>
      %swap3A_617 = arith.index_cast %mul3A_604 : i32 to index
      %swap3A_618 = tpu.vector_load %arg8[%swap3A_617] {strides = array<i32>} : memref<8192xf32, #tpu.memory_space<vmem>>, vector<16xf32>,
      tpu.vector_store %arg8[%swap3A_617], %add3A_616 {strides = array<i32>} : memref<8192xf32, #tpu.memory_space<vmem>>, vector<16xf32>,
    }
    %scan3A_501 = arith.constant 512 : i32
    %dma_start3A_502 = arith.constant 22 : i32
    %dma_start3A_503 = arith.constant 0 : i32
    %dma_start3A_504 = tpu.memref_slice %arg2[%dma_start3A_502, %arg1, %dma_start3A_503] : memref<26x16x100000xf32, #tpu.memory_space<hbm>> -> memref<1x1x100000xf32, #tpu.memory_space<hbm>>
    %dma_start3A_505 = tpu.memref_squeeze %dma_start3A_504 : memref<1x1x100000xf32, #tpu.memory_space<hbm>> -> memref<1x100000xf32, #tpu.memory_space<hbm>>
    %dma_start3A_506 = arith.constant 0 : i32
    %dma_start3A_507 = tpu.memref_slice %arg2[%dma_start3A_502, %arg1, %dma_start3A_506] : memref<26x16x100000xf32, #tpu.memory_space<hbm>> -> memref<1x1x100000xf32, #tpu.memory_space<hbm>>
    %dma_start3A_508 = tpu.memref_squeeze %dma_start3A_507 : memref<1x1x100000xf32, #tpu.memory_space<hbm>> -> memref<1x100000xf32, #tpu.memory_space<hbm>>
    tpu.enqueue_dma source(%dma_start3A_508 : memref<1x100000xf32, #tpu.memory_space<hbm>>) target(%arg5 : memref<1x100000xf32, #tpu.memory_space<vmem>>) target_semaphore(%arg9 : memref<!tpu.dma_semaphore, #tpu.memory_space<semaphore_mem>>)
    %mul3A_509 = arith.constant 8192 : i32
    %mul3A_510 = arith.muli %arg0, %mul3A_509 : i32
    %run_scoped3A_511 = arith.constant 22 : i32
    "tpu.region"() ({
      %run_scoped3A_602 = tpu.sem_alloc : memref<!tpu.dma_semaphore, #tpu.memory_space<semaphore_mem>>
      %dma_start3A_603 = tpu.memref_slice %arg3[%run_scoped3A_511, %mul3A_510] : memref<26x16384xi32, #tpu.memory_space<hbm>> -> memref<1x8192xi32, #tpu.memory_space<hbm>>
      %dma_start3A_604 = tpu.memref_squeeze %dma_start3A_603 : memref<1x8192xi32, #tpu.memory_space<hbm>> -> memref<8192xi32, #tpu.memory_space<hbm>>
      %dma_start3A_605 = tpu.memref_slice %arg3[%run_scoped3A_511, %mul3A_510] : memref<26x16384xi32, #tpu.memory_space<hbm>> -> memref<1x8192xi32, #tpu.memory_space<hbm>>
      %dma_start3A_606 = tpu.memref_squeeze %dma_start3A_605 : memref<1x8192xi32, #tpu.memory_space<hbm>> -> memref<8192xi32, #tpu.memory_space<hbm>>
      tpu.enqueue_dma source(%dma_start3A_606 : memref<8192xi32, #tpu.memory_space<hbm>>) target(%arg6 : memref<8192xi32, #tpu.memory_space<vmem>>) target_semaphore(%run_scoped3A_602 : memref<!tpu.dma_semaphore, #tpu.memory_space<semaphore_mem>>)
      %dma_wait3A_607 = tpu.memref_slice %arg3[%run_scoped3A_511, %mul3A_510] : memref<26x16384xi32, #tpu.memory_space<hbm>> -> memref<1x8192xi32, #tpu.memory_space<hbm>>
      %dma_wait3A_608 = tpu.memref_squeeze %dma_wait3A_607 : memref<1x8192xi32, #tpu.memory_space<hbm>> -> memref<8192xi32, #tpu.memory_space<hbm>>
      %dma_wait3A_609 = tpu.memref_slice %arg3[%run_scoped3A_511, %mul3A_510] : memref<26x16384xi32, #tpu.memory_space<hbm>> -> memref<1x8192xi32, #tpu.memory_space<hbm>>
      %dma_wait3A_610 = tpu.memref_squeeze %dma_wait3A_609 : memref<1x8192xi32, #tpu.memory_space<hbm>> -> memref<8192xi32, #tpu.memory_space<hbm>>
      tpu.wait_dma2 semaphore(%run_scoped3A_602 : memref<!tpu.dma_semaphore, #tpu.memory_space<semaphore_mem>>) src(%dma_wait3A_610 : memref<8192xi32, #tpu.memory_space<hbm>>) dst(%arg6 : memref<8192xi32, #tpu.memory_space<vmem>>)
      tpu.yield
    }) : () -> ()
    %dma_wait3A_512 = arith.constant 22 : i32
    %dma_wait3A_513 = arith.constant 0 : i32
    %dma_wait3A_514 = tpu.memref_slice %arg2[%dma_wait3A_512, %arg1, %dma_wait3A_513] : memref<26x16x100000xf32, #tpu.memory_space<hbm>> -> memref<1x1x100000xf32, #tpu.memory_space<hbm>>
    %dma_wait3A_515 = tpu.memref_squeeze %dma_wait3A_514 : memref<1x1x100000xf32, #tpu.memory_space<hbm>> -> memref<1x100000xf32, #tpu.memory_space<hbm>>
    %dma_wait3A_516 = arith.constant 0 : i32
    %dma_wait3A_517 = tpu.memref_slice %arg2[%dma_wait3A_512, %arg1, %dma_wait3A_516] : memref<26x16x100000xf32, #tpu.memory_space<hbm>> -> memref<1x1x100000xf32, #tpu.memory_space<hbm>>
    %dma_wait3A_518 = tpu.memref_squeeze %dma_wait3A_517 : memref<1x1x100000xf32, #tpu.memory_space<hbm>> -> memref<1x100000xf32, #tpu.memory_space<hbm>>
    tpu.wait_dma2 semaphore(%arg9 : memref<!tpu.dma_semaphore, #tpu.memory_space<semaphore_mem>>) src(%dma_wait3A_518 : memref<1x100000xf32, #tpu.memory_space<hbm>>) dst(%arg5 : memref<1x100000xf32, #tpu.memory_space<vmem>>)
    %scan3A_519 = arith.constant 0 : i32
    %scan3A_520 = arith.constant 0 : i32
    %scan3A_521 = arith.constant 512 : i32
    %scan3A_522 = arith.addi %scan3A_520, %scan3A_521 : i32
    %scan3A_523 = arith.constant 1 : i32
    scf.for %scan3A_602 = %scan3A_520 to %scan3A_522 step %scan3A_523  : i32 {
      %mul3A_603 = arith.constant 16 : i32
      %mul3A_604 = arith.muli %scan3A_602, %mul3A_603 : i32
      %get3A = arith.index_cast %mul3A_604 : i32 to index
      %get3A_605 = tpu.vector_load %arg6[%get3A] {strides = array<i32>} : memref<8192xi32, #tpu.memory_space<vmem>>, vector<16xi32>,
      %gather3A = tpu.vector_load_idx %arg5[%broadcast_in_dim3A_0, %get3A_605] : memref<1x100000xf32, #tpu.memory_space<vmem>>[vector<16xi32>, vector<16xi32>], vector<16xf32>,
      %get3A_606 = arith.constant 0 : i32
      %get3A_607 = arith.index_cast %get3A_606 : i32 to index
      %get3A_608 = arith.index_cast %mul3A_604 : i32 to index
      %get3A_609 = tpu.vector_load %arg7[%get3A_607, %get3A_608] {strides = array<i32>} : memref<1x8192xf32, #tpu.memory_space<vmem>>, vector<16xf32>,
      %add3A = arith.addf %get3A_609, %gather3A : vector<16xf32>
      %swap3A = arith.constant 0 : i32
      %swap3A_610 = arith.index_cast %swap3A : i32 to index
      %swap3A_611 = arith.index_cast %mul3A_604 : i32 to index
      %swap3A_612 = tpu.vector_load %arg7[%swap3A_610, %swap3A_611] {strides = array<i32>} : memref<1x8192xf32, #tpu.memory_space<vmem>>, vector<16xf32>,
      tpu.vector_store %arg7[%swap3A_610, %swap3A_611], %add3A {strides = array<i32>} : memref<1x8192xf32, #tpu.memory_space<vmem>>, vector<16xf32>,
      %get3A_613 = arith.index_cast %mul3A_604 : i32 to index
      %get3A_614 = tpu.vector_load %arg8[%get3A_613] {strides = array<i32>} : memref<8192xf32, #tpu.memory_space<vmem>>, vector<16xf32>,
      %mul3A_615 = arith.mulf %gather3A, %gather3A : vector<16xf32>
      %add3A_616 = arith.addf %get3A_614, %mul3A_615 : vector<16xf32>
      %swap3A_617 = arith.index_cast %mul3A_604 : i32 to index
      %swap3A_618 = tpu.vector_load %arg8[%swap3A_617] {strides = array<i32>} : memref<8192xf32, #tpu.memory_space<vmem>>, vector<16xf32>,
      tpu.vector_store %arg8[%swap3A_617], %add3A_616 {strides = array<i32>} : memref<8192xf32, #tpu.memory_space<vmem>>, vector<16xf32>,
    }
    %scan3A_524 = arith.constant 512 : i32
    %dma_start3A_525 = arith.constant 23 : i32
    %dma_start3A_526 = arith.constant 0 : i32
    %dma_start3A_527 = tpu.memref_slice %arg2[%dma_start3A_525, %arg1, %dma_start3A_526] : memref<26x16x100000xf32, #tpu.memory_space<hbm>> -> memref<1x1x100000xf32, #tpu.memory_space<hbm>>
    %dma_start3A_528 = tpu.memref_squeeze %dma_start3A_527 : memref<1x1x100000xf32, #tpu.memory_space<hbm>> -> memref<1x100000xf32, #tpu.memory_space<hbm>>
    %dma_start3A_529 = arith.constant 0 : i32
    %dma_start3A_530 = tpu.memref_slice %arg2[%dma_start3A_525, %arg1, %dma_start3A_529] : memref<26x16x100000xf32, #tpu.memory_space<hbm>> -> memref<1x1x100000xf32, #tpu.memory_space<hbm>>
    %dma_start3A_531 = tpu.memref_squeeze %dma_start3A_530 : memref<1x1x100000xf32, #tpu.memory_space<hbm>> -> memref<1x100000xf32, #tpu.memory_space<hbm>>
    tpu.enqueue_dma source(%dma_start3A_531 : memref<1x100000xf32, #tpu.memory_space<hbm>>) target(%arg5 : memref<1x100000xf32, #tpu.memory_space<vmem>>) target_semaphore(%arg9 : memref<!tpu.dma_semaphore, #tpu.memory_space<semaphore_mem>>)
    %mul3A_532 = arith.constant 8192 : i32
    %mul3A_533 = arith.muli %arg0, %mul3A_532 : i32
    %run_scoped3A_534 = arith.constant 23 : i32
    "tpu.region"() ({
      %run_scoped3A_602 = tpu.sem_alloc : memref<!tpu.dma_semaphore, #tpu.memory_space<semaphore_mem>>
      %dma_start3A_603 = tpu.memref_slice %arg3[%run_scoped3A_534, %mul3A_533] : memref<26x16384xi32, #tpu.memory_space<hbm>> -> memref<1x8192xi32, #tpu.memory_space<hbm>>
      %dma_start3A_604 = tpu.memref_squeeze %dma_start3A_603 : memref<1x8192xi32, #tpu.memory_space<hbm>> -> memref<8192xi32, #tpu.memory_space<hbm>>
      %dma_start3A_605 = tpu.memref_slice %arg3[%run_scoped3A_534, %mul3A_533] : memref<26x16384xi32, #tpu.memory_space<hbm>> -> memref<1x8192xi32, #tpu.memory_space<hbm>>
      %dma_start3A_606 = tpu.memref_squeeze %dma_start3A_605 : memref<1x8192xi32, #tpu.memory_space<hbm>> -> memref<8192xi32, #tpu.memory_space<hbm>>
      tpu.enqueue_dma source(%dma_start3A_606 : memref<8192xi32, #tpu.memory_space<hbm>>) target(%arg6 : memref<8192xi32, #tpu.memory_space<vmem>>) target_semaphore(%run_scoped3A_602 : memref<!tpu.dma_semaphore, #tpu.memory_space<semaphore_mem>>)
      %dma_wait3A_607 = tpu.memref_slice %arg3[%run_scoped3A_534, %mul3A_533] : memref<26x16384xi32, #tpu.memory_space<hbm>> -> memref<1x8192xi32, #tpu.memory_space<hbm>>
      %dma_wait3A_608 = tpu.memref_squeeze %dma_wait3A_607 : memref<1x8192xi32, #tpu.memory_space<hbm>> -> memref<8192xi32, #tpu.memory_space<hbm>>
      %dma_wait3A_609 = tpu.memref_slice %arg3[%run_scoped3A_534, %mul3A_533] : memref<26x16384xi32, #tpu.memory_space<hbm>> -> memref<1x8192xi32, #tpu.memory_space<hbm>>
      %dma_wait3A_610 = tpu.memref_squeeze %dma_wait3A_609 : memref<1x8192xi32, #tpu.memory_space<hbm>> -> memref<8192xi32, #tpu.memory_space<hbm>>
      tpu.wait_dma2 semaphore(%run_scoped3A_602 : memref<!tpu.dma_semaphore, #tpu.memory_space<semaphore_mem>>) src(%dma_wait3A_610 : memref<8192xi32, #tpu.memory_space<hbm>>) dst(%arg6 : memref<8192xi32, #tpu.memory_space<vmem>>)
      tpu.yield
    }) : () -> ()
    %dma_wait3A_535 = arith.constant 23 : i32
    %dma_wait3A_536 = arith.constant 0 : i32
    %dma_wait3A_537 = tpu.memref_slice %arg2[%dma_wait3A_535, %arg1, %dma_wait3A_536] : memref<26x16x100000xf32, #tpu.memory_space<hbm>> -> memref<1x1x100000xf32, #tpu.memory_space<hbm>>
    %dma_wait3A_538 = tpu.memref_squeeze %dma_wait3A_537 : memref<1x1x100000xf32, #tpu.memory_space<hbm>> -> memref<1x100000xf32, #tpu.memory_space<hbm>>
    %dma_wait3A_539 = arith.constant 0 : i32
    %dma_wait3A_540 = tpu.memref_slice %arg2[%dma_wait3A_535, %arg1, %dma_wait3A_539] : memref<26x16x100000xf32, #tpu.memory_space<hbm>> -> memref<1x1x100000xf32, #tpu.memory_space<hbm>>
    %dma_wait3A_541 = tpu.memref_squeeze %dma_wait3A_540 : memref<1x1x100000xf32, #tpu.memory_space<hbm>> -> memref<1x100000xf32, #tpu.memory_space<hbm>>
    tpu.wait_dma2 semaphore(%arg9 : memref<!tpu.dma_semaphore, #tpu.memory_space<semaphore_mem>>) src(%dma_wait3A_541 : memref<1x100000xf32, #tpu.memory_space<hbm>>) dst(%arg5 : memref<1x100000xf32, #tpu.memory_space<vmem>>)
    %scan3A_542 = arith.constant 0 : i32
    %scan3A_543 = arith.constant 0 : i32
    %scan3A_544 = arith.constant 512 : i32
    %scan3A_545 = arith.addi %scan3A_543, %scan3A_544 : i32
    %scan3A_546 = arith.constant 1 : i32
    scf.for %scan3A_602 = %scan3A_543 to %scan3A_545 step %scan3A_546  : i32 {
      %mul3A_603 = arith.constant 16 : i32
      %mul3A_604 = arith.muli %scan3A_602, %mul3A_603 : i32
      %get3A = arith.index_cast %mul3A_604 : i32 to index
      %get3A_605 = tpu.vector_load %arg6[%get3A] {strides = array<i32>} : memref<8192xi32, #tpu.memory_space<vmem>>, vector<16xi32>,
      %gather3A = tpu.vector_load_idx %arg5[%broadcast_in_dim3A_0, %get3A_605] : memref<1x100000xf32, #tpu.memory_space<vmem>>[vector<16xi32>, vector<16xi32>], vector<16xf32>,
      %get3A_606 = arith.constant 0 : i32
      %get3A_607 = arith.index_cast %get3A_606 : i32 to index
      %get3A_608 = arith.index_cast %mul3A_604 : i32 to index
      %get3A_609 = tpu.vector_load %arg7[%get3A_607, %get3A_608] {strides = array<i32>} : memref<1x8192xf32, #tpu.memory_space<vmem>>, vector<16xf32>,
      %add3A = arith.addf %get3A_609, %gather3A : vector<16xf32>
      %swap3A = arith.constant 0 : i32
      %swap3A_610 = arith.index_cast %swap3A : i32 to index
      %swap3A_611 = arith.index_cast %mul3A_604 : i32 to index
      %swap3A_612 = tpu.vector_load %arg7[%swap3A_610, %swap3A_611] {strides = array<i32>} : memref<1x8192xf32, #tpu.memory_space<vmem>>, vector<16xf32>,
      tpu.vector_store %arg7[%swap3A_610, %swap3A_611], %add3A {strides = array<i32>} : memref<1x8192xf32, #tpu.memory_space<vmem>>, vector<16xf32>,
      %get3A_613 = arith.index_cast %mul3A_604 : i32 to index
      %get3A_614 = tpu.vector_load %arg8[%get3A_613] {strides = array<i32>} : memref<8192xf32, #tpu.memory_space<vmem>>, vector<16xf32>,
      %mul3A_615 = arith.mulf %gather3A, %gather3A : vector<16xf32>
      %add3A_616 = arith.addf %get3A_614, %mul3A_615 : vector<16xf32>
      %swap3A_617 = arith.index_cast %mul3A_604 : i32 to index
      %swap3A_618 = tpu.vector_load %arg8[%swap3A_617] {strides = array<i32>} : memref<8192xf32, #tpu.memory_space<vmem>>, vector<16xf32>,
      tpu.vector_store %arg8[%swap3A_617], %add3A_616 {strides = array<i32>} : memref<8192xf32, #tpu.memory_space<vmem>>, vector<16xf32>,
    }
    %scan3A_547 = arith.constant 512 : i32
    %dma_start3A_548 = arith.constant 24 : i32
    %dma_start3A_549 = arith.constant 0 : i32
    %dma_start3A_550 = tpu.memref_slice %arg2[%dma_start3A_548, %arg1, %dma_start3A_549] : memref<26x16x100000xf32, #tpu.memory_space<hbm>> -> memref<1x1x100000xf32, #tpu.memory_space<hbm>>
    %dma_start3A_551 = tpu.memref_squeeze %dma_start3A_550 : memref<1x1x100000xf32, #tpu.memory_space<hbm>> -> memref<1x100000xf32, #tpu.memory_space<hbm>>
    %dma_start3A_552 = arith.constant 0 : i32
    %dma_start3A_553 = tpu.memref_slice %arg2[%dma_start3A_548, %arg1, %dma_start3A_552] : memref<26x16x100000xf32, #tpu.memory_space<hbm>> -> memref<1x1x100000xf32, #tpu.memory_space<hbm>>
    %dma_start3A_554 = tpu.memref_squeeze %dma_start3A_553 : memref<1x1x100000xf32, #tpu.memory_space<hbm>> -> memref<1x100000xf32, #tpu.memory_space<hbm>>
    tpu.enqueue_dma source(%dma_start3A_554 : memref<1x100000xf32, #tpu.memory_space<hbm>>) target(%arg5 : memref<1x100000xf32, #tpu.memory_space<vmem>>) target_semaphore(%arg9 : memref<!tpu.dma_semaphore, #tpu.memory_space<semaphore_mem>>)
    %mul3A_555 = arith.constant 8192 : i32
    %mul3A_556 = arith.muli %arg0, %mul3A_555 : i32
    %run_scoped3A_557 = arith.constant 24 : i32
    "tpu.region"() ({
      %run_scoped3A_602 = tpu.sem_alloc : memref<!tpu.dma_semaphore, #tpu.memory_space<semaphore_mem>>
      %dma_start3A_603 = tpu.memref_slice %arg3[%run_scoped3A_557, %mul3A_556] : memref<26x16384xi32, #tpu.memory_space<hbm>> -> memref<1x8192xi32, #tpu.memory_space<hbm>>
      %dma_start3A_604 = tpu.memref_squeeze %dma_start3A_603 : memref<1x8192xi32, #tpu.memory_space<hbm>> -> memref<8192xi32, #tpu.memory_space<hbm>>
      %dma_start3A_605 = tpu.memref_slice %arg3[%run_scoped3A_557, %mul3A_556] : memref<26x16384xi32, #tpu.memory_space<hbm>> -> memref<1x8192xi32, #tpu.memory_space<hbm>>
      %dma_start3A_606 = tpu.memref_squeeze %dma_start3A_605 : memref<1x8192xi32, #tpu.memory_space<hbm>> -> memref<8192xi32, #tpu.memory_space<hbm>>
      tpu.enqueue_dma source(%dma_start3A_606 : memref<8192xi32, #tpu.memory_space<hbm>>) target(%arg6 : memref<8192xi32, #tpu.memory_space<vmem>>) target_semaphore(%run_scoped3A_602 : memref<!tpu.dma_semaphore, #tpu.memory_space<semaphore_mem>>)
      %dma_wait3A_607 = tpu.memref_slice %arg3[%run_scoped3A_557, %mul3A_556] : memref<26x16384xi32, #tpu.memory_space<hbm>> -> memref<1x8192xi32, #tpu.memory_space<hbm>>
      %dma_wait3A_608 = tpu.memref_squeeze %dma_wait3A_607 : memref<1x8192xi32, #tpu.memory_space<hbm>> -> memref<8192xi32, #tpu.memory_space<hbm>>
      %dma_wait3A_609 = tpu.memref_slice %arg3[%run_scoped3A_557, %mul3A_556] : memref<26x16384xi32, #tpu.memory_space<hbm>> -> memref<1x8192xi32, #tpu.memory_space<hbm>>
      %dma_wait3A_610 = tpu.memref_squeeze %dma_wait3A_609 : memref<1x8192xi32, #tpu.memory_space<hbm>> -> memref<8192xi32, #tpu.memory_space<hbm>>
      tpu.wait_dma2 semaphore(%run_scoped3A_602 : memref<!tpu.dma_semaphore, #tpu.memory_space<semaphore_mem>>) src(%dma_wait3A_610 : memref<8192xi32, #tpu.memory_space<hbm>>) dst(%arg6 : memref<8192xi32, #tpu.memory_space<vmem>>)
      tpu.yield
    }) : () -> ()
    %dma_wait3A_558 = arith.constant 24 : i32
    %dma_wait3A_559 = arith.constant 0 : i32
    %dma_wait3A_560 = tpu.memref_slice %arg2[%dma_wait3A_558, %arg1, %dma_wait3A_559] : memref<26x16x100000xf32, #tpu.memory_space<hbm>> -> memref<1x1x100000xf32, #tpu.memory_space<hbm>>
    %dma_wait3A_561 = tpu.memref_squeeze %dma_wait3A_560 : memref<1x1x100000xf32, #tpu.memory_space<hbm>> -> memref<1x100000xf32, #tpu.memory_space<hbm>>
    %dma_wait3A_562 = arith.constant 0 : i32
    %dma_wait3A_563 = tpu.memref_slice %arg2[%dma_wait3A_558, %arg1, %dma_wait3A_562] : memref<26x16x100000xf32, #tpu.memory_space<hbm>> -> memref<1x1x100000xf32, #tpu.memory_space<hbm>>
    %dma_wait3A_564 = tpu.memref_squeeze %dma_wait3A_563 : memref<1x1x100000xf32, #tpu.memory_space<hbm>> -> memref<1x100000xf32, #tpu.memory_space<hbm>>
    tpu.wait_dma2 semaphore(%arg9 : memref<!tpu.dma_semaphore, #tpu.memory_space<semaphore_mem>>) src(%dma_wait3A_564 : memref<1x100000xf32, #tpu.memory_space<hbm>>) dst(%arg5 : memref<1x100000xf32, #tpu.memory_space<vmem>>)
    %scan3A_565 = arith.constant 0 : i32
    %scan3A_566 = arith.constant 0 : i32
    %scan3A_567 = arith.constant 512 : i32
    %scan3A_568 = arith.addi %scan3A_566, %scan3A_567 : i32
    %scan3A_569 = arith.constant 1 : i32
    scf.for %scan3A_602 = %scan3A_566 to %scan3A_568 step %scan3A_569  : i32 {
      %mul3A_603 = arith.constant 16 : i32
      %mul3A_604 = arith.muli %scan3A_602, %mul3A_603 : i32
      %get3A = arith.index_cast %mul3A_604 : i32 to index
      %get3A_605 = tpu.vector_load %arg6[%get3A] {strides = array<i32>} : memref<8192xi32, #tpu.memory_space<vmem>>, vector<16xi32>,
      %gather3A = tpu.vector_load_idx %arg5[%broadcast_in_dim3A_0, %get3A_605] : memref<1x100000xf32, #tpu.memory_space<vmem>>[vector<16xi32>, vector<16xi32>], vector<16xf32>,
      %get3A_606 = arith.constant 0 : i32
      %get3A_607 = arith.index_cast %get3A_606 : i32 to index
      %get3A_608 = arith.index_cast %mul3A_604 : i32 to index
      %get3A_609 = tpu.vector_load %arg7[%get3A_607, %get3A_608] {strides = array<i32>} : memref<1x8192xf32, #tpu.memory_space<vmem>>, vector<16xf32>,
      %add3A = arith.addf %get3A_609, %gather3A : vector<16xf32>
      %swap3A = arith.constant 0 : i32
      %swap3A_610 = arith.index_cast %swap3A : i32 to index
      %swap3A_611 = arith.index_cast %mul3A_604 : i32 to index
      %swap3A_612 = tpu.vector_load %arg7[%swap3A_610, %swap3A_611] {strides = array<i32>} : memref<1x8192xf32, #tpu.memory_space<vmem>>, vector<16xf32>,
      tpu.vector_store %arg7[%swap3A_610, %swap3A_611], %add3A {strides = array<i32>} : memref<1x8192xf32, #tpu.memory_space<vmem>>, vector<16xf32>,
      %get3A_613 = arith.index_cast %mul3A_604 : i32 to index
      %get3A_614 = tpu.vector_load %arg8[%get3A_613] {strides = array<i32>} : memref<8192xf32, #tpu.memory_space<vmem>>, vector<16xf32>,
      %mul3A_615 = arith.mulf %gather3A, %gather3A : vector<16xf32>
      %add3A_616 = arith.addf %get3A_614, %mul3A_615 : vector<16xf32>
      %swap3A_617 = arith.index_cast %mul3A_604 : i32 to index
      %swap3A_618 = tpu.vector_load %arg8[%swap3A_617] {strides = array<i32>} : memref<8192xf32, #tpu.memory_space<vmem>>, vector<16xf32>,
      tpu.vector_store %arg8[%swap3A_617], %add3A_616 {strides = array<i32>} : memref<8192xf32, #tpu.memory_space<vmem>>, vector<16xf32>,
    }
    %scan3A_570 = arith.constant 512 : i32
    %dma_start3A_571 = arith.constant 25 : i32
    %dma_start3A_572 = arith.constant 0 : i32
    %dma_start3A_573 = tpu.memref_slice %arg2[%dma_start3A_571, %arg1, %dma_start3A_572] : memref<26x16x100000xf32, #tpu.memory_space<hbm>> -> memref<1x1x100000xf32, #tpu.memory_space<hbm>>
    %dma_start3A_574 = tpu.memref_squeeze %dma_start3A_573 : memref<1x1x100000xf32, #tpu.memory_space<hbm>> -> memref<1x100000xf32, #tpu.memory_space<hbm>>
    %dma_start3A_575 = arith.constant 0 : i32
    %dma_start3A_576 = tpu.memref_slice %arg2[%dma_start3A_571, %arg1, %dma_start3A_575] : memref<26x16x100000xf32, #tpu.memory_space<hbm>> -> memref<1x1x100000xf32, #tpu.memory_space<hbm>>
    %dma_start3A_577 = tpu.memref_squeeze %dma_start3A_576 : memref<1x1x100000xf32, #tpu.memory_space<hbm>> -> memref<1x100000xf32, #tpu.memory_space<hbm>>
    tpu.enqueue_dma source(%dma_start3A_577 : memref<1x100000xf32, #tpu.memory_space<hbm>>) target(%arg5 : memref<1x100000xf32, #tpu.memory_space<vmem>>) target_semaphore(%arg9 : memref<!tpu.dma_semaphore, #tpu.memory_space<semaphore_mem>>)
    %mul3A_578 = arith.constant 8192 : i32
    %mul3A_579 = arith.muli %arg0, %mul3A_578 : i32
    %run_scoped3A_580 = arith.constant 25 : i32
    "tpu.region"() ({
      %run_scoped3A_602 = tpu.sem_alloc : memref<!tpu.dma_semaphore, #tpu.memory_space<semaphore_mem>>
      %dma_start3A_603 = tpu.memref_slice %arg3[%run_scoped3A_580, %mul3A_579] : memref<26x16384xi32, #tpu.memory_space<hbm>> -> memref<1x8192xi32, #tpu.memory_space<hbm>>
      %dma_start3A_604 = tpu.memref_squeeze %dma_start3A_603 : memref<1x8192xi32, #tpu.memory_space<hbm>> -> memref<8192xi32, #tpu.memory_space<hbm>>
      %dma_start3A_605 = tpu.memref_slice %arg3[%run_scoped3A_580, %mul3A_579] : memref<26x16384xi32, #tpu.memory_space<hbm>> -> memref<1x8192xi32, #tpu.memory_space<hbm>>
      %dma_start3A_606 = tpu.memref_squeeze %dma_start3A_605 : memref<1x8192xi32, #tpu.memory_space<hbm>> -> memref<8192xi32, #tpu.memory_space<hbm>>
      tpu.enqueue_dma source(%dma_start3A_606 : memref<8192xi32, #tpu.memory_space<hbm>>) target(%arg6 : memref<8192xi32, #tpu.memory_space<vmem>>) target_semaphore(%run_scoped3A_602 : memref<!tpu.dma_semaphore, #tpu.memory_space<semaphore_mem>>)
      %dma_wait3A_607 = tpu.memref_slice %arg3[%run_scoped3A_580, %mul3A_579] : memref<26x16384xi32, #tpu.memory_space<hbm>> -> memref<1x8192xi32, #tpu.memory_space<hbm>>
      %dma_wait3A_608 = tpu.memref_squeeze %dma_wait3A_607 : memref<1x8192xi32, #tpu.memory_space<hbm>> -> memref<8192xi32, #tpu.memory_space<hbm>>
      %dma_wait3A_609 = tpu.memref_slice %arg3[%run_scoped3A_580, %mul3A_579] : memref<26x16384xi32, #tpu.memory_space<hbm>> -> memref<1x8192xi32, #tpu.memory_space<hbm>>
      %dma_wait3A_610 = tpu.memref_squeeze %dma_wait3A_609 : memref<1x8192xi32, #tpu.memory_space<hbm>> -> memref<8192xi32, #tpu.memory_space<hbm>>
      tpu.wait_dma2 semaphore(%run_scoped3A_602 : memref<!tpu.dma_semaphore, #tpu.memory_space<semaphore_mem>>) src(%dma_wait3A_610 : memref<8192xi32, #tpu.memory_space<hbm>>) dst(%arg6 : memref<8192xi32, #tpu.memory_space<vmem>>)
      tpu.yield
    }) : () -> ()
    %dma_wait3A_581 = arith.constant 25 : i32
    %dma_wait3A_582 = arith.constant 0 : i32
    %dma_wait3A_583 = tpu.memref_slice %arg2[%dma_wait3A_581, %arg1, %dma_wait3A_582] : memref<26x16x100000xf32, #tpu.memory_space<hbm>> -> memref<1x1x100000xf32, #tpu.memory_space<hbm>>
    %dma_wait3A_584 = tpu.memref_squeeze %dma_wait3A_583 : memref<1x1x100000xf32, #tpu.memory_space<hbm>> -> memref<1x100000xf32, #tpu.memory_space<hbm>>
    %dma_wait3A_585 = arith.constant 0 : i32
    %dma_wait3A_586 = tpu.memref_slice %arg2[%dma_wait3A_581, %arg1, %dma_wait3A_585] : memref<26x16x100000xf32, #tpu.memory_space<hbm>> -> memref<1x1x100000xf32, #tpu.memory_space<hbm>>
    %dma_wait3A_587 = tpu.memref_squeeze %dma_wait3A_586 : memref<1x1x100000xf32, #tpu.memory_space<hbm>> -> memref<1x100000xf32, #tpu.memory_space<hbm>>
    tpu.wait_dma2 semaphore(%arg9 : memref<!tpu.dma_semaphore, #tpu.memory_space<semaphore_mem>>) src(%dma_wait3A_587 : memref<1x100000xf32, #tpu.memory_space<hbm>>) dst(%arg5 : memref<1x100000xf32, #tpu.memory_space<vmem>>)
    %scan3A_588 = arith.constant 0 : i32
    %scan3A_589 = arith.constant 0 : i32
    %scan3A_590 = arith.constant 512 : i32
    %scan3A_591 = arith.addi %scan3A_589, %scan3A_590 : i32
    %scan3A_592 = arith.constant 1 : i32
    scf.for %scan3A_602 = %scan3A_589 to %scan3A_591 step %scan3A_592  : i32 {
      %mul3A_603 = arith.constant 16 : i32
      %mul3A_604 = arith.muli %scan3A_602, %mul3A_603 : i32
      %get3A = arith.index_cast %mul3A_604 : i32 to index
      %get3A_605 = tpu.vector_load %arg6[%get3A] {strides = array<i32>} : memref<8192xi32, #tpu.memory_space<vmem>>, vector<16xi32>,
      %gather3A = tpu.vector_load_idx %arg5[%broadcast_in_dim3A_0, %get3A_605] : memref<1x100000xf32, #tpu.memory_space<vmem>>[vector<16xi32>, vector<16xi32>], vector<16xf32>,
      %get3A_606 = arith.constant 0 : i32
      %get3A_607 = arith.index_cast %get3A_606 : i32 to index
      %get3A_608 = arith.index_cast %mul3A_604 : i32 to index
      %get3A_609 = tpu.vector_load %arg7[%get3A_607, %get3A_608] {strides = array<i32>} : memref<1x8192xf32, #tpu.memory_space<vmem>>, vector<16xf32>,
      %add3A = arith.addf %get3A_609, %gather3A : vector<16xf32>
      %swap3A = arith.constant 0 : i32
      %swap3A_610 = arith.index_cast %swap3A : i32 to index
      %swap3A_611 = arith.index_cast %mul3A_604 : i32 to index
      %swap3A_612 = tpu.vector_load %arg7[%swap3A_610, %swap3A_611] {strides = array<i32>} : memref<1x8192xf32, #tpu.memory_space<vmem>>, vector<16xf32>,
      tpu.vector_store %arg7[%swap3A_610, %swap3A_611], %add3A {strides = array<i32>} : memref<1x8192xf32, #tpu.memory_space<vmem>>, vector<16xf32>,
      %get3A_613 = arith.index_cast %mul3A_604 : i32 to index
      %get3A_614 = tpu.vector_load %arg8[%get3A_613] {strides = array<i32>} : memref<8192xf32, #tpu.memory_space<vmem>>, vector<16xf32>,
      %mul3A_615 = arith.mulf %gather3A, %gather3A : vector<16xf32>
      %add3A_616 = arith.addf %get3A_614, %mul3A_615 : vector<16xf32>
      %swap3A_617 = arith.index_cast %mul3A_604 : i32 to index
      %swap3A_618 = tpu.vector_load %arg8[%swap3A_617] {strides = array<i32>} : memref<8192xf32, #tpu.memory_space<vmem>>, vector<16xf32>,
      tpu.vector_store %arg8[%swap3A_617], %add3A_616 {strides = array<i32>} : memref<8192xf32, #tpu.memory_space<vmem>>, vector<16xf32>,
    }
    %scan3A_593 = arith.constant 512 : i32
    %scan3A_594 = arith.constant 0 : i32
    %scan3A_595 = arith.constant 0 : i32
    %scan3A_596 = arith.constant 512 : i32
    %scan3A_597 = arith.addi %scan3A_595, %scan3A_596 : i32
    %scan3A_598 = arith.constant 1 : i32
    scf.for %scan3A_602 = %scan3A_595 to %scan3A_597 step %scan3A_598  : i32 {
      %mul3A_603 = arith.constant 16 : i32
      %mul3A_604 = arith.muli %scan3A_602, %mul3A_603 : i32
      %get3A = arith.constant 0 : i32
      %get3A_605 = arith.index_cast %get3A : i32 to index
      %get3A_606 = arith.index_cast %mul3A_604 : i32 to index
      %get3A_607 = tpu.vector_load %arg7[%get3A_605, %get3A_606] {strides = array<i32>} : memref<1x8192xf32, #tpu.memory_space<vmem>>, vector<16xf32>,
      %get3A_608 = arith.index_cast %mul3A_604 : i32 to index
      %get3A_609 = tpu.vector_load %arg8[%get3A_608] {strides = array<i32>} : memref<8192xf32, #tpu.memory_space<vmem>>, vector<16xf32>,
      %mul3A_610 = arith.mulf %get3A_607, %get3A_607 : vector<16xf32>
      %sub3A = arith.subf %mul3A_610, %get3A_609 : vector<16xf32>
      %mul3A_611 = arith.constant 5.000000e-01 : f32
      %mul3A_612 = vector.broadcast %mul3A_611 : f32 to vector<16xf32>
      %mul3A_613 = arith.mulf %mul3A_612, %sub3A : vector<16xf32>
      %swap3A = arith.constant 0 : i32
      %swap3A_614 = arith.index_cast %swap3A : i32 to index
      %swap3A_615 = arith.index_cast %mul3A_604 : i32 to index
      %swap3A_616 = tpu.vector_load %arg7[%swap3A_614, %swap3A_615] {strides = array<i32>} : memref<1x8192xf32, #tpu.memory_space<vmem>>, vector<16xf32>,
      tpu.vector_store %arg7[%swap3A_614, %swap3A_615], %mul3A_613 {strides = array<i32>} : memref<1x8192xf32, #tpu.memory_space<vmem>>, vector<16xf32>,
    }
    %scan3A_599 = arith.constant 512 : i32
    %mul3A_600 = arith.constant 8192 : i32
    %mul3A_601 = arith.muli %arg0, %mul3A_600 : i32
    "tpu.region"() ({
      %run_scoped3A_602 = tpu.sem_alloc : memref<!tpu.dma_semaphore, #tpu.memory_space<semaphore_mem>>
      %dma_start3A_603 = tpu.memref_slice %arg4[%arg1, %mul3A_601] : memref<16x16384xf32, #tpu.memory_space<hbm>> -> memref<1x8192xf32, #tpu.memory_space<hbm>>
      %dma_start3A_604 = tpu.memref_slice %arg4[%arg1, %mul3A_601] : memref<16x16384xf32, #tpu.memory_space<hbm>> -> memref<1x8192xf32, #tpu.memory_space<hbm>>
      tpu.enqueue_dma source(%arg7 : memref<1x8192xf32, #tpu.memory_space<vmem>>) target(%dma_start3A_604 : memref<1x8192xf32, #tpu.memory_space<hbm>>) target_semaphore(%run_scoped3A_602 : memref<!tpu.dma_semaphore, #tpu.memory_space<semaphore_mem>>)
      %dma_wait3A_605 = tpu.memref_slice %arg4[%arg1, %mul3A_601] : memref<16x16384xf32, #tpu.memory_space<hbm>> -> memref<1x8192xf32, #tpu.memory_space<hbm>>
      %dma_wait3A_606 = tpu.memref_slice %arg4[%arg1, %mul3A_601] : memref<16x16384xf32, #tpu.memory_space<hbm>> -> memref<1x8192xf32, #tpu.memory_space<hbm>>
      tpu.wait_dma2 semaphore(%run_scoped3A_602 : memref<!tpu.dma_semaphore, #tpu.memory_space<semaphore_mem>>) src(%arg7 : memref<1x8192xf32, #tpu.memory_space<vmem>>) dst(%dma_wait3A_606 : memref<1x8192xf32, #tpu.memory_space<hbm>>)
      tpu.yield
    }) : () -> ()
    return
  }
}

module attributes {stable_mosaic.version = 14 : i64} {
  func.func @_mlp_body(%arg0: i32, %arg1: memref<2048x11xf32, #tpu.memory_space<vmem>>, %arg2: memref<16x2048xf32, #tpu.memory_space<vmem>>, %arg3: memref<11x128xf32, #tpu.memory_space<vmem>>, %arg4: memref<16x128xf32, #tpu.memory_space<vmem>>, %arg5: memref<1x128xf32, #tpu.memory_space<vmem>>, %arg6: memref<128x64xf32, #tpu.memory_space<vmem>>, %arg7: memref<1x64xf32, #tpu.memory_space<vmem>>, %arg8: memref<64x10xf32, #tpu.memory_space<vmem>>, %arg9: memref<1x10xf32, #tpu.memory_space<vmem>>, %arg10: memref<2048x10xf32, #tpu.memory_space<vmem>>) attributes {dimension_semantics = [#tpu.dimension_semantics<arbitrary>], iteration_bounds = array<i64: 8>, scalar_prefetch = 0 : i64, scratch_operands = 0 : i64, tpu.core_type = #tpu.core_type<tc>, window_params = [{transform_indices = @transform_0, window_bounds = array<i64: 2048, 11>}, {transform_indices = @transform_1, window_bounds = array<i64: 16, 2048>}, {pipeline_mode = #tpu.pipeline_mode<synchronous>, transform_indices = @transform_2, window_bounds = array<i64: 11, 128>}, {pipeline_mode = #tpu.pipeline_mode<synchronous>, transform_indices = @transform_3, window_bounds = array<i64: 16, 128>}, {pipeline_mode = #tpu.pipeline_mode<synchronous>, transform_indices = @transform_4, window_bounds = array<i64: 1, 128>}, {pipeline_mode = #tpu.pipeline_mode<synchronous>, transform_indices = @transform_5, window_bounds = array<i64: 128, 64>}, {pipeline_mode = #tpu.pipeline_mode<synchronous>, transform_indices = @transform_6, window_bounds = array<i64: 1, 64>}, {pipeline_mode = #tpu.pipeline_mode<synchronous>, transform_indices = @transform_7, window_bounds = array<i64: 64, 10>}, {pipeline_mode = #tpu.pipeline_mode<synchronous>, transform_indices = @transform_8, window_bounds = array<i64: 1, 10>}, {transform_indices = @transform_9, window_bounds = array<i64: 2048, 10>}]} {
    %get3A = arith.constant 0 : index
    %get3A_0 = arith.constant 0 : index
    %get3A_1 = vector.load %arg1[%get3A, %get3A_0] : memref<2048x11xf32, #tpu.memory_space<vmem>>, vector<2048x11xf32>
    %get3A_2 = arith.constant 0 : index
    %get3A_3 = arith.constant 0 : index
    %get3A_4 = vector.load %arg3[%get3A_2, %get3A_3] : memref<11x128xf32, #tpu.memory_space<vmem>>, vector<11x128xf32>
    %dot_general3A = arith.constant dense<0.000000e+00> : vector<2048x128xf32>
    %dot_general3A_5 = tpu.matmul %get3A_1, %get3A_4, %dot_general3A {dimension_numbers = #tpu.dot_dimension_numbers<[1], [0], [0], [1], [0, 0, 1, 1], [], []>, transpose_lhs_hint = false} : vector<2048x11xf32>, vector<11x128xf32>, vector<2048x128xf32> -> vector<2048x128xf32>
    %get3A_6 = arith.constant 0 : index
    %get3A_7 = arith.constant 0 : index
    %get3A_8 = vector.load %arg2[%get3A_6, %get3A_7] : memref<16x2048xf32, #tpu.memory_space<vmem>>, vector<16x2048xf32>
    %get3A_9 = arith.constant 0 : index
    %get3A_10 = arith.constant 0 : index
    %get3A_11 = vector.load %arg4[%get3A_9, %get3A_10] : memref<16x128xf32, #tpu.memory_space<vmem>>, vector<16x128xf32>
    %dot_general3A_12 = arith.constant dense<0.000000e+00> : vector<2048x128xf32>
    %dot_general3A_13 = tpu.matmul %get3A_8, %get3A_11, %dot_general3A_12 {dimension_numbers = #tpu.dot_dimension_numbers<[0], [0], [1], [1], [0, 1, 1, 1], [], []>, transpose_lhs_hint = false} : vector<16x2048xf32>, vector<16x128xf32>, vector<2048x128xf32> -> vector<2048x128xf32>
    %add3A = arith.addf %dot_general3A_5, %dot_general3A_13 : vector<2048x128xf32>
    %get3A_14 = arith.constant 0 : index
    %get3A_15 = arith.constant 0 : index
    %get3A_16 = vector.load %arg5[%get3A_14, %get3A_15] : memref<1x128xf32, #tpu.memory_space<vmem>>, vector<1x128xf32>
    %add3A_17 = vector.broadcast %get3A_16 : vector<1x128xf32> to vector<2048x128xf32>
    %add3A_18 = arith.addf %add3A, %add3A_17 : vector<2048x128xf32>
    %max3A = arith.constant 0.000000e+00 : f32
    %max3A_19 = vector.broadcast %max3A : f32 to vector<2048x128xf32>
    %max3A_20 = arith.maximumf %add3A_18, %max3A_19 : vector<2048x128xf32>
    %get3A_21 = arith.constant 0 : index
    %get3A_22 = arith.constant 0 : index
    %get3A_23 = vector.load %arg6[%get3A_21, %get3A_22] : memref<128x64xf32, #tpu.memory_space<vmem>>, vector<128x64xf32>
    %dot_general3A_24 = arith.constant dense<0.000000e+00> : vector<2048x64xf32>
    %dot_general3A_25 = tpu.matmul %max3A_20, %get3A_23, %dot_general3A_24 {dimension_numbers = #tpu.dot_dimension_numbers<[1], [0], [0], [1], [0, 0, 1, 1], [], []>, transpose_lhs_hint = false} : vector<2048x128xf32>, vector<128x64xf32>, vector<2048x64xf32> -> vector<2048x64xf32>
    %get3A_26 = arith.constant 0 : index
    %get3A_27 = arith.constant 0 : index
    %get3A_28 = vector.load %arg7[%get3A_26, %get3A_27] : memref<1x64xf32, #tpu.memory_space<vmem>>, vector<1x64xf32>
    %add3A_29 = vector.broadcast %get3A_28 : vector<1x64xf32> to vector<2048x64xf32>
    %add3A_30 = arith.addf %dot_general3A_25, %add3A_29 : vector<2048x64xf32>
    %max3A_31 = arith.constant 0.000000e+00 : f32
    %max3A_32 = vector.broadcast %max3A_31 : f32 to vector<2048x64xf32>
    %max3A_33 = arith.maximumf %add3A_30, %max3A_32 : vector<2048x64xf32>
    %get3A_34 = arith.constant 0 : index
    %get3A_35 = arith.constant 0 : index
    %get3A_36 = vector.load %arg8[%get3A_34, %get3A_35] : memref<64x10xf32, #tpu.memory_space<vmem>>, vector<64x10xf32>
    %dot_general3A_37 = arith.constant dense<0.000000e+00> : vector<2048x10xf32>
    %dot_general3A_38 = tpu.matmul %max3A_33, %get3A_36, %dot_general3A_37 {dimension_numbers = #tpu.dot_dimension_numbers<[1], [0], [0], [1], [0, 0, 1, 1], [], []>, transpose_lhs_hint = false} : vector<2048x64xf32>, vector<64x10xf32>, vector<2048x10xf32> -> vector<2048x10xf32>
    %get3A_39 = arith.constant 0 : index
    %get3A_40 = arith.constant 0 : index
    %get3A_41 = vector.load %arg9[%get3A_39, %get3A_40] : memref<1x10xf32, #tpu.memory_space<vmem>>, vector<1x10xf32>
    %add3A_42 = vector.broadcast %get3A_41 : vector<1x10xf32> to vector<2048x10xf32>
    %add3A_43 = arith.addf %dot_general3A_38, %add3A_42 : vector<2048x10xf32>
    %swap3A = arith.constant 0 : index
    %swap3A_44 = arith.constant 0 : index
    %swap3A_45 = vector.load %arg10[%swap3A, %swap3A_44] : memref<2048x10xf32, #tpu.memory_space<vmem>>, vector<2048x10xf32>
    tpu.vector_store %arg10[%swap3A, %swap3A_44], %add3A_43 {strides = array<i32>} : memref<2048x10xf32, #tpu.memory_space<vmem>>, vector<2048x10xf32>,
    return
  }
  func.func @transform_0(%arg0: i32) -> (i32, i32) {
    %c0_i32 = arith.constant 0 : i32
    %c0_i32_0 = arith.constant 0 : i32
    return %arg0, %c0_i32 : i32, i32
  }
  func.func @transform_1(%arg0: i32) -> (i32, i32) {
    %c0_i32 = arith.constant 0 : i32
    %c0_i32_0 = arith.constant 0 : i32
    return %c0_i32, %arg0 : i32, i32
  }
  func.func @transform_2(%arg0: i32) -> (i32, i32) {
    %c0_i32 = arith.constant 0 : i32
    %c0_i32_0 = arith.constant 0 : i32
    %c0_i32_1 = arith.constant 0 : i32
    return %c0_i32, %c0_i32_0 : i32, i32
  }
  func.func @transform_3(%arg0: i32) -> (i32, i32) {
    %c0_i32 = arith.constant 0 : i32
    %c0_i32_0 = arith.constant 0 : i32
    %c0_i32_1 = arith.constant 0 : i32
    return %c0_i32, %c0_i32_0 : i32, i32
  }
  func.func @transform_4(%arg0: i32) -> (i32, i32) {
    %c0_i32 = arith.constant 0 : i32
    %c0_i32_0 = arith.constant 0 : i32
    %c0_i32_1 = arith.constant 0 : i32
    return %c0_i32, %c0_i32_0 : i32, i32
  }
  func.func @transform_5(%arg0: i32) -> (i32, i32) {
    %c0_i32 = arith.constant 0 : i32
    %c0_i32_0 = arith.constant 0 : i32
    %c0_i32_1 = arith.constant 0 : i32
    return %c0_i32, %c0_i32_0 : i32, i32
  }
  func.func @transform_6(%arg0: i32) -> (i32, i32) {
    %c0_i32 = arith.constant 0 : i32
    %c0_i32_0 = arith.constant 0 : i32
    %c0_i32_1 = arith.constant 0 : i32
    return %c0_i32, %c0_i32_0 : i32, i32
  }
  func.func @transform_7(%arg0: i32) -> (i32, i32) {
    %c0_i32 = arith.constant 0 : i32
    %c0_i32_0 = arith.constant 0 : i32
    %c0_i32_1 = arith.constant 0 : i32
    return %c0_i32, %c0_i32_0 : i32, i32
  }
  func.func @transform_8(%arg0: i32) -> (i32, i32) {
    %c0_i32 = arith.constant 0 : i32
    %c0_i32_0 = arith.constant 0 : i32
    %c0_i32_1 = arith.constant 0 : i32
    return %c0_i32, %c0_i32_0 : i32, i32
  }
  func.func @transform_9(%arg0: i32) -> (i32, i32) {
    %c0_i32 = arith.constant 0 : i32
    %c0_i32_0 = arith.constant 0 : i32
    return %arg0, %c0_i32 : i32, i32
  }
}

</mosaic_0001>

<sc_bundles>
// kernel: kernel.4.cloned.1.call-start
scs
__scs_entry_jumppad:
0x0: {  	(pc) =	sbr.rel $0x88, $3  }
0x1: {  	(tag) =	ssettag $0x0;
	lr =	simm.s32 $0x1  }
0x2: {  	[smem:$0x3F99] =	sst lr;
	_ =	strace $0xD0000000  }
0x3: {  	_ = 	snop  }
0x4: {  	_ = 	snop  }
0x5: {  	_ = 	snop  }
0x6: {  	_ = 	snop  }
0x7: {  	_ = 	snop  }
__scs_overlays_trampoline_lowered:
0x8: {  	[smem:$0x3FA8] =	sst s0  }
0x9: {  	[smem:$0x3FA9] =	sst s1  }
0xa: {  	[smem:$0x3FAA] =	sst s2  }
0xb: {  	[smem:$0x3FAB] =	sst s3  }
0xc: {  	[smem:$0x3FAC] =	sst s4  }
0xd: {  	[smem:$0x3FAD] =	sst s5  }
0xe: {  	[smem:$0x3FAE] =	sst s6  }
0xf: {  	[smem:$0x3FAF] =	sst s7  }
0x10: {  	[smem:$0x3FB0] =	sst s8  }
0x11: {  	[smem:$0x3FB1] =	sst s9;
	s0 =	simm.s32 @!p0 $0x0  }
0x12: {  	s1 =	sld [smem:$0x3F97];
	s0 =	simm.s32 @p0 $0x1  }
0x13: {  	[smem:$0x3FB2] =	sst s0;
	s0 =	simm.s32 @!p1 $0x0  }
0x14: {  	s2 =	sld [smem:$0x3F96];
	s0 =	simm.s32 @p1 $0x1  }
0x15: {  	[smem:$0x3FB3] =	sst s0;
	s0 =	simm.s32 @!p2 $0x0  }
0x16: {  	s3 =	sld [smem:$0x3FDB];
	s0 =	simm.s32 @p2 $0x1  }
0x17: {  	s4 =	simm.s32 $0x1BF5;
	[smem:$0x3FB5] =	sst s0  }
0x18: {  	s0 =	sld [smem:$0x3F98];
	_ =	swait.ge [sflag:s4], $0x0  }
0x19: {  	s7 =	sld [smem:$0x3F99]  }
0x1a: {  	s8 =	sadd.s32 $0xFFFFE003, lr  }
0x1b: {  	s9 =	sadd.s32 $0xFFFFFEF7, lr;
	s5 =	simm.s32 $0xFFFFFFFF;
	p2 =	slt.u32 s8, $0xFFFFF086  }
0x1c: {  	p1 =	slt.u32 s9, $0xF7A;
	s5 =	simm.s32 @!p2 $0x0  }
0x1d: {  	s5 =	simm.s32 @p1 $0x1;
	p0 =	seq.s32 s7, s2  }
0x1e: {  	s7 =	smul.u32 @!p0 $0xF7A, s2;
	p2 =	seq.s32 @!p0 s5, $0x0  }
0x1f: {  	s9 =	smul.u32 $0xF7A, s1;
	s8 =	simm.s32 @!p0 $0x1BF5;
	p2 =	por !p2, p0  }
0x20: {  	[sflag:s8] =	ssyncset.s32 @!p0 $0xFFFFF086;
	s6 =	sadd.s32 @!p0 s3, s7;
	s7 =	simm.s32 @!p0 $0x108  }
0x21: {  	s3 =	sadd.s32 s3, s9;
	s6 =	sadd.s32 @!p0 $0x88, s6;
	s7 =	simm.s32 @p2 $0x1082  }
0x22: {  	[simem:s7], [sflag:s8] =	dma.local @!p0 [hbm:s6], $0xF7A  }
0x23: {  	s9 =	sor.u32 $0xD0000000, s2;
	s6 =	simm.s32 $0x108;
	_ =	swait.ge @!p0 [sflag:s8], $0x0  }
0x24: {  	s3 =	sadd.s32 $0x88, s3;
	s6 =	simm.s32 @!p1 $0x1082;
	[sflag:s4] =	ssyncset.s32 $0xFFFFF086  }
0x25: {  	[simem:s6], [sflag:s4] =	dma.local [hbm:s3], $0xF7A  }
0x26: {  	[smem:$0x3F99] =	sst s1;
	(tag) =	ssettag s2;
	_ =	strace s9  }
0x27: {  	s1 =	sld [smem:$0x3FA9]  }
0x28: {  	s2 =	sld [smem:$0x3FAA]  }
0x29: {  	s4 =	sld [smem:$0x3FAC]  }
0x2a: {  	p0 =	seq.s32 s5, $0x0;
	s5 =	sld [smem:$0x3FAD]  }
0x2b: {  	s6 =	sld [smem:$0x3FAE]  }
0x2c: {  	s7 =	sld [smem:$0x3FAF]  }
0x2d: {  	s3 =	simm.s32 $0x108;
	s8 =	sld [smem:$0x3FB0]  }
0x2e: {  	s3 =	simm.s32 @!p0 $0x1082;
	s9 =	sld [smem:$0x3FB1]  }
0x2f: {  	lr =	sadd.s32 s0, s3;
	s0 =	sld [smem:$0x3FA8]  }
0x30: {  	s3 =	sld [smem:$0x3FAB]  }
0x31: {  	[smem:$0x3FB4] =	sst s10  }
0x32: {  	s10 =	sld [smem:$0x3FB2];
	_ =	sdelay $0x3  }
0x33: {  	p0 =	seq.s32 s10, $0x1;
	s10 =	sld [smem:$0x3FB4];
	_ =	sdelay $0x3  }
0x34: {  	[smem:$0x3FB4] =	sst s10  }
0x35: {  	s10 =	sld [smem:$0x3FB3];
	_ =	sdelay $0x3  }
0x36: {  	p1 =	seq.s32 s10, $0x1;
	s10 =	sld [smem:$0x3FB4];
	_ =	sdelay $0x3  }
0x37: {  	[smem:$0x3FB4] =	sst s10  }
0x38: {  	s10 =	sld [smem:$0x3FB5]  }
0x39: {  	_ = 	snop;
	(pc) =	sbr.ind lr, $3  }
0x3a: {  	_ = 	snop  }
0x3b: {  	_ = 	snop  }
0x3c: {  	p2 =	seq.s32 s10, $0x1;
	s10 =	sld [smem:$0x3FB4]  }
0x3d: {  	_ =	shalt  }
0x3e: {  	_ =	shalt  }
0x3f: {  	_ =	shalt  }
0x40: {  	_ =	shalt  }
0x41: {  	_ =	shalt  }
0x42: {  	_ =	shalt  }
0x43: {  	_ =	shalt  }
0x44: {  	_ =	shalt  }
0x45: {  	_ =	shalt  }
0x46: {  	_ =	shalt  }
0x47: {  	_ =	shalt  }
0x48: {  	_ =	shalt  }
0x49: {  	_ =	shalt  }
0x4a: {  	_ =	shalt  }
0x4b: {  	_ =	shalt  }
0x4c: {  	_ =	shalt  }
0x4d: {  	_ =	shalt  }
0x4e: {  	_ =	shalt  }
0x4f: {  	_ =	shalt  }
0x50: {  	_ =	shalt  }
0x51: {  	_ =	shalt  }
0x52: {  	_ =	shalt  }
0x53: {  	_ =	shalt  }
0x54: {  	_ =	shalt  }
0x55: {  	_ =	shalt  }
0x56: {  	_ =	shalt  }
0x57: {  	_ =	shalt  }
0x58: {  	_ =	shalt  }
0x59: {  	_ =	shalt  }
0x5a: {  	_ =	shalt  }
0x5b: {  	_ =	shalt  }
0x5c: {  	_ =	shalt  }
0x5d: {  	_ =	shalt  }
0x5e: {  	_ =	shalt  }
0x5f: {  	_ =	shalt  }
0x60: {  	_ =	shalt  }
0x61: {  	_ =	shalt  }
0x62: {  	_ =	shalt  }
0x63: {  	_ =	shalt  }
0x64: {  	_ =	shalt  }
0x65: {  	_ =	shalt  }
0x66: {  	_ =	shalt  }
0x67: {  	_ =	shalt  }
0x68: {  	_ =	shalt  }
0x69: {  	_ =	shalt  }
0x6a: {  	_ =	shalt  }
0x6b: {  	_ =	shalt  }
0x6c: {  	_ =	shalt  }
0x6d: {  	_ =	shalt  }
0x6e: {  	_ =	shalt  }
0x6f: {  	_ =	shalt  }
0x70: {  	_ =	shalt  }
0x71: {  	_ =	shalt  }
0x72: {  	_ =	shalt  }
0x73: {  	_ =	shalt  }
0x74: {  	_ =	shalt  }
0x75: {  	_ =	shalt  }
0x76: {  	_ =	shalt  }
0x77: {  	_ =	shalt  }
0x78: {  	_ =	shalt  }
0x79: {  	_ =	shalt  }
0x7a: {  	_ =	shalt  }
0x7b: {  	_ =	shalt  }
0x7c: {  	_ =	shalt  }
0x7d: {  	_ =	shalt  }
0x7e: {  	_ =	shalt  }
0x7f: {  	_ =	shalt  }
0x80: {  	_ =	shalt  }
0x81: {  	_ =	shalt  }
0x82: {  	_ =	shalt  }
0x83: {  	_ =	shalt  }
0x84: {  	_ =	shalt  }
0x85: {  	_ =	shalt  }
0x86: {  	_ =	shalt  }
0x87: {  	_ =	shalt  }
.Lfunc_end0:
.L_simem_size_0:
called_computation_lowered:
.L_overlay_start_0:
0x88: {  	s2 =	sld [smem:$0x3FD9]  }
0x89: {  	s3 =	sld [smem:$0x3FFE];
	_ =	sdelay $0x1  }
0x8a: {  	s1 =	srdreg.scid  }
0x8b: {  	s0 =	sand.u32 $0x1, s1  }
0x8c: {  	s17 =	sshll.u32 s0, $0xA;
	s2 =	sadd.s32 s3, s2  }
0x8d: {  	s2 =	sadd.s32 s2, s17  }
0x8e: {  	[smem:$0x3FC0] =	sst s2  }
0x8f: {  	_ = 	snop  }
0x90: {  	s2 =	sld [smem:$0x3FC8]  }
0x91: {  	s18 =	sld [smem:$0x3FD0];
	(tm) =	ssettm $0x1  }
0x92: {  	s4 =	sld [smem:$0x3FFB];
	_ =	sdelay $0x3  }
0x93: {  	_ =	strace s4  }
0x94: {  	s4 =	sld [smem:$0x3FFC];
	_ =	sdelay $0x3  }
0x95: {  	_ =	strace s4  }
0x96: {  	s4 =	sld [smem:$0x3FFD];
	_ =	sdelay $0x3  }
0x97: {  	_ =	strace s4  }
0x98: {  	_ =	strace $0x8FFFFFFF  }
0x99: {  	s19 =	sld [smem:$0x3FDB];
	_ =	sdelay $0x1  }
0x9a: {  	s5 =	simm.s32 $_scs_section_size  }
0x9b: {  	s6 =	simm.s32 $_size__tile_overlayer_lowered;
	s7 =	simm.s32 $_tile_overlayer_lowered  }
0x9c: {  	s22 =	simm.s32 $0x1BFF;
	s21 =	sshll.u32 s7, $0x1;
	s4 =	sadd.s32 s5, s19  }
0x9d: {  	s8 =	simm.s32 $0x0;
	s20 =	sshll.u32 s6, $0x1;
	s6 =	sadd.s32 s21, s4  }
0x9e: {  	[timem:s8], [sflag:s22] =	dma.local [hbm:s6], s20  }
0x9f: {  	_ =	swait.ge [sflag:s22], s20  }
0xa0: {  	s5 =	ssub.s32 $0x0, s20;
	[sflag:s22] =	ssyncset.done $0x0  }
0xa1: {  	[sflag:s22] =	ssyncadd.s32 s5;
	_ =	sdelay $0x1  }
0xa2: {  	s23 =	simm.s32 $0x1B8B  }
0xa3: {  	_ =	swait.ge [sflag:s23], $0x1  }
0xa4: {  	[sflag:s23] =	ssyncset.done $0x0  }
0xa5: {  	s25 =	simm.s32 $0x1B8E;
	s24 =	sld [smem:$0x3FFE];
	[sflag:s23] =	ssyncadd.s32 $0xFFFFFFFF  }
0xa6: {  	s26 =	simm.s32 $execute0_lowered;
	[smem:$0x3FD2] =	sst s25  }
0xa7: {  	s6 =	sshll.u32 s26, $0x1;
	_ =	strace $0x80000046;
	[dreg:$0x1] =	wrdreg $0xFFFFFFFF  }
0xa8: {  	s28 =	simm.s32 $_size_execute0_lowered;
	s4 =	sadd.s32 s4, s6;
	[dreg:$0x0] =	wrdreg $0x0  }
0xa9: {  	s6 =	sshll.u32 s28, $0x1;
	[dreg:$0x2] =	wrdreg s4  }
0xaa: {  	[dreg:$0x3] =	wrdreg s6  }
0xab: {  	[dreg:$0x4] =	wrdreg $0xC0  }
0xac: {  	_ =	task [dreg:s8], $0x5FFFF  }
0xad: {  	[dreg:$0x1] =	wrdreg $0xFFFFFFFF  }
0xae: {  	[dreg:$0x0] =	wrdreg $0x60  }
0xaf: {  	[dreg:$0x2] =	wrdreg s2  }
0xb0: {  	[dreg:$0x3] =	wrdreg s24  }
0xb1: {  	[dreg:$0x4] =	wrdreg s18  }
0xb2: {  	[dreg:$0x5] =	wrdreg $0x9  }
0xb3: {  	_ =	task.clear_ibuf [dreg:s8], $0x6FFFF;
	_ =	strace $0x90000046  }
0xb4: {  	s29 =	simm.s32 $0x9;
	_ =	strace $0x80000048  }
0xb5: {  	_ =	swait.ge [sflag:s29], $0x1  }
0xb6: {  	[sflag:s29] =	ssyncadd.s32 $0xFFFFFFFF  }
0xb7: {  	_ =	strace $0x90000048  }
0xb8: {  	_ =	sfence  }
0xb9: {  	s30 =	sld [smem:$0x0];
	_ =	sdelay $0x2  }
0xba: {  	s31 =	sshll.u32 s1, $0xD;
	s1 =	sshrl.u32 s1, $0x2  }
0xbb: {  	s3 =	sand.u32 $0x4000, s31;
	s1 =	sadd.s32 s1, s30  }
0xbc: {  	s0 =	sor.u32 s3, s0;
	s1 =	sshll.u32 s1, $0x11  }
0xbd: {  	s0 =	sor.u32 s1, s0  }
0xbe: {  	s0 =	sadd.s32 $0x8F2B, s0  }
0xbf: {  	[sflag:s0] =	ssyncadd.remote.s32 $0x1  }
0xc0: {  	_ =	sfence.sel $0xFFFF  }
0xc1: {  	[dreg:$0x0] =	wrdreg $0xFFFFFFFF;
	(pc) =	sbr.abs _section_cstart, $3  }
0xc2: {  	[dreg:$0x1] =	wrdreg $0xFFFFFFFF  }
0xc3: {  	_ =	task.clear_ibuf [dreg:s8], $0x2FFFF;
	_ =	strace $0x9FFFFFFF  }
0xc4: {  	(tm) =	ssettm $0x7FFFFFFF  }
0xc5: {  	_ =	shalt  }
tec
execute0_lowered:
.L_overlay_start_1:
0x0: {  	(tag) =	ssettag $0x1  }
0x1: {  	s2 =	rddreg [dreg:$0x0]  }
0x2: {  	s6 =	stileid.u32;
	s0 =	rddreg [dreg:$0x1]  }
0x3: {  	s1 =	simm.s32 $0x0;
	s3 =	srdreg.scid;
	s28 =	simm.s32 $0x80  }
0x4: {  	s29 =	simm.s32 $0x400;
	s30 =	simm.s32 $0x18700;
	s31 =	simm.s32 $0x2  }
0x5: {  	s4 =	sshrl.u32 s6, $0x3;
	s6 =	sshll.u32 s6, $0x7;
	[smem:$0x7FF] =	sst s1  }
0x6: {  	s7 =	sand.u32 $0x1, s3;
	s5 =	smul.u32 $0xC3800, s4;
	s6 =	sand.u32 $0x380, s6  }
0x7: {  	s8 =	sshll.u32 s7, $0xD;
	s9 =	ssub.s32 $0x2, s7;
	s7 =	sshll.u32 s7, $0x10  }
0x8: {  	s4 =	sshll.u32 s4, $0x11;
	s0 =	sadd.s32 s8, s0;
	s21 =	sshrl.u32 s9, $0x1  }
0x9: {  	s4 =	sor.u32 s7, s4;
	s3 =	sor.u32 s6, s5;
	s25 =	ssub.s32 s9, s21  }
0xa: {  	s4 =	sor.u32 s6, s4;
	s22 =	sshrl.u32 s3, $0x3;
	s24 =	sadd.s32 $0x187000, s3  }
0xb: {  	s26 =	sadd.s32 $0x30E000, s3;
	s9 =	sadd.s32 $0x495000, s3;
	s11 =	sadd.s32 $0x61C000, s3  }
0xc: {  	s13 =	sadd.s32 $0x7A3000, s3;
	s15 =	sadd.s32 $0x92A000, s3;
	s17 =	sadd.s32 $0xAB1000, s3  }
0xd: {  	s19 =	sadd.s32 $0xC38000, s3;
	s21 =	sadd.s32 $0xDBF000, s3;
	s7 =	sadd.s32 $0x2013000, s3  }
0xe: {  	s23 =	sadd.s32 s2, s22;
	s5 =	sshrl.u32 s24, $0x3;
	s8 =	sshrl.u32 s26, $0x3  }
0xf: {  	s10 =	sshrl.u32 s9, $0x3;
	s12 =	sshrl.u32 s11, $0x3;
	s14 =	sshrl.u32 s13, $0x3  }
0x10: {  	s16 =	sshrl.u32 s15, $0x3;
	s18 =	sshrl.u32 s17, $0x3;
	s20 =	sshrl.u32 s19, $0x3  }
0x11: {  	s22 =	sshrl.u32 s21, $0x3;
	s26 =	sadd.s32 $0x10CD000, s3;
	s21 =	sadd.s32 $0x1B7E000, s3  }
0x12: {  	[dreg:$0x4] =	wrdreg s23;
	s5 =	sadd.s32 s2, s5;
	s23 =	sadd.s32 $0xF46000, s3  }
0x13: {  	s9 =	sshrl.u32 s26, $0x3;
	s26 =	sadd.s32 $0x1E8C000, s3;
	[dreg:$0x5] =	wrdreg s5  }
0x14: {  	s5 =	sadd.s32 s2, s8;
	s24 =	sshrl.u32 s23, $0x3;
	s23 =	sadd.s32 $0x1D05000, s3  }
0x15: {  	s6 =	sshrl.u32 s26, $0x3;
	[dreg:$0x6] =	wrdreg s5;
	s5 =	sadd.s32 s2, s10  }
0x16: {  	s8 =	sshrl.u32 s7, $0x3;
	[dreg:$0x7] =	wrdreg s5;
	s5 =	sadd.s32 s2, s12  }
0x17: {  	s10 =	sadd.s32 $0x1254000, s3;
	[dreg:$0x8] =	wrdreg s5;
	s5 =	sadd.s32 s2, s14  }
0x18: {  	s11 =	sshrl.u32 s10, $0x3;
	[dreg:$0x9] =	wrdreg s5;
	s5 =	sadd.s32 s2, s16  }
0x19: {  	s12 =	sadd.s32 $0x13DB000, s3;
	[dreg:$0xa] =	wrdreg s5;
	s5 =	sadd.s32 s2, s18  }
0x1a: {  	s13 =	sshrl.u32 s12, $0x3;
	[dreg:$0xb] =	wrdreg s5;
	s5 =	sadd.s32 s2, s20  }
0x1b: {  	s14 =	sadd.s32 $0x1562000, s3;
	[dreg:$0xc] =	wrdreg s5;
	s5 =	sadd.s32 s2, s22  }
0x1c: {  	s15 =	sshrl.u32 s14, $0x3;
	[dreg:$0xd] =	wrdreg s5;
	s5 =	sadd.s32 s2, s24  }
0x1d: {  	s16 =	sadd.s32 $0x16E9000, s3;
	[dreg:$0xe] =	wrdreg s5;
	s5 =	sadd.s32 s2, s9  }
0x1e: {  	s17 =	sshrl.u32 s16, $0x3;
	[dreg:$0xf] =	wrdreg s5;
	s5 =	sadd.s32 s2, s11  }
0x1f: {  	s18 =	sadd.s32 $0x1870000, s3;
	[dreg:$0x10] =	wrdreg s5;
	s5 =	sadd.s32 s2, s13  }
0x20: {  	s19 =	sshrl.u32 s18, $0x3;
	[dreg:$0x11] =	wrdreg s5;
	s5 =	sadd.s32 s2, s15  }
0x21: {  	s20 =	sadd.s32 $0x19F7000, s3;
	[dreg:$0x12] =	wrdreg s5;
	s5 =	sadd.s32 s2, s17  }
0x22: {  	s22 =	sshrl.u32 s21, $0x3;
	[dreg:$0x13] =	wrdreg s5;
	s5 =	sadd.s32 s2, s19  }
0x23: {  	s24 =	sshrl.u32 s23, $0x3;
	[dreg:$0x14] =	wrdreg s5;
	s5 =	sshrl.u32 s20, $0x3  }
0x24: {  	s9 =	sadd.s32 $0x219A000, s3;
	s15 =	rddreg [dreg:$0x2];
	s5 =	sadd.s32 s2, s5  }
0x25: {  	s10 =	sshrl.u32 s9, $0x3;
	[dreg:$0x15] =	wrdreg s5;
	s5 =	sadd.s32 s2, s22  }
0x26: {  	s11 =	sadd.s32 $0x2321000, s3;
	[dreg:$0x16] =	wrdreg s5;
	s5 =	sadd.s32 s2, s24  }
0x27: {  	s12 =	sshrl.u32 s11, $0x3;
	[dreg:$0x17] =	wrdreg s5;
	s5 =	sadd.s32 s2, s6  }
0x28: {  	s13 =	sadd.s32 $0x24A8000, s3;
	[dreg:$0x18] =	wrdreg s5;
	s5 =	sadd.s32 s2, s8  }
0x29: {  	s3 =	sadd.s32 $0x262F000, s3;
	[dreg:$0x19] =	wrdreg s5;
	s5 =	sadd.s32 s2, s10  }
0x2a: {  	s14 =	sshrl.u32 s13, $0x3;
	[dreg:$0x1a] =	wrdreg s5;
	s5 =	sadd.s32 s2, s12  }
0x2b: {  	s3 =	sshrl.u32 s3, $0x3;
	[dreg:$0x1b] =	wrdreg s5;
	s5 =	sadd.s32 s2, s14  }
0x2c: {  	s16 =	sshrl.u32 s4, $0x3;
	s2 =	sadd.s32 s2, s3;
	[dreg:$0x1c] =	wrdreg s5  }
0x2d: {  	s25 =	smax.u32 s25, $0x1;
	[dreg:$0x1d] =	wrdreg s2;
	s2 =	sadd.s32 s15, s16  }
0x2e: {  	s26 =	sadd.s32 $0x5600, s0;
	s17 =	sadd.s32 $0x1600, s0;
	[dreg:$0x1e] =	wrdreg s2  }
0x2f: {  	s18 =	sadd.s32 $0x1610, s0;
	_ =	strace $0x80000047;
	[dreg:$0x1f] =	wrdreg s17  }
0x30: {  	s21 =	sadd.s32 $0x1640, s0;
	s19 =	sadd.s32 $0x1620, s0;
	[smem:$0x7F6] =	sst s18  }
0x31: {  	s23 =	sadd.s32 $0x1660, s0;
	s20 =	sadd.s32 $0x1630, s0;
	[smem:$0x7F7] =	sst s19  }
0x32: {  	s9 =	sadd.s32 $0x5620, s0;
	s11 =	sadd.s32 $0x5640, s0;
	[smem:$0x7F8] =	sst s20  }
0x33: {  	s13 =	sadd.s32 $0x5660, s0;
	s22 =	sadd.s32 $0x1650, s0;
	[smem:$0x7F9] =	sst s21  }
0x34: {  	s24 =	sadd.s32 $0x1670, s0;
	s8 =	sadd.s32 $0x5610, s0;
	[smem:$0x7FA] =	sst s22  }
0x35: {  	s10 =	sadd.s32 $0x5630, s0;
	s12 =	sadd.s32 $0x5650, s0;
	[smem:$0x7FB] =	sst s23  }
0x36: {  	s14 =	sadd.s32 $0x5670, s0;
	s15 =	sadd.s32 $0x9600, s0;
	[smem:$0x7FC] =	sst s24  }
0x37: {  	s16 =	sadd.s32 $0x9610, s0;
	[smem:$0x7FD] =	sst s26;
	s17 =	sadd.s32 $0x9620, s0  }
0x38: {  	s18 =	sadd.s32 $0x9630, s0;
	s19 =	sadd.s32 $0x9640, s0;
	s20 =	sadd.s32 $0x9650, s0  }
0x39: {  	s21 =	sadd.s32 $0x9660, s0;
	s22 =	sadd.s32 $0x9670, s0;
	s23 =	sadd.s32 $0xD600, s0  }
0x3a: {  	s24 =	sadd.s32 $0xD610, s0;
	s26 =	simm.s32 $0x1;
	s0 =	simm.s32 $0x0  }
.LBB2_1:
0x3b: {  	s2 =	rddreg [dreg:$0x4]  }
0x3c: {  	[tilespmem:s1], [sflag:$0x1] =	stream.strided.gather [hbm4b:s2+s28], $0x18700, s29, s28, $0x38;
	[tilespmem:$0x1E700] =	vst v63  }
0x3d: {  	s7 =	rddreg [dreg:$0x1f]  }
0x3e: {  	[tilespmem:s30], [sflag:$0x2] =	stream.strided.gather [hbm4b:s7+s28], $0x2000, s29, s28, $0x38;
	[tilespmem:$0x1E700] =	vst v63  }
0x3f: {  	_ =	swait.ge [sflag:s31], $0x2000  }
0x40: {  	[sflag:s31] =	ssyncset.done $0x0  }
0x41: {  	[sflag:s31] =	ssyncadd.s32 $0xFFFFE000  }
0x42: {  	_ =	swait.ge [sflag:s26], $0x18700  }
0x43: {  	[sflag:s26] =	ssyncset.done $0x0  }
0x44: {  	s3 =	simm.s32 $0x0;
	[sflag:s26] =	ssyncadd.s32 $0xFFFE7900  }
0x45: {  	v0 =	vld [tilespmem:s3+$0x18700];
	_ =	sdelay $0x7  }
0x46: {  	s4 =	simm.s32 $0x80;
	s2 =	simm.s32 $0x10;
	v0 =	vld.idx.msk [tilespmem:v0+s1+$0x0], $0xffff  }
.LBB2_2:
0x47: {  	p0 =	sne.s32 s4, $0x7FC0;
	v1 =	vld [tilespmem:s2+$0x18700];
	_ =	sdelay $0x3  }
.Ltmp0:
0x48: {  	(pc) =	sbr.rel @p0 .LBB2_2-.Ltmp0, $3  }
0x49: {  	[tilespmem:s3+$0x1A700] =	vst v0;
	v0 =	vmul.f32 v0, v0;
	_ =	sdelay $0x1  }
0x4a: {  	[tilespmem:s3+$0x1C700] =	vst v0;
	s3 =	smov.u32 s2  }
0x4b: {  	s2 =	sshra.s32 s4, $0x2;
	s4 =	sadd.s32 $0x40, s4;
	v0 =	vld.idx.msk [tilespmem:v1+s1+$0x0], $0xffff  }
0x4c: {  	v1 =	vld [tilespmem:s2+$0x18700];
	_ =	sdelay $0x4  }
0x4d: {  	v2 =	vmul.f32 v0, v0  }
0x4e: {  	[tilespmem:s3+$0x1A700] =	vst v0  }
0x4f: {  	[tilespmem:s3+$0x1C700] =	vst v2  }
0x50: {  	v0 =	vld.idx.msk [tilespmem:v1+s1+$0x0], $0xffff;
	_ =	sdelay $0x4  }
0x51: {  	v1 =	vmul.f32 v0, v0  }
0x52: {  	s6 =	rddreg [dreg:$0x5];
	[tilespmem:s2+$0x1A700] =	vst v0  }
0x53: {  	s5 =	simm.s32 $0x0;
	s7 =	sld [smem:$0x7F6];
	[tilespmem:s2+$0x1C700] =	vst v1  }
0x54: {  	[tilespmem:s5], [sflag:$0x1] =	stream.strided.gather [hbm4b:s6+s28], $0x18700, s29, s28, $0x38;
	[tilespmem:$0x1E700] =	vst v63  }
0x55: {  	_ = 	snop  }
0x56: {  	[tilespmem:s30], [sflag:$0x2] =	stream.strided.gather [hbm4b:s7+s28], $0x2000, s29, s28, $0x38;
	[tilespmem:$0x1E700] =	vst v63  }
0x57: {  	_ =	swait.ge [sflag:s31], $0x2000  }
0x58: {  	[sflag:s31] =	ssyncset.done $0x0  }
0x59: {  	[sflag:s31] =	ssyncadd.s32 $0xFFFFE000  }
0x5a: {  	_ =	swait.ge [sflag:s26], $0x18700  }
0x5b: {  	[sflag:s26] =	ssyncset.done $0x0  }
0x5c: {  	s3 =	simm.s32 $0x0;
	[sflag:s26] =	ssyncadd.s32 $0xFFFE7900  }
0x5d: {  	v0 =	vld [tilespmem:s3+$0x18700];
	_ =	sdelay $0x6  }
0x5e: {  	v2 =	vld [tilespmem:s3+$0x1A700]  }
0x5f: {  	s2 =	simm.s32 $0x10;
	v1 =	vld.idx.msk [tilespmem:v0+s1+$0x0], $0xffff  }
0x60: {  	s4 =	simm.s32 $0x80;
	v0 =	vld [tilespmem:s2+$0x18700]  }
.LBB2_4:
0x61: {  	p0 =	sne.s32 s4, $0x7FC0;
	v3 =	vld [tilespmem:s3+$0x1C700];
	_ =	sdelay $0x2  }
0x62: {  	v2 =	vadd.f32 v2, v1;
	v1 =	vmul.f32 v1, v1;
	_ =	sdelay $0x1  }
0x63: {  	[tilespmem:s3+$0x1A700] =	vst v2;
	v1 =	vadd.f32 v3, v1  }
.Ltmp1:
0x64: {  	(pc) =	sbr.rel @p0 .LBB2_4-.Ltmp1, $4  }
0x65: {  	[tilespmem:s3+$0x1C700] =	vst v1;
	s3 =	smov.u32 s2  }
0x66: {  	v1 =	vld.idx.msk [tilespmem:v0+s1+$0x0], $0xffff  }
0x67: {  	s2 =	sshra.s32 s4, $0x2;
	v2 =	vld [tilespmem:s3+$0x1A700]  }
0x68: {  	s4 =	sadd.s32 $0x40, s4;
	v0 =	vld [tilespmem:s2+$0x18700]  }
0x69: {  	v3 =	vld [tilespmem:s3+$0x1C700];
	_ =	sdelay $0x2  }
0x6a: {  	v4 =	vmul.f32 v1, v1  }
0x6b: {  	v1 =	vadd.f32 v2, v1  }
0x6c: {  	v2 =	vadd.f32 v3, v4  }
0x6d: {  	[tilespmem:s3+$0x1A700] =	vst v1  }
0x6e: {  	[tilespmem:s3+$0x1C700] =	vst v2  }
0x6f: {  	v0 =	vld.idx.msk [tilespmem:v0+s1+$0x0], $0xffff  }
0x70: {  	v1 =	vld [tilespmem:s2+$0x1A700]  }
0x71: {  	v2 =	vld [tilespmem:s2+$0x1C700];
	_ =	sdelay $0x2  }
0x72: {  	v3 =	vmul.f32 v0, v0  }
0x73: {  	v0 =	vadd.f32 v1, v0  }
0x74: {  	v1 =	vadd.f32 v2, v3  }
0x75: {  	s6 =	rddreg [dreg:$0x6];
	[tilespmem:s2+$0x1A700] =	vst v0  }
0x76: {  	s5 =	simm.s32 $0x0;
	s7 =	sld [smem:$0x7F7];
	[tilespmem:s2+$0x1C700] =	vst v1  }
0x77: {  	[tilespmem:s5], [sflag:$0x1] =	stream.strided.gather [hbm4b:s6+s28], $0x18700, s29, s28, $0x38;
	[tilespmem:$0x1E700] =	vst v63  }
0x78: {  	_ = 	snop  }
0x79: {  	[tilespmem:s30], [sflag:$0x2] =	stream.strided.gather [hbm4b:s7+s28], $0x2000, s29, s28, $0x38;
	[tilespmem:$0x1E700] =	vst v63  }
0x7a: {  	_ =	swait.ge [sflag:s31], $0x2000  }
0x7b: {  	[sflag:s31] =	ssyncset.done $0x0  }
0x7c: {  	[sflag:s31] =	ssyncadd.s32 $0xFFFFE000  }
0x7d: {  	_ =	swait.ge [sflag:s26], $0x18700  }
0x7e: {  	[sflag:s26] =	ssyncset.done $0x0  }
0x7f: {  	s3 =	simm.s32 $0x0;
	[sflag:s26] =	ssyncadd.s32 $0xFFFE7900  }
0x80: {  	v0 =	vld [tilespmem:s3+$0x18700];
	_ =	sdelay $0x6  }
0x81: {  	v2 =	vld [tilespmem:s3+$0x1A700]  }
0x82: {  	s2 =	simm.s32 $0x10;
	v1 =	vld.idx.msk [tilespmem:v0+s1+$0x0], $0xffff  }
0x83: {  	s4 =	simm.s32 $0x80;
	v0 =	vld [tilespmem:s2+$0x18700]  }
.LBB2_6:
0x84: {  	p0 =	sne.s32 s4, $0x7FC0;
	v3 =	vld [tilespmem:s3+$0x1C700];
	_ =	sdelay $0x2  }
0x85: {  	v2 =	vadd.f32 v2, v1;
	v1 =	vmul.f32 v1, v1;
	_ =	sdelay $0x1  }
0x86: {  	[tilespmem:s3+$0x1A700] =	vst v2;
	v1 =	vadd.f32 v3, v1  }
.Ltmp2:
0x87: {  	(pc) =	sbr.rel @p0 .LBB2_6-.Ltmp2, $4  }
0x88: {  	[tilespmem:s3+$0x1C700] =	vst v1;
	s3 =	smov.u32 s2  }
0x89: {  	v1 =	vld.idx.msk [tilespmem:v0+s1+$0x0], $0xffff  }
0x8a: {  	s2 =	sshra.s32 s4, $0x2;
	v2 =	vld [tilespmem:s3+$0x1A700]  }
0x8b: {  	s4 =	sadd.s32 $0x40, s4;
	v0 =	vld [tilespmem:s2+$0x18700]  }
0x8c: {  	v3 =	vld [tilespmem:s3+$0x1C700];
	_ =	sdelay $0x2  }
0x8d: {  	v4 =	vmul.f32 v1, v1  }
0x8e: {  	v1 =	vadd.f32 v2, v1  }
0x8f: {  	v2 =	vadd.f32 v3, v4  }
0x90: {  	[tilespmem:s3+$0x1A700] =	vst v1  }
0x91: {  	[tilespmem:s3+$0x1C700] =	vst v2  }
0x92: {  	v0 =	vld.idx.msk [tilespmem:v0+s1+$0x0], $0xffff  }
0x93: {  	v1 =	vld [tilespmem:s2+$0x1A700]  }
0x94: {  	v2 =	vld [tilespmem:s2+$0x1C700];
	_ =	sdelay $0x2  }
0x95: {  	v3 =	vmul.f32 v0, v0  }
0x96: {  	v0 =	vadd.f32 v1, v0  }
0x97: {  	v1 =	vadd.f32 v2, v3  }
0x98: {  	s6 =	rddreg [dreg:$0x7];
	[tilespmem:s2+$0x1A700] =	vst v0  }
0x99: {  	s5 =	simm.s32 $0x0;
	s7 =	sld [smem:$0x7F8];
	[tilespmem:s2+$0x1C700] =	vst v1  }
0x9a: {  	[tilespmem:s5], [sflag:$0x1] =	stream.strided.gather [hbm4b:s6+s28], $0x18700, s29, s28, $0x38;
	[tilespmem:$0x1E700] =	vst v63  }
0x9b: {  	_ = 	snop  }
0x9c: {  	[tilespmem:s30], [sflag:$0x2] =	stream.strided.gather [hbm4b:s7+s28], $0x2000, s29, s28, $0x38;
	[tilespmem:$0x1E700] =	vst v63  }
0x9d: {  	_ =	swait.ge [sflag:s31], $0x2000  }
0x9e: {  	[sflag:s31] =	ssyncset.done $0x0  }
0x9f: {  	[sflag:s31] =	ssyncadd.s32 $0xFFFFE000  }
0xa0: {  	_ =	swait.ge [sflag:s26], $0x18700  }
0xa1: {  	[sflag:s26] =	ssyncset.done $0x0  }
0xa2: {  	s3 =	simm.s32 $0x0;
	[sflag:s26] =	ssyncadd.s32 $0xFFFE7900  }
0xa3: {  	v0 =	vld [tilespmem:s3+$0x18700];
	_ =	sdelay $0x6  }
0xa4: {  	v2 =	vld [tilespmem:s3+$0x1A700]  }
0xa5: {  	s2 =	simm.s32 $0x10;
	v1 =	vld.idx.msk [tilespmem:v0+s1+$0x0], $0xffff  }
0xa6: {  	s4 =	simm.s32 $0x80;
	v0 =	vld [tilespmem:s2+$0x18700]  }
.LBB2_8:
0xa7: {  	p0 =	sne.s32 s4, $0x7FC0;
	v3 =	vld [tilespmem:s3+$0x1C700];
	_ =	sdelay $0x2  }
0xa8: {  	v2 =	vadd.f32 v2, v1;
	v1 =	vmul.f32 v1, v1;
	_ =	sdelay $0x1  }
0xa9: {  	[tilespmem:s3+$0x1A700] =	vst v2;
	v1 =	vadd.f32 v3, v1  }
.Ltmp3:
0xaa: {  	(pc) =	sbr.rel @p0 .LBB2_8-.Ltmp3, $4  }
0xab: {  	[tilespmem:s3+$0x1C700] =	vst v1;
	s3 =	smov.u32 s2  }
0xac: {  	v1 =	vld.idx.msk [tilespmem:v0+s1+$0x0], $0xffff  }
0xad: {  	s2 =	sshra.s32 s4, $0x2;
	v2 =	vld [tilespmem:s3+$0x1A700]  }
0xae: {  	s4 =	sadd.s32 $0x40, s4;
	v0 =	vld [tilespmem:s2+$0x18700]  }
0xaf: {  	v3 =	vld [tilespmem:s3+$0x1C700];
	_ =	sdelay $0x2  }
0xb0: {  	v4 =	vmul.f32 v1, v1  }
0xb1: {  	v1 =	vadd.f32 v2, v1  }
0xb2: {  	v2 =	vadd.f32 v3, v4  }
0xb3: {  	[tilespmem:s3+$0x1A700] =	vst v1  }
0xb4: {  	[tilespmem:s3+$0x1C700] =	vst v2  }
0xb5: {  	v0 =	vld.idx.msk [tilespmem:v0+s1+$0x0], $0xffff  }
0xb6: {  	v1 =	vld [tilespmem:s2+$0x1A700]  }
0xb7: {  	v2 =	vld [tilespmem:s2+$0x1C700];
	_ =	sdelay $0x2  }
0xb8: {  	v3 =	vmul.f32 v0, v0  }
0xb9: {  	v0 =	vadd.f32 v1, v0  }
0xba: {  	v1 =	vadd.f32 v2, v3  }
0xbb: {  	s6 =	rddreg [dreg:$0x8];
	[tilespmem:s2+$0x1A700] =	vst v0  }
0xbc: {  	s5 =	simm.s32 $0x0;
	s7 =	sld [smem:$0x7F9];
	[tilespmem:s2+$0x1C700] =	vst v1  }
0xbd: {  	[tilespmem:s5], [sflag:$0x1] =	stream.strided.gather [hbm4b:s6+s28], $0x18700, s29, s28, $0x38;
	[tilespmem:$0x1E700] =	vst v63  }
0xbe: {  	_ = 	snop  }
0xbf: {  	[tilespmem:s30], [sflag:$0x2] =	stream.strided.gather [hbm4b:s7+s28], $0x2000, s29, s28, $0x38;
	[tilespmem:$0x1E700] =	vst v63  }
0xc0: {  	_ =	swait.ge [sflag:s31], $0x2000  }
0xc1: {  	[sflag:s31] =	ssyncset.done $0x0  }
0xc2: {  	[sflag:s31] =	ssyncadd.s32 $0xFFFFE000  }
0xc3: {  	_ =	swait.ge [sflag:s26], $0x18700  }
0xc4: {  	[sflag:s26] =	ssyncset.done $0x0  }
0xc5: {  	s3 =	simm.s32 $0x0;
	[sflag:s26] =	ssyncadd.s32 $0xFFFE7900  }
0xc6: {  	v0 =	vld [tilespmem:s3+$0x18700];
	_ =	sdelay $0x6  }
0xc7: {  	v2 =	vld [tilespmem:s3+$0x1A700]  }
0xc8: {  	s2 =	simm.s32 $0x10;
	v1 =	vld.idx.msk [tilespmem:v0+s1+$0x0], $0xffff  }
0xc9: {  	s4 =	simm.s32 $0x80;
	v0 =	vld [tilespmem:s2+$0x18700]  }
.LBB2_10:
0xca: {  	p0 =	sne.s32 s4, $0x7FC0;
	v3 =	vld [tilespmem:s3+$0x1C700];
	_ =	sdelay $0x2  }
0xcb: {  	v2 =	vadd.f32 v2, v1;
	v1 =	vmul.f32 v1, v1;
	_ =	sdelay $0x1  }
0xcc: {  	[tilespmem:s3+$0x1A700] =	vst v2;
	v1 =	vadd.f32 v3, v1  }
.Ltmp4:
0xcd: {  	(pc) =	sbr.rel @p0 .LBB2_10-.Ltmp4, $4  }
0xce: {  	[tilespmem:s3+$0x1C700] =	vst v1;
	s3 =	smov.u32 s2  }
0xcf: {  	v1 =	vld.idx.msk [tilespmem:v0+s1+$0x0], $0xffff  }
0xd0: {  	s2 =	sshra.s32 s4, $0x2;
	v2 =	vld [tilespmem:s3+$0x1A700]  }
0xd1: {  	s4 =	sadd.s32 $0x40, s4;
	v0 =	vld [tilespmem:s2+$0x18700]  }
0xd2: {  	v3 =	vld [tilespmem:s3+$0x1C700];
	_ =	sdelay $0x2  }
0xd3: {  	v4 =	vmul.f32 v1, v1  }
0xd4: {  	v1 =	vadd.f32 v2, v1  }
0xd5: {  	v2 =	vadd.f32 v3, v4  }
0xd6: {  	[tilespmem:s3+$0x1A700] =	vst v1  }
0xd7: {  	[tilespmem:s3+$0x1C700] =	vst v2  }
0xd8: {  	v0 =	vld.idx.msk [tilespmem:v0+s1+$0x0], $0xffff  }
0xd9: {  	v1 =	vld [tilespmem:s2+$0x1A700]  }
0xda: {  	v2 =	vld [tilespmem:s2+$0x1C700];
	_ =	sdelay $0x2  }
0xdb: {  	v3 =	vmul.f32 v0, v0  }
0xdc: {  	v0 =	vadd.f32 v1, v0  }
0xdd: {  	v1 =	vadd.f32 v2, v3  }
0xde: {  	s6 =	rddreg [dreg:$0x9];
	[tilespmem:s2+$0x1A700] =	vst v0  }
0xdf: {  	s5 =	simm.s32 $0x0;
	s7 =	sld [smem:$0x7FA];
	[tilespmem:s2+$0x1C700] =	vst v1  }
0xe0: {  	[tilespmem:s5], [sflag:$0x1] =	stream.strided.gather [hbm4b:s6+s28], $0x18700, s29, s28, $0x38;
	[tilespmem:$0x1E700] =	vst v63  }
0xe1: {  	_ = 	snop  }
0xe2: {  	[tilespmem:s30], [sflag:$0x2] =	stream.strided.gather [hbm4b:s7+s28], $0x2000, s29, s28, $0x38;
	[tilespmem:$0x1E700] =	vst v63  }
0xe3: {  	_ =	swait.ge [sflag:s31], $0x2000  }
0xe4: {  	[sflag:s31] =	ssyncset.done $0x0  }
0xe5: {  	[sflag:s31] =	ssyncadd.s32 $0xFFFFE000  }
0xe6: {  	_ =	swait.ge [sflag:s26], $0x18700  }
0xe7: {  	[sflag:s26] =	ssyncset.done $0x0  }
0xe8: {  	s3 =	simm.s32 $0x0;
	[sflag:s26] =	ssyncadd.s32 $0xFFFE7900  }
0xe9: {  	v0 =	vld [tilespmem:s3+$0x18700];
	_ =	sdelay $0x6  }
0xea: {  	v2 =	vld [tilespmem:s3+$0x1A700]  }
0xeb: {  	s2 =	simm.s32 $0x10;
	v1 =	vld.idx.msk [tilespmem:v0+s1+$0x0], $0xffff  }
0xec: {  	s4 =	simm.s32 $0x80;
	v0 =	vld [tilespmem:s2+$0x18700]  }
.LBB2_12:
0xed: {  	p0 =	sne.s32 s4, $0x7FC0;
	v3 =	vld [tilespmem:s3+$0x1C700];
	_ =	sdelay $0x2  }
0xee: {  	v2 =	vadd.f32 v2, v1;
	v1 =	vmul.f32 v1, v1;
	_ =	sdelay $0x1  }
0xef: {  	[tilespmem:s3+$0x1A700] =	vst v2;
	v1 =	vadd.f32 v3, v1  }
.Ltmp5:
0xf0: {  	(pc) =	sbr.rel @p0 .LBB2_12-.Ltmp5, $4  }
0xf1: {  	[tilespmem:s3+$0x1C700] =	vst v1;
	s3 =	smov.u32 s2  }
0xf2: {  	v1 =	vld.idx.msk [tilespmem:v0+s1+$0x0], $0xffff  }
0xf3: {  	s2 =	sshra.s32 s4, $0x2;
	v2 =	vld [tilespmem:s3+$0x1A700]  }
0xf4: {  	s4 =	sadd.s32 $0x40, s4;
	v0 =	vld [tilespmem:s2+$0x18700]  }
0xf5: {  	v3 =	vld [tilespmem:s3+$0x1C700];
	_ =	sdelay $0x2  }
0xf6: {  	v4 =	vmul.f32 v1, v1  }
0xf7: {  	v1 =	vadd.f32 v2, v1  }
0xf8: {  	v2 =	vadd.f32 v3, v4  }
0xf9: {  	[tilespmem:s3+$0x1A700] =	vst v1  }
0xfa: {  	[tilespmem:s3+$0x1C700] =	vst v2  }
0xfb: {  	v0 =	vld.idx.msk [tilespmem:v0+s1+$0x0], $0xffff  }
0xfc: {  	v1 =	vld [tilespmem:s2+$0x1A700]  }
0xfd: {  	v2 =	vld [tilespmem:s2+$0x1C700];
	_ =	sdelay $0x2  }
0xfe: {  	v3 =	vmul.f32 v0, v0  }
0xff: {  	v0 =	vadd.f32 v1, v0  }
0x100: {  	v1 =	vadd.f32 v2, v3  }
0x101: {  	s6 =	rddreg [dreg:$0xa];
	[tilespmem:s2+$0x1A700] =	vst v0  }
0x102: {  	s5 =	simm.s32 $0x0;
	s7 =	sld [smem:$0x7FB];
	[tilespmem:s2+$0x1C700] =	vst v1  }
0x103: {  	[tilespmem:s5], [sflag:$0x1] =	stream.strided.gather [hbm4b:s6+s28], $0x18700, s29, s28, $0x38;
	[tilespmem:$0x1E700] =	vst v63  }
0x104: {  	_ = 	snop  }
0x105: {  	[tilespmem:s30], [sflag:$0x2] =	stream.strided.gather [hbm4b:s7+s28], $0x2000, s29, s28, $0x38;
	[tilespmem:$0x1E700] =	vst v63  }
0x106: {  	_ =	swait.ge [sflag:s31], $0x2000  }
0x107: {  	[sflag:s31] =	ssyncset.done $0x0  }
0x108: {  	[sflag:s31] =	ssyncadd.s32 $0xFFFFE000  }
0x109: {  	_ =	swait.ge [sflag:s26], $0x18700  }
0x10a: {  	[sflag:s26] =	ssyncset.done $0x0  }
0x10b: {  	s3 =	simm.s32 $0x0;
	[sflag:s26] =	ssyncadd.s32 $0xFFFE7900  }
0x10c: {  	v0 =	vld [tilespmem:s3+$0x18700];
	_ =	sdelay $0x6  }
0x10d: {  	v2 =	vld [tilespmem:s3+$0x1A700]  }
0x10e: {  	s2 =	simm.s32 $0x10;
	v1 =	vld.idx.msk [tilespmem:v0+s1+$0x0], $0xffff  }
0x10f: {  	s4 =	simm.s32 $0x80;
	v0 =	vld [tilespmem:s2+$0x18700]  }
.LBB2_14:
0x110: {  	p0 =	sne.s32 s4, $0x7FC0;
	v3 =	vld [tilespmem:s3+$0x1C700];
	_ =	sdelay $0x2  }
0x111: {  	v2 =	vadd.f32 v2, v1;
	v1 =	vmul.f32 v1, v1;
	_ =	sdelay $0x1  }
0x112: {  	[tilespmem:s3+$0x1A700] =	vst v2;
	v1 =	vadd.f32 v3, v1  }
.Ltmp6:
0x113: {  	(pc) =	sbr.rel @p0 .LBB2_14-.Ltmp6, $4  }
0x114: {  	[tilespmem:s3+$0x1C700] =	vst v1;
	s3 =	smov.u32 s2  }
0x115: {  	v1 =	vld.idx.msk [tilespmem:v0+s1+$0x0], $0xffff  }
0x116: {  	s2 =	sshra.s32 s4, $0x2;
	v2 =	vld [tilespmem:s3+$0x1A700]  }
0x117: {  	s4 =	sadd.s32 $0x40, s4;
	v0 =	vld [tilespmem:s2+$0x18700]  }
0x118: {  	v3 =	vld [tilespmem:s3+$0x1C700];
	_ =	sdelay $0x2  }
0x119: {  	v4 =	vmul.f32 v1, v1  }
0x11a: {  	v1 =	vadd.f32 v2, v1  }
0x11b: {  	v2 =	vadd.f32 v3, v4  }
0x11c: {  	[tilespmem:s3+$0x1A700] =	vst v1  }
0x11d: {  	[tilespmem:s3+$0x1C700] =	vst v2  }
0x11e: {  	v0 =	vld.idx.msk [tilespmem:v0+s1+$0x0], $0xffff  }
0x11f: {  	v1 =	vld [tilespmem:s2+$0x1A700]  }
0x120: {  	v2 =	vld [tilespmem:s2+$0x1C700];
	_ =	sdelay $0x2  }
0x121: {  	v3 =	vmul.f32 v0, v0  }
0x122: {  	v0 =	vadd.f32 v1, v0  }
0x123: {  	v1 =	vadd.f32 v2, v3  }
0x124: {  	s6 =	rddreg [dreg:$0xb];
	[tilespmem:s2+$0x1A700] =	vst v0  }
0x125: {  	s5 =	simm.s32 $0x0;
	s7 =	sld [smem:$0x7FC];
	[tilespmem:s2+$0x1C700] =	vst v1  }
0x126: {  	[tilespmem:s5], [sflag:$0x1] =	stream.strided.gather [hbm4b:s6+s28], $0x18700, s29, s28, $0x38;
	[tilespmem:$0x1E700] =	vst v63  }
0x127: {  	_ = 	snop  }
0x128: {  	[tilespmem:s30], [sflag:$0x2] =	stream.strided.gather [hbm4b:s7+s28], $0x2000, s29, s28, $0x38;
	[tilespmem:$0x1E700] =	vst v63  }
0x129: {  	_ =	swait.ge [sflag:s31], $0x2000  }
0x12a: {  	[sflag:s31] =	ssyncset.done $0x0  }
0x12b: {  	[sflag:s31] =	ssyncadd.s32 $0xFFFFE000  }
0x12c: {  	_ =	swait.ge [sflag:s26], $0x18700  }
0x12d: {  	[sflag:s26] =	ssyncset.done $0x0  }
0x12e: {  	s3 =	simm.s32 $0x0;
	[sflag:s26] =	ssyncadd.s32 $0xFFFE7900  }
0x12f: {  	v0 =	vld [tilespmem:s3+$0x18700];
	_ =	sdelay $0x6  }
0x130: {  	v2 =	vld [tilespmem:s3+$0x1A700]  }
0x131: {  	s2 =	simm.s32 $0x10;
	v1 =	vld.idx.msk [tilespmem:v0+s1+$0x0], $0xffff  }
0x132: {  	s4 =	simm.s32 $0x80;
	v0 =	vld [tilespmem:s2+$0x18700]  }
.LBB2_16:
0x133: {  	p0 =	sne.s32 s4, $0x7FC0;
	v3 =	vld [tilespmem:s3+$0x1C700];
	_ =	sdelay $0x2  }
0x134: {  	v2 =	vadd.f32 v2, v1;
	v1 =	vmul.f32 v1, v1;
	_ =	sdelay $0x1  }
0x135: {  	[tilespmem:s3+$0x1A700] =	vst v2;
	v1 =	vadd.f32 v3, v1  }
.Ltmp7:
0x136: {  	(pc) =	sbr.rel @p0 .LBB2_16-.Ltmp7, $4  }
0x137: {  	[tilespmem:s3+$0x1C700] =	vst v1;
	s3 =	smov.u32 s2  }
0x138: {  	v1 =	vld.idx.msk [tilespmem:v0+s1+$0x0], $0xffff  }
0x139: {  	s2 =	sshra.s32 s4, $0x2;
	v2 =	vld [tilespmem:s3+$0x1A700]  }
0x13a: {  	s4 =	sadd.s32 $0x40, s4;
	v0 =	vld [tilespmem:s2+$0x18700]  }
0x13b: {  	v3 =	vld [tilespmem:s3+$0x1C700];
	_ =	sdelay $0x2  }
0x13c: {  	v4 =	vmul.f32 v1, v1  }
0x13d: {  	v1 =	vadd.f32 v2, v1  }
0x13e: {  	v2 =	vadd.f32 v3, v4  }
0x13f: {  	[tilespmem:s3+$0x1A700] =	vst v1  }
0x140: {  	[tilespmem:s3+$0x1C700] =	vst v2  }
0x141: {  	v0 =	vld.idx.msk [tilespmem:v0+s1+$0x0], $0xffff  }
0x142: {  	v1 =	vld [tilespmem:s2+$0x1A700]  }
0x143: {  	v2 =	vld [tilespmem:s2+$0x1C700];
	_ =	sdelay $0x2  }
0x144: {  	v3 =	vmul.f32 v0, v0  }
0x145: {  	v0 =	vadd.f32 v1, v0  }
0x146: {  	v1 =	vadd.f32 v2, v3  }
0x147: {  	s6 =	rddreg [dreg:$0xc];
	[tilespmem:s2+$0x1A700] =	vst v0  }
0x148: {  	s5 =	simm.s32 $0x0;
	s7 =	sld [smem:$0x7FD];
	[tilespmem:s2+$0x1C700] =	vst v1  }
0x149: {  	[tilespmem:s5], [sflag:$0x1] =	stream.strided.gather [hbm4b:s6+s28], $0x18700, s29, s28, $0x38;
	[tilespmem:$0x1E700] =	vst v63  }
0x14a: {  	_ = 	snop  }
0x14b: {  	[tilespmem:s30], [sflag:$0x2] =	stream.strided.gather [hbm4b:s7+s28], $0x2000, s29, s28, $0x38;
	[tilespmem:$0x1E700] =	vst v63  }
0x14c: {  	_ =	swait.ge [sflag:s31], $0x2000  }
0x14d: {  	[sflag:s31] =	ssyncset.done $0x0  }
0x14e: {  	[sflag:s31] =	ssyncadd.s32 $0xFFFFE000  }
0x14f: {  	_ =	swait.ge [sflag:s26], $0x18700  }
0x150: {  	[sflag:s26] =	ssyncset.done $0x0  }
0x151: {  	s3 =	simm.s32 $0x0;
	[sflag:s26] =	ssyncadd.s32 $0xFFFE7900  }
0x152: {  	v0 =	vld [tilespmem:s3+$0x18700];
	_ =	sdelay $0x6  }
0x153: {  	v2 =	vld [tilespmem:s3+$0x1A700]  }
0x154: {  	s2 =	simm.s32 $0x10;
	v1 =	vld.idx.msk [tilespmem:v0+s1+$0x0], $0xffff  }
0x155: {  	s4 =	simm.s32 $0x80;
	v0 =	vld [tilespmem:s2+$0x18700]  }
.LBB2_18:
0x156: {  	p0 =	sne.s32 s4, $0x7FC0;
	v3 =	vld [tilespmem:s3+$0x1C700];
	_ =	sdelay $0x2  }
0x157: {  	v2 =	vadd.f32 v2, v1;
	v1 =	vmul.f32 v1, v1;
	_ =	sdelay $0x1  }
0x158: {  	[tilespmem:s3+$0x1A700] =	vst v2;
	v1 =	vadd.f32 v3, v1  }
.Ltmp8:
0x159: {  	(pc) =	sbr.rel @p0 .LBB2_18-.Ltmp8, $4  }
0x15a: {  	[tilespmem:s3+$0x1C700] =	vst v1;
	s3 =	smov.u32 s2  }
0x15b: {  	v1 =	vld.idx.msk [tilespmem:v0+s1+$0x0], $0xffff  }
0x15c: {  	s2 =	sshra.s32 s4, $0x2;
	v2 =	vld [tilespmem:s3+$0x1A700]  }
0x15d: {  	s4 =	sadd.s32 $0x40, s4;
	v0 =	vld [tilespmem:s2+$0x18700]  }
0x15e: {  	v3 =	vld [tilespmem:s3+$0x1C700];
	_ =	sdelay $0x2  }
0x15f: {  	v4 =	vmul.f32 v1, v1  }
0x160: {  	v1 =	vadd.f32 v2, v1  }
0x161: {  	v2 =	vadd.f32 v3, v4  }
0x162: {  	[tilespmem:s3+$0x1A700] =	vst v1  }
0x163: {  	[tilespmem:s3+$0x1C700] =	vst v2  }
0x164: {  	v0 =	vld.idx.msk [tilespmem:v0+s1+$0x0], $0xffff  }
0x165: {  	v1 =	vld [tilespmem:s2+$0x1A700]  }
0x166: {  	v2 =	vld [tilespmem:s2+$0x1C700];
	_ =	sdelay $0x2  }
0x167: {  	v3 =	vmul.f32 v0, v0  }
0x168: {  	v0 =	vadd.f32 v1, v0  }
0x169: {  	v1 =	vadd.f32 v2, v3  }
0x16a: {  	[tilespmem:s2+$0x1A700] =	vst v0  }
0x16b: {  	s6 =	simm.s32 $0x0;
	s7 =	rddreg [dreg:$0xd];
	[tilespmem:s2+$0x1C700] =	vst v1  }
0x16c: {  	[tilespmem:s6], [sflag:$0x1] =	stream.strided.gather [hbm4b:s7+s28], $0x18700, s29, s28, $0x38;
	[tilespmem:$0x1E700] =	vst v63  }
0x16d: {  	_ = 	snop  }
0x16e: {  	[tilespmem:s30], [sflag:$0x2] =	stream.strided.gather [hbm4b:s8+s28], $0x2000, s29, s28, $0x38;
	[tilespmem:$0x1E700] =	vst v63  }
0x16f: {  	_ =	swait.ge [sflag:s31], $0x2000  }
0x170: {  	[sflag:s31] =	ssyncset.done $0x0  }
0x171: {  	[sflag:s31] =	ssyncadd.s32 $0xFFFFE000  }
0x172: {  	_ =	swait.ge [sflag:s26], $0x18700  }
0x173: {  	[sflag:s26] =	ssyncset.done $0x0  }
0x174: {  	s3 =	simm.s32 $0x0;
	[sflag:s26] =	ssyncadd.s32 $0xFFFE7900  }
0x175: {  	v0 =	vld [tilespmem:s3+$0x18700];
	_ =	sdelay $0x6  }
0x176: {  	v2 =	vld [tilespmem:s3+$0x1A700]  }
0x177: {  	s2 =	simm.s32 $0x10;
	v1 =	vld.idx.msk [tilespmem:v0+s1+$0x0], $0xffff  }
0x178: {  	s4 =	simm.s32 $0x80;
	v0 =	vld [tilespmem:s2+$0x18700]  }
.LBB2_20:
0x179: {  	p0 =	sne.s32 s4, $0x7FC0;
	v3 =	vld [tilespmem:s3+$0x1C700];
	_ =	sdelay $0x2  }
0x17a: {  	v2 =	vadd.f32 v2, v1;
	v1 =	vmul.f32 v1, v1;
	_ =	sdelay $0x1  }
0x17b: {  	[tilespmem:s3+$0x1A700] =	vst v2;
	v1 =	vadd.f32 v3, v1  }
.Ltmp9:
0x17c: {  	(pc) =	sbr.rel @p0 .LBB2_20-.Ltmp9, $4  }
0x17d: {  	[tilespmem:s3+$0x1C700] =	vst v1;
	s3 =	smov.u32 s2  }
0x17e: {  	v1 =	vld.idx.msk [tilespmem:v0+s1+$0x0], $0xffff  }
0x17f: {  	s2 =	sshra.s32 s4, $0x2;
	v2 =	vld [tilespmem:s3+$0x1A700]  }
0x180: {  	s4 =	sadd.s32 $0x40, s4;
	v0 =	vld [tilespmem:s2+$0x18700]  }
0x181: {  	v3 =	vld [tilespmem:s3+$0x1C700];
	_ =	sdelay $0x2  }
0x182: {  	v4 =	vmul.f32 v1, v1  }
0x183: {  	v1 =	vadd.f32 v2, v1  }
0x184: {  	v2 =	vadd.f32 v3, v4  }
0x185: {  	[tilespmem:s3+$0x1A700] =	vst v1  }
0x186: {  	[tilespmem:s3+$0x1C700] =	vst v2  }
0x187: {  	v0 =	vld.idx.msk [tilespmem:v0+s1+$0x0], $0xffff  }
0x188: {  	v1 =	vld [tilespmem:s2+$0x1A700]  }
0x189: {  	v2 =	vld [tilespmem:s2+$0x1C700];
	_ =	sdelay $0x2  }
0x18a: {  	v3 =	vmul.f32 v0, v0  }
0x18b: {  	v0 =	vadd.f32 v1, v0  }
0x18c: {  	v1 =	vadd.f32 v2, v3  }
0x18d: {  	[tilespmem:s2+$0x1A700] =	vst v0  }
0x18e: {  	s6 =	simm.s32 $0x0;
	s7 =	rddreg [dreg:$0xe];
	[tilespmem:s2+$0x1C700] =	vst v1  }
0x18f: {  	[tilespmem:s6], [sflag:$0x1] =	stream.strided.gather [hbm4b:s7+s28], $0x18700, s29, s28, $0x38;
	[tilespmem:$0x1E700] =	vst v63  }
0x190: {  	_ = 	snop  }
0x191: {  	[tilespmem:s30], [sflag:$0x2] =	stream.strided.gather [hbm4b:s9+s28], $0x2000, s29, s28, $0x38;
	[tilespmem:$0x1E700] =	vst v63  }
0x192: {  	_ =	swait.ge [sflag:s31], $0x2000  }
0x193: {  	[sflag:s31] =	ssyncset.done $0x0  }
0x194: {  	[sflag:s31] =	ssyncadd.s32 $0xFFFFE000  }
0x195: {  	_ =	swait.ge [sflag:s26], $0x18700  }
0x196: {  	[sflag:s26] =	ssyncset.done $0x0  }
0x197: {  	s3 =	simm.s32 $0x0;
	[sflag:s26] =	ssyncadd.s32 $0xFFFE7900  }
0x198: {  	v0 =	vld [tilespmem:s3+$0x18700];
	_ =	sdelay $0x6  }
0x199: {  	v2 =	vld [tilespmem:s3+$0x1A700]  }
0x19a: {  	s2 =	simm.s32 $0x10;
	v1 =	vld.idx.msk [tilespmem:v0+s1+$0x0], $0xffff  }
0x19b: {  	s4 =	simm.s32 $0x80;
	v0 =	vld [tilespmem:s2+$0x18700]  }
.LBB2_22:
0x19c: {  	p0 =	sne.s32 s4, $0x7FC0;
	v3 =	vld [tilespmem:s3+$0x1C700];
	_ =	sdelay $0x2  }
0x19d: {  	v2 =	vadd.f32 v2, v1;
	v1 =	vmul.f32 v1, v1;
	_ =	sdelay $0x1  }
0x19e: {  	[tilespmem:s3+$0x1A700] =	vst v2;
	v1 =	vadd.f32 v3, v1  }
.Ltmp10:
0x19f: {  	(pc) =	sbr.rel @p0 .LBB2_22-.Ltmp10, $4  }
0x1a0: {  	[tilespmem:s3+$0x1C700] =	vst v1;
	s3 =	smov.u32 s2  }
0x1a1: {  	v1 =	vld.idx.msk [tilespmem:v0+s1+$0x0], $0xffff  }
0x1a2: {  	s2 =	sshra.s32 s4, $0x2;
	v2 =	vld [tilespmem:s3+$0x1A700]  }
0x1a3: {  	s4 =	sadd.s32 $0x40, s4;
	v0 =	vld [tilespmem:s2+$0x18700]  }
0x1a4: {  	v3 =	vld [tilespmem:s3+$0x1C700];
	_ =	sdelay $0x2  }
0x1a5: {  	v4 =	vmul.f32 v1, v1  }
0x1a6: {  	v1 =	vadd.f32 v2, v1  }
0x1a7: {  	v2 =	vadd.f32 v3, v4  }
0x1a8: {  	[tilespmem:s3+$0x1A700] =	vst v1  }
0x1a9: {  	[tilespmem:s3+$0x1C700] =	vst v2  }
0x1aa: {  	v0 =	vld.idx.msk [tilespmem:v0+s1+$0x0], $0xffff  }
0x1ab: {  	v1 =	vld [tilespmem:s2+$0x1A700]  }
0x1ac: {  	v2 =	vld [tilespmem:s2+$0x1C700];
	_ =	sdelay $0x2  }
0x1ad: {  	v3 =	vmul.f32 v0, v0  }
0x1ae: {  	v0 =	vadd.f32 v1, v0  }
0x1af: {  	v1 =	vadd.f32 v2, v3  }
0x1b0: {  	[tilespmem:s2+$0x1A700] =	vst v0  }
0x1b1: {  	s6 =	simm.s32 $0x0;
	s7 =	rddreg [dreg:$0xf];
	[tilespmem:s2+$0x1C700] =	vst v1  }
0x1b2: {  	[tilespmem:s6], [sflag:$0x1] =	stream.strided.gather [hbm4b:s7+s28], $0x18700, s29, s28, $0x38;
	[tilespmem:$0x1E700] =	vst v63  }
0x1b3: {  	_ = 	snop  }
0x1b4: {  	[tilespmem:s30], [sflag:$0x2] =	stream.strided.gather [hbm4b:s10+s28], $0x2000, s29, s28, $0x38;
	[tilespmem:$0x1E700] =	vst v63  }
0x1b5: {  	_ =	swait.ge [sflag:s31], $0x2000  }
0x1b6: {  	[sflag:s31] =	ssyncset.done $0x0  }
0x1b7: {  	[sflag:s31] =	ssyncadd.s32 $0xFFFFE000  }
0x1b8: {  	_ =	swait.ge [sflag:s26], $0x18700  }
0x1b9: {  	[sflag:s26] =	ssyncset.done $0x0  }
0x1ba: {  	s3 =	simm.s32 $0x0;
	[sflag:s26] =	ssyncadd.s32 $0xFFFE7900  }
0x1bb: {  	v0 =	vld [tilespmem:s3+$0x18700];
	_ =	sdelay $0x6  }
0x1bc: {  	v2 =	vld [tilespmem:s3+$0x1A700]  }
0x1bd: {  	s2 =	simm.s32 $0x10;
	v1 =	vld.idx.msk [tilespmem:v0+s1+$0x0], $0xffff  }
0x1be: {  	s4 =	simm.s32 $0x80;
	v0 =	vld [tilespmem:s2+$0x18700]  }
.LBB2_24:
0x1bf: {  	p0 =	sne.s32 s4, $0x7FC0;
	v3 =	vld [tilespmem:s3+$0x1C700];
	_ =	sdelay $0x2  }
0x1c0: {  	v2 =	vadd.f32 v2, v1;
	v1 =	vmul.f32 v1, v1;
	_ =	sdelay $0x1  }
0x1c1: {  	[tilespmem:s3+$0x1A700] =	vst v2;
	v1 =	vadd.f32 v3, v1  }
.Ltmp11:
0x1c2: {  	(pc) =	sbr.rel @p0 .LBB2_24-.Ltmp11, $4  }
0x1c3: {  	[tilespmem:s3+$0x1C700] =	vst v1;
	s3 =	smov.u32 s2  }
0x1c4: {  	v1 =	vld.idx.msk [tilespmem:v0+s1+$0x0], $0xffff  }
0x1c5: {  	s2 =	sshra.s32 s4, $0x2;
	v2 =	vld [tilespmem:s3+$0x1A700]  }
0x1c6: {  	s4 =	sadd.s32 $0x40, s4;
	v0 =	vld [tilespmem:s2+$0x18700]  }
0x1c7: {  	v3 =	vld [tilespmem:s3+$0x1C700];
	_ =	sdelay $0x2  }
0x1c8: {  	v4 =	vmul.f32 v1, v1  }
0x1c9: {  	v1 =	vadd.f32 v2, v1  }
0x1ca: {  	v2 =	vadd.f32 v3, v4  }
0x1cb: {  	[tilespmem:s3+$0x1A700] =	vst v1  }
0x1cc: {  	[tilespmem:s3+$0x1C700] =	vst v2  }
0x1cd: {  	v0 =	vld.idx.msk [tilespmem:v0+s1+$0x0], $0xffff  }
0x1ce: {  	v1 =	vld [tilespmem:s2+$0x1A700]  }
0x1cf: {  	v2 =	vld [tilespmem:s2+$0x1C700];
	_ =	sdelay $0x2  }
0x1d0: {  	v3 =	vmul.f32 v0, v0  }
0x1d1: {  	v0 =	vadd.f32 v1, v0  }
0x1d2: {  	v1 =	vadd.f32 v2, v3  }
0x1d3: {  	[tilespmem:s2+$0x1A700] =	vst v0  }
0x1d4: {  	s6 =	simm.s32 $0x0;
	s7 =	rddreg [dreg:$0x10];
	[tilespmem:s2+$0x1C700] =	vst v1  }
0x1d5: {  	[tilespmem:s6], [sflag:$0x1] =	stream.strided.gather [hbm4b:s7+s28], $0x18700, s29, s28, $0x38;
	[tilespmem:$0x1E700] =	vst v63  }
0x1d6: {  	_ = 	snop  }
0x1d7: {  	[tilespmem:s30], [sflag:$0x2] =	stream.strided.gather [hbm4b:s11+s28], $0x2000, s29, s28, $0x38;
	[tilespmem:$0x1E700] =	vst v63  }
0x1d8: {  	_ =	swait.ge [sflag:s31], $0x2000  }
0x1d9: {  	[sflag:s31] =	ssyncset.done $0x0  }
0x1da: {  	[sflag:s31] =	ssyncadd.s32 $0xFFFFE000  }
0x1db: {  	_ =	swait.ge [sflag:s26], $0x18700  }
0x1dc: {  	[sflag:s26] =	ssyncset.done $0x0  }
0x1dd: {  	s3 =	simm.s32 $0x0;
	[sflag:s26] =	ssyncadd.s32 $0xFFFE7900  }
0x1de: {  	v0 =	vld [tilespmem:s3+$0x18700];
	_ =	sdelay $0x6  }
0x1df: {  	v2 =	vld [tilespmem:s3+$0x1A700]  }
0x1e0: {  	s2 =	simm.s32 $0x10;
	v1 =	vld.idx.msk [tilespmem:v0+s1+$0x0], $0xffff  }
0x1e1: {  	s4 =	simm.s32 $0x80;
	v0 =	vld [tilespmem:s2+$0x18700]  }
.LBB2_26:
0x1e2: {  	p0 =	sne.s32 s4, $0x7FC0;
	v3 =	vld [tilespmem:s3+$0x1C700];
	_ =	sdelay $0x2  }
0x1e3: {  	v2 =	vadd.f32 v2, v1;
	v1 =	vmul.f32 v1, v1;
	_ =	sdelay $0x1  }
0x1e4: {  	[tilespmem:s3+$0x1A700] =	vst v2;
	v1 =	vadd.f32 v3, v1  }
.Ltmp12:
0x1e5: {  	(pc) =	sbr.rel @p0 .LBB2_26-.Ltmp12, $4  }
0x1e6: {  	[tilespmem:s3+$0x1C700] =	vst v1;
	s3 =	smov.u32 s2  }
0x1e7: {  	v1 =	vld.idx.msk [tilespmem:v0+s1+$0x0], $0xffff  }
0x1e8: {  	s2 =	sshra.s32 s4, $0x2;
	v2 =	vld [tilespmem:s3+$0x1A700]  }
0x1e9: {  	s4 =	sadd.s32 $0x40, s4;
	v0 =	vld [tilespmem:s2+$0x18700]  }
0x1ea: {  	v3 =	vld [tilespmem:s3+$0x1C700];
	_ =	sdelay $0x2  }
0x1eb: {  	v4 =	vmul.f32 v1, v1  }
0x1ec: {  	v1 =	vadd.f32 v2, v1  }
0x1ed: {  	v2 =	vadd.f32 v3, v4  }
0x1ee: {  	[tilespmem:s3+$0x1A700] =	vst v1  }
0x1ef: {  	[tilespmem:s3+$0x1C700] =	vst v2  }
0x1f0: {  	v0 =	vld.idx.msk [tilespmem:v0+s1+$0x0], $0xffff  }
0x1f1: {  	v1 =	vld [tilespmem:s2+$0x1A700]  }
0x1f2: {  	v2 =	vld [tilespmem:s2+$0x1C700];
	_ =	sdelay $0x2  }
0x1f3: {  	v3 =	vmul.f32 v0, v0  }
0x1f4: {  	v0 =	vadd.f32 v1, v0  }
0x1f5: {  	v1 =	vadd.f32 v2, v3  }
0x1f6: {  	[tilespmem:s2+$0x1A700] =	vst v0  }
0x1f7: {  	s6 =	simm.s32 $0x0;
	s7 =	rddreg [dreg:$0x11];
	[tilespmem:s2+$0x1C700] =	vst v1  }
0x1f8: {  	[tilespmem:s6], [sflag:$0x1] =	stream.strided.gather [hbm4b:s7+s28], $0x18700, s29, s28, $0x38;
	[tilespmem:$0x1E700] =	vst v63  }
0x1f9: {  	_ = 	snop  }
0x1fa: {  	[tilespmem:s30], [sflag:$0x2] =	stream.strided.gather [hbm4b:s12+s28], $0x2000, s29, s28, $0x38;
	[tilespmem:$0x1E700] =	vst v63  }
0x1fb: {  	_ =	swait.ge [sflag:s31], $0x2000  }
0x1fc: {  	[sflag:s31] =	ssyncset.done $0x0  }
0x1fd: {  	[sflag:s31] =	ssyncadd.s32 $0xFFFFE000  }
0x1fe: {  	_ =	swait.ge [sflag:s26], $0x18700  }
0x1ff: {  	[sflag:s26] =	ssyncset.done $0x0  }
0x200: {  	s3 =	simm.s32 $0x0;
	[sflag:s26] =	ssyncadd.s32 $0xFFFE7900  }
0x201: {  	v0 =	vld [tilespmem:s3+$0x18700];
	_ =	sdelay $0x6  }
0x202: {  	v2 =	vld [tilespmem:s3+$0x1A700]  }
0x203: {  	s2 =	simm.s32 $0x10;
	v1 =	vld.idx.msk [tilespmem:v0+s1+$0x0], $0xffff  }
0x204: {  	s4 =	simm.s32 $0x80;
	v0 =	vld [tilespmem:s2+$0x18700]  }
.LBB2_28:
0x205: {  	p0 =	sne.s32 s4, $0x7FC0;
	v3 =	vld [tilespmem:s3+$0x1C700];
	_ =	sdelay $0x2  }
0x206: {  	v2 =	vadd.f32 v2, v1;
	v1 =	vmul.f32 v1, v1;
	_ =	sdelay $0x1  }
0x207: {  	[tilespmem:s3+$0x1A700] =	vst v2;
	v1 =	vadd.f32 v3, v1  }
.Ltmp13:
0x208: {  	(pc) =	sbr.rel @p0 .LBB2_28-.Ltmp13, $4  }
0x209: {  	[tilespmem:s3+$0x1C700] =	vst v1;
	s3 =	smov.u32 s2  }
0x20a: {  	v1 =	vld.idx.msk [tilespmem:v0+s1+$0x0], $0xffff  }
0x20b: {  	s2 =	sshra.s32 s4, $0x2;
	v2 =	vld [tilespmem:s3+$0x1A700]  }
0x20c: {  	s4 =	sadd.s32 $0x40, s4;
	v0 =	vld [tilespmem:s2+$0x18700]  }
0x20d: {  	v3 =	vld [tilespmem:s3+$0x1C700];
	_ =	sdelay $0x2  }
0x20e: {  	v4 =	vmul.f32 v1, v1  }
0x20f: {  	v1 =	vadd.f32 v2, v1  }
0x210: {  	v2 =	vadd.f32 v3, v4  }
0x211: {  	[tilespmem:s3+$0x1A700] =	vst v1  }
0x212: {  	[tilespmem:s3+$0x1C700] =	vst v2  }
0x213: {  	v0 =	vld.idx.msk [tilespmem:v0+s1+$0x0], $0xffff  }
0x214: {  	v1 =	vld [tilespmem:s2+$0x1A700]  }
0x215: {  	v2 =	vld [tilespmem:s2+$0x1C700];
	_ =	sdelay $0x2  }
0x216: {  	v3 =	vmul.f32 v0, v0  }
0x217: {  	v0 =	vadd.f32 v1, v0  }
0x218: {  	v1 =	vadd.f32 v2, v3  }
0x219: {  	[tilespmem:s2+$0x1A700] =	vst v0  }
0x21a: {  	s6 =	simm.s32 $0x0;
	s7 =	rddreg [dreg:$0x12];
	[tilespmem:s2+$0x1C700] =	vst v1  }
0x21b: {  	[tilespmem:s6], [sflag:$0x1] =	stream.strided.gather [hbm4b:s7+s28], $0x18700, s29, s28, $0x38;
	[tilespmem:$0x1E700] =	vst v63  }
0x21c: {  	_ = 	snop  }
0x21d: {  	[tilespmem:s30], [sflag:$0x2] =	stream.strided.gather [hbm4b:s13+s28], $0x2000, s29, s28, $0x38;
	[tilespmem:$0x1E700] =	vst v63  }
0x21e: {  	_ =	swait.ge [sflag:s31], $0x2000  }
0x21f: {  	[sflag:s31] =	ssyncset.done $0x0  }
0x220: {  	[sflag:s31] =	ssyncadd.s32 $0xFFFFE000  }
0x221: {  	_ =	swait.ge [sflag:s26], $0x18700  }
0x222: {  	[sflag:s26] =	ssyncset.done $0x0  }
0x223: {  	s3 =	simm.s32 $0x0;
	[sflag:s26] =	ssyncadd.s32 $0xFFFE7900  }
0x224: {  	v0 =	vld [tilespmem:s3+$0x18700];
	_ =	sdelay $0x6  }
0x225: {  	v2 =	vld [tilespmem:s3+$0x1A700]  }
0x226: {  	s2 =	simm.s32 $0x10;
	v1 =	vld.idx.msk [tilespmem:v0+s1+$0x0], $0xffff  }
0x227: {  	s4 =	simm.s32 $0x80;
	v0 =	vld [tilespmem:s2+$0x18700]  }
.LBB2_30:
0x228: {  	p0 =	sne.s32 s4, $0x7FC0;
	v3 =	vld [tilespmem:s3+$0x1C700];
	_ =	sdelay $0x2  }
0x229: {  	v2 =	vadd.f32 v2, v1;
	v1 =	vmul.f32 v1, v1;
	_ =	sdelay $0x1  }
0x22a: {  	[tilespmem:s3+$0x1A700] =	vst v2;
	v1 =	vadd.f32 v3, v1  }
.Ltmp14:
0x22b: {  	(pc) =	sbr.rel @p0 .LBB2_30-.Ltmp14, $4  }
0x22c: {  	[tilespmem:s3+$0x1C700] =	vst v1;
	s3 =	smov.u32 s2  }
0x22d: {  	v1 =	vld.idx.msk [tilespmem:v0+s1+$0x0], $0xffff  }
0x22e: {  	s2 =	sshra.s32 s4, $0x2;
	v2 =	vld [tilespmem:s3+$0x1A700]  }
0x22f: {  	s4 =	sadd.s32 $0x40, s4;
	v0 =	vld [tilespmem:s2+$0x18700]  }
0x230: {  	v3 =	vld [tilespmem:s3+$0x1C700];
	_ =	sdelay $0x2  }
0x231: {  	v4 =	vmul.f32 v1, v1  }
0x232: {  	v1 =	vadd.f32 v2, v1  }
0x233: {  	v2 =	vadd.f32 v3, v4  }
0x234: {  	[tilespmem:s3+$0x1A700] =	vst v1  }
0x235: {  	[tilespmem:s3+$0x1C700] =	vst v2  }
0x236: {  	v0 =	vld.idx.msk [tilespmem:v0+s1+$0x0], $0xffff  }
0x237: {  	v1 =	vld [tilespmem:s2+$0x1A700]  }
0x238: {  	v2 =	vld [tilespmem:s2+$0x1C700];
	_ =	sdelay $0x2  }
0x239: {  	v3 =	vmul.f32 v0, v0  }
0x23a: {  	v0 =	vadd.f32 v1, v0  }
0x23b: {  	v1 =	vadd.f32 v2, v3  }
0x23c: {  	[tilespmem:s2+$0x1A700] =	vst v0  }
0x23d: {  	s6 =	simm.s32 $0x0;
	s7 =	rddreg [dreg:$0x13];
	[tilespmem:s2+$0x1C700] =	vst v1  }
0x23e: {  	[tilespmem:s6], [sflag:$0x1] =	stream.strided.gather [hbm4b:s7+s28], $0x18700, s29, s28, $0x38;
	[tilespmem:$0x1E700] =	vst v63  }
0x23f: {  	_ = 	snop  }
0x240: {  	[tilespmem:s30], [sflag:$0x2] =	stream.strided.gather [hbm4b:s14+s28], $0x2000, s29, s28, $0x38;
	[tilespmem:$0x1E700] =	vst v63  }
0x241: {  	_ =	swait.ge [sflag:s31], $0x2000  }
0x242: {  	[sflag:s31] =	ssyncset.done $0x0  }
0x243: {  	[sflag:s31] =	ssyncadd.s32 $0xFFFFE000  }
0x244: {  	_ =	swait.ge [sflag:s26], $0x18700  }
0x245: {  	[sflag:s26] =	ssyncset.done $0x0  }
0x246: {  	s3 =	simm.s32 $0x0;
	[sflag:s26] =	ssyncadd.s32 $0xFFFE7900  }
0x247: {  	v0 =	vld [tilespmem:s3+$0x18700];
	_ =	sdelay $0x6  }
0x248: {  	v2 =	vld [tilespmem:s3+$0x1A700]  }
0x249: {  	s2 =	simm.s32 $0x10;
	v1 =	vld.idx.msk [tilespmem:v0+s1+$0x0], $0xffff  }
0x24a: {  	s4 =	simm.s32 $0x80;
	v0 =	vld [tilespmem:s2+$0x18700]  }
.LBB2_32:
0x24b: {  	p0 =	sne.s32 s4, $0x7FC0;
	v3 =	vld [tilespmem:s3+$0x1C700];
	_ =	sdelay $0x2  }
0x24c: {  	v2 =	vadd.f32 v2, v1;
	v1 =	vmul.f32 v1, v1;
	_ =	sdelay $0x1  }
0x24d: {  	[tilespmem:s3+$0x1A700] =	vst v2;
	v1 =	vadd.f32 v3, v1  }
.Ltmp15:
0x24e: {  	(pc) =	sbr.rel @p0 .LBB2_32-.Ltmp15, $4  }
0x24f: {  	[tilespmem:s3+$0x1C700] =	vst v1;
	s3 =	smov.u32 s2  }
0x250: {  	v1 =	vld.idx.msk [tilespmem:v0+s1+$0x0], $0xffff  }
0x251: {  	s2 =	sshra.s32 s4, $0x2;
	v2 =	vld [tilespmem:s3+$0x1A700]  }
0x252: {  	s4 =	sadd.s32 $0x40, s4;
	v0 =	vld [tilespmem:s2+$0x18700]  }
0x253: {  	v3 =	vld [tilespmem:s3+$0x1C700];
	_ =	sdelay $0x2  }
0x254: {  	v4 =	vmul.f32 v1, v1  }
0x255: {  	v1 =	vadd.f32 v2, v1  }
0x256: {  	v2 =	vadd.f32 v3, v4  }
0x257: {  	[tilespmem:s3+$0x1A700] =	vst v1  }
0x258: {  	[tilespmem:s3+$0x1C700] =	vst v2  }
0x259: {  	v0 =	vld.idx.msk [tilespmem:v0+s1+$0x0], $0xffff  }
0x25a: {  	v1 =	vld [tilespmem:s2+$0x1A700]  }
0x25b: {  	v2 =	vld [tilespmem:s2+$0x1C700];
	_ =	sdelay $0x2  }
0x25c: {  	v3 =	vmul.f32 v0, v0  }
0x25d: {  	v0 =	vadd.f32 v1, v0  }
0x25e: {  	v1 =	vadd.f32 v2, v3  }
0x25f: {  	[tilespmem:s2+$0x1A700] =	vst v0  }
0x260: {  	s6 =	simm.s32 $0x0;
	s7 =	rddreg [dreg:$0x14];
	[tilespmem:s2+$0x1C700] =	vst v1  }
0x261: {  	[tilespmem:s6], [sflag:$0x1] =	stream.strided.gather [hbm4b:s7+s28], $0x18700, s29, s28, $0x38;
	[tilespmem:$0x1E700] =	vst v63  }
0x262: {  	_ = 	snop  }
0x263: {  	[tilespmem:s30], [sflag:$0x2] =	stream.strided.gather [hbm4b:s15+s28], $0x2000, s29, s28, $0x38;
	[tilespmem:$0x1E700] =	vst v63  }
0x264: {  	_ =	swait.ge [sflag:s31], $0x2000  }
0x265: {  	[sflag:s31] =	ssyncset.done $0x0  }
0x266: {  	[sflag:s31] =	ssyncadd.s32 $0xFFFFE000  }
0x267: {  	_ =	swait.ge [sflag:s26], $0x18700  }
0x268: {  	[sflag:s26] =	ssyncset.done $0x0  }
0x269: {  	s3 =	simm.s32 $0x0;
	[sflag:s26] =	ssyncadd.s32 $0xFFFE7900  }
0x26a: {  	v0 =	vld [tilespmem:s3+$0x18700];
	_ =	sdelay $0x6  }
0x26b: {  	v2 =	vld [tilespmem:s3+$0x1A700]  }
0x26c: {  	s2 =	simm.s32 $0x10;
	v1 =	vld.idx.msk [tilespmem:v0+s1+$0x0], $0xffff  }
0x26d: {  	s4 =	simm.s32 $0x80;
	v0 =	vld [tilespmem:s2+$0x18700]  }
.LBB2_34:
0x26e: {  	p0 =	sne.s32 s4, $0x7FC0;
	v3 =	vld [tilespmem:s3+$0x1C700];
	_ =	sdelay $0x2  }
0x26f: {  	v2 =	vadd.f32 v2, v1;
	v1 =	vmul.f32 v1, v1;
	_ =	sdelay $0x1  }
0x270: {  	[tilespmem:s3+$0x1A700] =	vst v2;
	v1 =	vadd.f32 v3, v1  }
.Ltmp16:
0x271: {  	(pc) =	sbr.rel @p0 .LBB2_34-.Ltmp16, $4  }
0x272: {  	[tilespmem:s3+$0x1C700] =	vst v1;
	s3 =	smov.u32 s2  }
0x273: {  	v1 =	vld.idx.msk [tilespmem:v0+s1+$0x0], $0xffff  }
0x274: {  	s2 =	sshra.s32 s4, $0x2;
	v2 =	vld [tilespmem:s3+$0x1A700]  }
0x275: {  	s4 =	sadd.s32 $0x40, s4;
	v0 =	vld [tilespmem:s2+$0x18700]  }
0x276: {  	v3 =	vld [tilespmem:s3+$0x1C700];
	_ =	sdelay $0x2  }
0x277: {  	v4 =	vmul.f32 v1, v1  }
0x278: {  	v1 =	vadd.f32 v2, v1  }
0x279: {  	v2 =	vadd.f32 v3, v4  }
0x27a: {  	[tilespmem:s3+$0x1A700] =	vst v1  }
0x27b: {  	[tilespmem:s3+$0x1C700] =	vst v2  }
0x27c: {  	v0 =	vld.idx.msk [tilespmem:v0+s1+$0x0], $0xffff  }
0x27d: {  	v1 =	vld [tilespmem:s2+$0x1A700]  }
0x27e: {  	v2 =	vld [tilespmem:s2+$0x1C700];
	_ =	sdelay $0x2  }
0x27f: {  	v3 =	vmul.f32 v0, v0  }
0x280: {  	v0 =	vadd.f32 v1, v0  }
0x281: {  	v1 =	vadd.f32 v2, v3  }
0x282: {  	[tilespmem:s2+$0x1A700] =	vst v0  }
0x283: {  	s6 =	simm.s32 $0x0;
	s7 =	rddreg [dreg:$0x15];
	[tilespmem:s2+$0x1C700] =	vst v1  }
0x284: {  	[tilespmem:s6], [sflag:$0x1] =	stream.strided.gather [hbm4b:s7+s28], $0x18700, s29, s28, $0x38;
	[tilespmem:$0x1E700] =	vst v63  }
0x285: {  	_ = 	snop  }
0x286: {  	[tilespmem:s30], [sflag:$0x2] =	stream.strided.gather [hbm4b:s16+s28], $0x2000, s29, s28, $0x38;
	[tilespmem:$0x1E700] =	vst v63  }
0x287: {  	_ =	swait.ge [sflag:s31], $0x2000  }
0x288: {  	[sflag:s31] =	ssyncset.done $0x0  }
0x289: {  	[sflag:s31] =	ssyncadd.s32 $0xFFFFE000  }
0x28a: {  	_ =	swait.ge [sflag:s26], $0x18700  }
0x28b: {  	[sflag:s26] =	ssyncset.done $0x0  }
0x28c: {  	s3 =	simm.s32 $0x0;
	[sflag:s26] =	ssyncadd.s32 $0xFFFE7900  }
0x28d: {  	v0 =	vld [tilespmem:s3+$0x18700];
	_ =	sdelay $0x6  }
0x28e: {  	v2 =	vld [tilespmem:s3+$0x1A700]  }
0x28f: {  	s2 =	simm.s32 $0x10;
	v1 =	vld.idx.msk [tilespmem:v0+s1+$0x0], $0xffff  }
0x290: {  	s4 =	simm.s32 $0x80;
	v0 =	vld [tilespmem:s2+$0x18700]  }
.LBB2_36:
0x291: {  	p0 =	sne.s32 s4, $0x7FC0;
	v3 =	vld [tilespmem:s3+$0x1C700];
	_ =	sdelay $0x2  }
0x292: {  	v2 =	vadd.f32 v2, v1;
	v1 =	vmul.f32 v1, v1;
	_ =	sdelay $0x1  }
0x293: {  	[tilespmem:s3+$0x1A700] =	vst v2;
	v1 =	vadd.f32 v3, v1  }
.Ltmp17:
0x294: {  	(pc) =	sbr.rel @p0 .LBB2_36-.Ltmp17, $4  }
0x295: {  	[tilespmem:s3+$0x1C700] =	vst v1;
	s3 =	smov.u32 s2  }
0x296: {  	v1 =	vld.idx.msk [tilespmem:v0+s1+$0x0], $0xffff  }
0x297: {  	s2 =	sshra.s32 s4, $0x2;
	v2 =	vld [tilespmem:s3+$0x1A700]  }
0x298: {  	s4 =	sadd.s32 $0x40, s4;
	v0 =	vld [tilespmem:s2+$0x18700]  }
0x299: {  	v3 =	vld [tilespmem:s3+$0x1C700];
	_ =	sdelay $0x2  }
0x29a: {  	v4 =	vmul.f32 v1, v1  }
0x29b: {  	v1 =	vadd.f32 v2, v1  }
0x29c: {  	v2 =	vadd.f32 v3, v4  }
0x29d: {  	[tilespmem:s3+$0x1A700] =	vst v1  }
0x29e: {  	[tilespmem:s3+$0x1C700] =	vst v2  }
0x29f: {  	v0 =	vld.idx.msk [tilespmem:v0+s1+$0x0], $0xffff  }
0x2a0: {  	v1 =	vld [tilespmem:s2+$0x1A700]  }
0x2a1: {  	v2 =	vld [tilespmem:s2+$0x1C700];
	_ =	sdelay $0x2  }
0x2a2: {  	v3 =	vmul.f32 v0, v0  }
0x2a3: {  	v0 =	vadd.f32 v1, v0  }
0x2a4: {  	v1 =	vadd.f32 v2, v3  }
0x2a5: {  	[tilespmem:s2+$0x1A700] =	vst v0  }
0x2a6: {  	s6 =	simm.s32 $0x0;
	s7 =	rddreg [dreg:$0x16];
	[tilespmem:s2+$0x1C700] =	vst v1  }
0x2a7: {  	[tilespmem:s6], [sflag:$0x1] =	stream.strided.gather [hbm4b:s7+s28], $0x18700, s29, s28, $0x38;
	[tilespmem:$0x1E700] =	vst v63  }
0x2a8: {  	_ = 	snop  }
0x2a9: {  	[tilespmem:s30], [sflag:$0x2] =	stream.strided.gather [hbm4b:s17+s28], $0x2000, s29, s28, $0x38;
	[tilespmem:$0x1E700] =	vst v63  }
0x2aa: {  	_ =	swait.ge [sflag:s31], $0x2000  }
0x2ab: {  	[sflag:s31] =	ssyncset.done $0x0  }
0x2ac: {  	[sflag:s31] =	ssyncadd.s32 $0xFFFFE000  }
0x2ad: {  	_ =	swait.ge [sflag:s26], $0x18700  }
0x2ae: {  	[sflag:s26] =	ssyncset.done $0x0  }
0x2af: {  	s3 =	simm.s32 $0x0;
	[sflag:s26] =	ssyncadd.s32 $0xFFFE7900  }
0x2b0: {  	v0 =	vld [tilespmem:s3+$0x18700];
	_ =	sdelay $0x6  }
0x2b1: {  	v2 =	vld [tilespmem:s3+$0x1A700]  }
0x2b2: {  	s2 =	simm.s32 $0x10;
	v1 =	vld.idx.msk [tilespmem:v0+s1+$0x0], $0xffff  }
0x2b3: {  	s4 =	simm.s32 $0x80;
	v0 =	vld [tilespmem:s2+$0x18700]  }
.LBB2_38:
0x2b4: {  	p0 =	sne.s32 s4, $0x7FC0;
	v3 =	vld [tilespmem:s3+$0x1C700];
	_ =	sdelay $0x2  }
0x2b5: {  	v2 =	vadd.f32 v2, v1;
	v1 =	vmul.f32 v1, v1;
	_ =	sdelay $0x1  }
0x2b6: {  	[tilespmem:s3+$0x1A700] =	vst v2;
	v1 =	vadd.f32 v3, v1  }
.Ltmp18:
0x2b7: {  	(pc) =	sbr.rel @p0 .LBB2_38-.Ltmp18, $4  }
0x2b8: {  	[tilespmem:s3+$0x1C700] =	vst v1;
	s3 =	smov.u32 s2  }
0x2b9: {  	v1 =	vld.idx.msk [tilespmem:v0+s1+$0x0], $0xffff  }
0x2ba: {  	s2 =	sshra.s32 s4, $0x2;
	v2 =	vld [tilespmem:s3+$0x1A700]  }
0x2bb: {  	s4 =	sadd.s32 $0x40, s4;
	v0 =	vld [tilespmem:s2+$0x18700]  }
0x2bc: {  	v3 =	vld [tilespmem:s3+$0x1C700];
	_ =	sdelay $0x2  }
0x2bd: {  	v4 =	vmul.f32 v1, v1  }
0x2be: {  	v1 =	vadd.f32 v2, v1  }
0x2bf: {  	v2 =	vadd.f32 v3, v4  }
0x2c0: {  	[tilespmem:s3+$0x1A700] =	vst v1  }
0x2c1: {  	[tilespmem:s3+$0x1C700] =	vst v2  }
0x2c2: {  	v0 =	vld.idx.msk [tilespmem:v0+s1+$0x0], $0xffff  }
0x2c3: {  	v1 =	vld [tilespmem:s2+$0x1A700]  }
0x2c4: {  	v2 =	vld [tilespmem:s2+$0x1C700];
	_ =	sdelay $0x2  }
0x2c5: {  	v3 =	vmul.f32 v0, v0  }
0x2c6: {  	v0 =	vadd.f32 v1, v0  }
0x2c7: {  	v1 =	vadd.f32 v2, v3  }
0x2c8: {  	[tilespmem:s2+$0x1A700] =	vst v0  }
0x2c9: {  	s6 =	simm.s32 $0x0;
	s7 =	rddreg [dreg:$0x17];
	[tilespmem:s2+$0x1C700] =	vst v1  }
0x2ca: {  	[tilespmem:s6], [sflag:$0x1] =	stream.strided.gather [hbm4b:s7+s28], $0x18700, s29, s28, $0x38;
	[tilespmem:$0x1E700] =	vst v63  }
0x2cb: {  	_ = 	snop  }
0x2cc: {  	[tilespmem:s30], [sflag:$0x2] =	stream.strided.gather [hbm4b:s18+s28], $0x2000, s29, s28, $0x38;
	[tilespmem:$0x1E700] =	vst v63  }
0x2cd: {  	_ =	swait.ge [sflag:s31], $0x2000  }
0x2ce: {  	[sflag:s31] =	ssyncset.done $0x0  }
0x2cf: {  	[sflag:s31] =	ssyncadd.s32 $0xFFFFE000  }
0x2d0: {  	_ =	swait.ge [sflag:s26], $0x18700  }
0x2d1: {  	[sflag:s26] =	ssyncset.done $0x0  }
0x2d2: {  	s3 =	simm.s32 $0x0;
	[sflag:s26] =	ssyncadd.s32 $0xFFFE7900  }
0x2d3: {  	v0 =	vld [tilespmem:s3+$0x18700];
	_ =	sdelay $0x6  }
0x2d4: {  	v2 =	vld [tilespmem:s3+$0x1A700]  }
0x2d5: {  	s2 =	simm.s32 $0x10;
	v1 =	vld.idx.msk [tilespmem:v0+s1+$0x0], $0xffff  }
0x2d6: {  	s4 =	simm.s32 $0x80;
	v0 =	vld [tilespmem:s2+$0x18700]  }
.LBB2_40:
0x2d7: {  	p0 =	sne.s32 s4, $0x7FC0;
	v3 =	vld [tilespmem:s3+$0x1C700];
	_ =	sdelay $0x2  }
0x2d8: {  	v2 =	vadd.f32 v2, v1;
	v1 =	vmul.f32 v1, v1;
	_ =	sdelay $0x1  }
0x2d9: {  	[tilespmem:s3+$0x1A700] =	vst v2;
	v1 =	vadd.f32 v3, v1  }
.Ltmp19:
0x2da: {  	(pc) =	sbr.rel @p0 .LBB2_40-.Ltmp19, $4  }
0x2db: {  	[tilespmem:s3+$0x1C700] =	vst v1;
	s3 =	smov.u32 s2  }
0x2dc: {  	v1 =	vld.idx.msk [tilespmem:v0+s1+$0x0], $0xffff  }
0x2dd: {  	s2 =	sshra.s32 s4, $0x2;
	v2 =	vld [tilespmem:s3+$0x1A700]  }
0x2de: {  	s4 =	sadd.s32 $0x40, s4;
	v0 =	vld [tilespmem:s2+$0x18700]  }
0x2df: {  	v3 =	vld [tilespmem:s3+$0x1C700];
	_ =	sdelay $0x2  }
0x2e0: {  	v4 =	vmul.f32 v1, v1  }
0x2e1: {  	v1 =	vadd.f32 v2, v1  }
0x2e2: {  	v2 =	vadd.f32 v3, v4  }
0x2e3: {  	[tilespmem:s3+$0x1A700] =	vst v1  }
0x2e4: {  	[tilespmem:s3+$0x1C700] =	vst v2  }
0x2e5: {  	v0 =	vld.idx.msk [tilespmem:v0+s1+$0x0], $0xffff  }
0x2e6: {  	v1 =	vld [tilespmem:s2+$0x1A700]  }
0x2e7: {  	v2 =	vld [tilespmem:s2+$0x1C700];
	_ =	sdelay $0x2  }
0x2e8: {  	v3 =	vmul.f32 v0, v0  }
0x2e9: {  	v0 =	vadd.f32 v1, v0  }
0x2ea: {  	v1 =	vadd.f32 v2, v3  }
0x2eb: {  	[tilespmem:s2+$0x1A700] =	vst v0  }
0x2ec: {  	s6 =	simm.s32 $0x0;
	s7 =	rddreg [dreg:$0x18];
	[tilespmem:s2+$0x1C700] =	vst v1  }
0x2ed: {  	[tilespmem:s6], [sflag:$0x1] =	stream.strided.gather [hbm4b:s7+s28], $0x18700, s29, s28, $0x38;
	[tilespmem:$0x1E700] =	vst v63  }
0x2ee: {  	_ = 	snop  }
0x2ef: {  	[tilespmem:s30], [sflag:$0x2] =	stream.strided.gather [hbm4b:s19+s28], $0x2000, s29, s28, $0x38;
	[tilespmem:$0x1E700] =	vst v63  }
0x2f0: {  	_ =	swait.ge [sflag:s31], $0x2000  }
0x2f1: {  	[sflag:s31] =	ssyncset.done $0x0  }
0x2f2: {  	[sflag:s31] =	ssyncadd.s32 $0xFFFFE000  }
0x2f3: {  	_ =	swait.ge [sflag:s26], $0x18700  }
0x2f4: {  	[sflag:s26] =	ssyncset.done $0x0  }
0x2f5: {  	s3 =	simm.s32 $0x0;
	[sflag:s26] =	ssyncadd.s32 $0xFFFE7900  }
0x2f6: {  	v0 =	vld [tilespmem:s3+$0x18700];
	_ =	sdelay $0x6  }
0x2f7: {  	v2 =	vld [tilespmem:s3+$0x1A700]  }
0x2f8: {  	s2 =	simm.s32 $0x10;
	v1 =	vld.idx.msk [tilespmem:v0+s1+$0x0], $0xffff  }
0x2f9: {  	s4 =	simm.s32 $0x80;
	v0 =	vld [tilespmem:s2+$0x18700]  }
.LBB2_42:
0x2fa: {  	p0 =	sne.s32 s4, $0x7FC0;
	v3 =	vld [tilespmem:s3+$0x1C700];
	_ =	sdelay $0x2  }
0x2fb: {  	v2 =	vadd.f32 v2, v1;
	v1 =	vmul.f32 v1, v1;
	_ =	sdelay $0x1  }
0x2fc: {  	[tilespmem:s3+$0x1A700] =	vst v2;
	v1 =	vadd.f32 v3, v1  }
.Ltmp20:
0x2fd: {  	(pc) =	sbr.rel @p0 .LBB2_42-.Ltmp20, $4  }
0x2fe: {  	[tilespmem:s3+$0x1C700] =	vst v1;
	s3 =	smov.u32 s2  }
0x2ff: {  	v1 =	vld.idx.msk [tilespmem:v0+s1+$0x0], $0xffff  }
0x300: {  	s2 =	sshra.s32 s4, $0x2;
	v2 =	vld [tilespmem:s3+$0x1A700]  }
0x301: {  	s4 =	sadd.s32 $0x40, s4;
	v0 =	vld [tilespmem:s2+$0x18700]  }
0x302: {  	v3 =	vld [tilespmem:s3+$0x1C700];
	_ =	sdelay $0x2  }
0x303: {  	v4 =	vmul.f32 v1, v1  }
0x304: {  	v1 =	vadd.f32 v2, v1  }
0x305: {  	v2 =	vadd.f32 v3, v4  }
0x306: {  	[tilespmem:s3+$0x1A700] =	vst v1  }
0x307: {  	[tilespmem:s3+$0x1C700] =	vst v2  }
0x308: {  	v0 =	vld.idx.msk [tilespmem:v0+s1+$0x0], $0xffff  }
0x309: {  	v1 =	vld [tilespmem:s2+$0x1A700]  }
0x30a: {  	v2 =	vld [tilespmem:s2+$0x1C700];
	_ =	sdelay $0x2  }
0x30b: {  	v3 =	vmul.f32 v0, v0  }
0x30c: {  	v0 =	vadd.f32 v1, v0  }
0x30d: {  	v1 =	vadd.f32 v2, v3  }
0x30e: {  	[tilespmem:s2+$0x1A700] =	vst v0  }
0x30f: {  	s6 =	simm.s32 $0x0;
	s7 =	rddreg [dreg:$0x19];
	[tilespmem:s2+$0x1C700] =	vst v1  }
0x310: {  	[tilespmem:s6], [sflag:$0x1] =	stream.strided.gather [hbm4b:s7+s28], $0x18700, s29, s28, $0x38;
	[tilespmem:$0x1E700] =	vst v63  }
0x311: {  	_ = 	snop  }
0x312: {  	[tilespmem:s30], [sflag:$0x2] =	stream.strided.gather [hbm4b:s20+s28], $0x2000, s29, s28, $0x38;
	[tilespmem:$0x1E700] =	vst v63  }
0x313: {  	_ =	swait.ge [sflag:s31], $0x2000  }
0x314: {  	[sflag:s31] =	ssyncset.done $0x0  }
0x315: {  	[sflag:s31] =	ssyncadd.s32 $0xFFFFE000  }
0x316: {  	_ =	swait.ge [sflag:s26], $0x18700  }
0x317: {  	[sflag:s26] =	ssyncset.done $0x0  }
0x318: {  	s3 =	simm.s32 $0x0;
	[sflag:s26] =	ssyncadd.s32 $0xFFFE7900  }
0x319: {  	v0 =	vld [tilespmem:s3+$0x18700];
	_ =	sdelay $0x6  }
0x31a: {  	v2 =	vld [tilespmem:s3+$0x1A700]  }
0x31b: {  	s2 =	simm.s32 $0x10;
	v1 =	vld.idx.msk [tilespmem:v0+s1+$0x0], $0xffff  }
0x31c: {  	s4 =	simm.s32 $0x80;
	v0 =	vld [tilespmem:s2+$0x18700]  }
.LBB2_44:
0x31d: {  	p0 =	sne.s32 s4, $0x7FC0;
	v3 =	vld [tilespmem:s3+$0x1C700];
	_ =	sdelay $0x2  }
0x31e: {  	v2 =	vadd.f32 v2, v1;
	v1 =	vmul.f32 v1, v1;
	_ =	sdelay $0x1  }
0x31f: {  	[tilespmem:s3+$0x1A700] =	vst v2;
	v1 =	vadd.f32 v3, v1  }
.Ltmp21:
0x320: {  	(pc) =	sbr.rel @p0 .LBB2_44-.Ltmp21, $4  }
0x321: {  	[tilespmem:s3+$0x1C700] =	vst v1;
	s3 =	smov.u32 s2  }
0x322: {  	v1 =	vld.idx.msk [tilespmem:v0+s1+$0x0], $0xffff  }
0x323: {  	s2 =	sshra.s32 s4, $0x2;
	v2 =	vld [tilespmem:s3+$0x1A700]  }
0x324: {  	s4 =	sadd.s32 $0x40, s4;
	v0 =	vld [tilespmem:s2+$0x18700]  }
0x325: {  	v3 =	vld [tilespmem:s3+$0x1C700];
	_ =	sdelay $0x2  }
0x326: {  	v4 =	vmul.f32 v1, v1  }
0x327: {  	v1 =	vadd.f32 v2, v1  }
0x328: {  	v2 =	vadd.f32 v3, v4  }
0x329: {  	[tilespmem:s3+$0x1A700] =	vst v1  }
0x32a: {  	[tilespmem:s3+$0x1C700] =	vst v2  }
0x32b: {  	v0 =	vld.idx.msk [tilespmem:v0+s1+$0x0], $0xffff  }
0x32c: {  	v1 =	vld [tilespmem:s2+$0x1A700]  }
0x32d: {  	v2 =	vld [tilespmem:s2+$0x1C700];
	_ =	sdelay $0x2  }
0x32e: {  	v3 =	vmul.f32 v0, v0  }
0x32f: {  	v0 =	vadd.f32 v1, v0  }
0x330: {  	v1 =	vadd.f32 v2, v3  }
0x331: {  	[tilespmem:s2+$0x1A700] =	vst v0  }
0x332: {  	s6 =	simm.s32 $0x0;
	s7 =	rddreg [dreg:$0x1a];
	[tilespmem:s2+$0x1C700] =	vst v1  }
0x333: {  	[tilespmem:s6], [sflag:$0x1] =	stream.strided.gather [hbm4b:s7+s28], $0x18700, s29, s28, $0x38;
	[tilespmem:$0x1E700] =	vst v63  }
0x334: {  	_ = 	snop  }
0x335: {  	[tilespmem:s30], [sflag:$0x2] =	stream.strided.gather [hbm4b:s21+s28], $0x2000, s29, s28, $0x38;
	[tilespmem:$0x1E700] =	vst v63  }
0x336: {  	_ =	swait.ge [sflag:s31], $0x2000  }
0x337: {  	[sflag:s31] =	ssyncset.done $0x0  }
0x338: {  	[sflag:s31] =	ssyncadd.s32 $0xFFFFE000  }
0x339: {  	_ =	swait.ge [sflag:s26], $0x18700  }
0x33a: {  	[sflag:s26] =	ssyncset.done $0x0  }
0x33b: {  	s3 =	simm.s32 $0x0;
	[sflag:s26] =	ssyncadd.s32 $0xFFFE7900  }
0x33c: {  	v0 =	vld [tilespmem:s3+$0x18700];
	_ =	sdelay $0x6  }
0x33d: {  	v2 =	vld [tilespmem:s3+$0x1A700]  }
0x33e: {  	s2 =	simm.s32 $0x10;
	v1 =	vld.idx.msk [tilespmem:v0+s1+$0x0], $0xffff  }
0x33f: {  	s4 =	simm.s32 $0x80;
	v0 =	vld [tilespmem:s2+$0x18700]  }
.LBB2_46:
0x340: {  	p0 =	sne.s32 s4, $0x7FC0;
	v3 =	vld [tilespmem:s3+$0x1C700];
	_ =	sdelay $0x2  }
0x341: {  	v2 =	vadd.f32 v2, v1;
	v1 =	vmul.f32 v1, v1;
	_ =	sdelay $0x1  }
0x342: {  	[tilespmem:s3+$0x1A700] =	vst v2;
	v1 =	vadd.f32 v3, v1  }
.Ltmp22:
0x343: {  	(pc) =	sbr.rel @p0 .LBB2_46-.Ltmp22, $4  }
0x344: {  	[tilespmem:s3+$0x1C700] =	vst v1;
	s3 =	smov.u32 s2  }
0x345: {  	v1 =	vld.idx.msk [tilespmem:v0+s1+$0x0], $0xffff  }
0x346: {  	s2 =	sshra.s32 s4, $0x2;
	v2 =	vld [tilespmem:s3+$0x1A700]  }
0x347: {  	s4 =	sadd.s32 $0x40, s4;
	v0 =	vld [tilespmem:s2+$0x18700]  }
0x348: {  	v3 =	vld [tilespmem:s3+$0x1C700];
	_ =	sdelay $0x2  }
0x349: {  	v4 =	vmul.f32 v1, v1  }
0x34a: {  	v1 =	vadd.f32 v2, v1  }
0x34b: {  	v2 =	vadd.f32 v3, v4  }
0x34c: {  	[tilespmem:s3+$0x1A700] =	vst v1  }
0x34d: {  	[tilespmem:s3+$0x1C700] =	vst v2  }
0x34e: {  	v0 =	vld.idx.msk [tilespmem:v0+s1+$0x0], $0xffff  }
0x34f: {  	v1 =	vld [tilespmem:s2+$0x1A700]  }
0x350: {  	v2 =	vld [tilespmem:s2+$0x1C700];
	_ =	sdelay $0x2  }
0x351: {  	v3 =	vmul.f32 v0, v0  }
0x352: {  	v0 =	vadd.f32 v1, v0  }
0x353: {  	v1 =	vadd.f32 v2, v3  }
0x354: {  	[tilespmem:s2+$0x1A700] =	vst v0  }
0x355: {  	s6 =	simm.s32 $0x0;
	s7 =	rddreg [dreg:$0x1b];
	[tilespmem:s2+$0x1C700] =	vst v1  }
0x356: {  	[tilespmem:s6], [sflag:$0x1] =	stream.strided.gather [hbm4b:s7+s28], $0x18700, s29, s28, $0x38;
	[tilespmem:$0x1E700] =	vst v63  }
0x357: {  	_ = 	snop  }
0x358: {  	[tilespmem:s30], [sflag:$0x2] =	stream.strided.gather [hbm4b:s22+s28], $0x2000, s29, s28, $0x38;
	[tilespmem:$0x1E700] =	vst v63  }
0x359: {  	_ =	swait.ge [sflag:s31], $0x2000  }
0x35a: {  	[sflag:s31] =	ssyncset.done $0x0  }
0x35b: {  	[sflag:s31] =	ssyncadd.s32 $0xFFFFE000  }
0x35c: {  	_ =	swait.ge [sflag:s26], $0x18700  }
0x35d: {  	[sflag:s26] =	ssyncset.done $0x0  }
0x35e: {  	s3 =	simm.s32 $0x0;
	[sflag:s26] =	ssyncadd.s32 $0xFFFE7900  }
0x35f: {  	v0 =	vld [tilespmem:s3+$0x18700];
	_ =	sdelay $0x6  }
0x360: {  	v2 =	vld [tilespmem:s3+$0x1A700]  }
0x361: {  	s2 =	simm.s32 $0x10;
	v1 =	vld.idx.msk [tilespmem:v0+s1+$0x0], $0xffff  }
0x362: {  	s4 =	simm.s32 $0x80;
	v0 =	vld [tilespmem:s2+$0x18700]  }
.LBB2_48:
0x363: {  	p0 =	sne.s32 s4, $0x7FC0;
	v3 =	vld [tilespmem:s3+$0x1C700];
	_ =	sdelay $0x2  }
0x364: {  	v2 =	vadd.f32 v2, v1;
	v1 =	vmul.f32 v1, v1;
	_ =	sdelay $0x1  }
0x365: {  	[tilespmem:s3+$0x1A700] =	vst v2;
	v1 =	vadd.f32 v3, v1  }
.Ltmp23:
0x366: {  	(pc) =	sbr.rel @p0 .LBB2_48-.Ltmp23, $4  }
0x367: {  	[tilespmem:s3+$0x1C700] =	vst v1;
	s3 =	smov.u32 s2  }
0x368: {  	v1 =	vld.idx.msk [tilespmem:v0+s1+$0x0], $0xffff  }
0x369: {  	s2 =	sshra.s32 s4, $0x2;
	v2 =	vld [tilespmem:s3+$0x1A700]  }
0x36a: {  	s4 =	sadd.s32 $0x40, s4;
	v0 =	vld [tilespmem:s2+$0x18700]  }
0x36b: {  	v3 =	vld [tilespmem:s3+$0x1C700];
	_ =	sdelay $0x2  }
0x36c: {  	v4 =	vmul.f32 v1, v1  }
0x36d: {  	v1 =	vadd.f32 v2, v1  }
0x36e: {  	v2 =	vadd.f32 v3, v4  }
0x36f: {  	[tilespmem:s3+$0x1A700] =	vst v1  }
0x370: {  	[tilespmem:s3+$0x1C700] =	vst v2  }
0x371: {  	v0 =	vld.idx.msk [tilespmem:v0+s1+$0x0], $0xffff  }
0x372: {  	v1 =	vld [tilespmem:s2+$0x1A700]  }
0x373: {  	v2 =	vld [tilespmem:s2+$0x1C700];
	_ =	sdelay $0x2  }
0x374: {  	v3 =	vmul.f32 v0, v0  }
0x375: {  	v0 =	vadd.f32 v1, v0  }
0x376: {  	v1 =	vadd.f32 v2, v3  }
0x377: {  	[tilespmem:s2+$0x1A700] =	vst v0  }
0x378: {  	s6 =	simm.s32 $0x0;
	s7 =	rddreg [dreg:$0x1c];
	[tilespmem:s2+$0x1C700] =	vst v1  }
0x379: {  	[tilespmem:s6], [sflag:$0x1] =	stream.strided.gather [hbm4b:s7+s28], $0x18700, s29, s28, $0x38;
	[tilespmem:$0x1E700] =	vst v63  }
0x37a: {  	_ = 	snop  }
0x37b: {  	[tilespmem:s30], [sflag:$0x2] =	stream.strided.gather [hbm4b:s23+s28], $0x2000, s29, s28, $0x38;
	[tilespmem:$0x1E700] =	vst v63  }
0x37c: {  	_ =	swait.ge [sflag:s31], $0x2000  }
0x37d: {  	[sflag:s31] =	ssyncset.done $0x0  }
0x37e: {  	[sflag:s31] =	ssyncadd.s32 $0xFFFFE000  }
0x37f: {  	_ =	swait.ge [sflag:s26], $0x18700  }
0x380: {  	[sflag:s26] =	ssyncset.done $0x0  }
0x381: {  	s3 =	simm.s32 $0x0;
	[sflag:s26] =	ssyncadd.s32 $0xFFFE7900  }
0x382: {  	v0 =	vld [tilespmem:s3+$0x18700];
	_ =	sdelay $0x6  }
0x383: {  	v2 =	vld [tilespmem:s3+$0x1A700]  }
0x384: {  	s2 =	simm.s32 $0x10;
	v1 =	vld.idx.msk [tilespmem:v0+s1+$0x0], $0xffff  }
0x385: {  	s4 =	simm.s32 $0x80;
	v0 =	vld [tilespmem:s2+$0x18700]  }
.LBB2_50:
0x386: {  	p0 =	sne.s32 s4, $0x7FC0;
	v3 =	vld [tilespmem:s3+$0x1C700];
	_ =	sdelay $0x2  }
0x387: {  	v2 =	vadd.f32 v2, v1;
	v1 =	vmul.f32 v1, v1;
	_ =	sdelay $0x1  }
0x388: {  	[tilespmem:s3+$0x1A700] =	vst v2;
	v1 =	vadd.f32 v3, v1  }
.Ltmp24:
0x389: {  	(pc) =	sbr.rel @p0 .LBB2_50-.Ltmp24, $4  }
0x38a: {  	[tilespmem:s3+$0x1C700] =	vst v1;
	s3 =	smov.u32 s2  }
0x38b: {  	v1 =	vld.idx.msk [tilespmem:v0+s1+$0x0], $0xffff  }
0x38c: {  	s2 =	sshra.s32 s4, $0x2;
	v2 =	vld [tilespmem:s3+$0x1A700]  }
0x38d: {  	s4 =	sadd.s32 $0x40, s4;
	v0 =	vld [tilespmem:s2+$0x18700]  }
0x38e: {  	v3 =	vld [tilespmem:s3+$0x1C700];
	_ =	sdelay $0x2  }
0x38f: {  	v4 =	vmul.f32 v1, v1  }
0x390: {  	v1 =	vadd.f32 v2, v1  }
0x391: {  	v2 =	vadd.f32 v3, v4  }
0x392: {  	[tilespmem:s3+$0x1A700] =	vst v1  }
0x393: {  	[tilespmem:s3+$0x1C700] =	vst v2  }
0x394: {  	v0 =	vld.idx.msk [tilespmem:v0+s1+$0x0], $0xffff  }
0x395: {  	v1 =	vld [tilespmem:s2+$0x1A700]  }
0x396: {  	v2 =	vld [tilespmem:s2+$0x1C700];
	_ =	sdelay $0x2  }
0x397: {  	v3 =	vmul.f32 v0, v0  }
0x398: {  	v0 =	vadd.f32 v1, v0  }
0x399: {  	v1 =	vadd.f32 v2, v3  }
0x39a: {  	[tilespmem:s2+$0x1A700] =	vst v0  }
0x39b: {  	s4 =	simm.s32 $0x0;
	s7 =	rddreg [dreg:$0x1d];
	[tilespmem:s2+$0x1C700] =	vst v1  }
0x39c: {  	[tilespmem:s4], [sflag:$0x1] =	stream.strided.gather [hbm4b:s7+s28], $0x18700, s29, s28, $0x38;
	[tilespmem:$0x1E700] =	vst v63  }
0x39d: {  	_ = 	snop  }
0x39e: {  	[tilespmem:s30], [sflag:$0x2] =	stream.strided.gather [hbm4b:s24+s28], $0x2000, s29, s28, $0x38;
	[tilespmem:$0x1E700] =	vst v63  }
0x39f: {  	_ =	swait.ge [sflag:s31], $0x2000  }
0x3a0: {  	[sflag:s31] =	ssyncset.done $0x0  }
0x3a1: {  	[sflag:s31] =	ssyncadd.s32 $0xFFFFE000  }
0x3a2: {  	_ =	swait.ge [sflag:s26], $0x18700  }
0x3a3: {  	[sflag:s26] =	ssyncset.done $0x0  }
0x3a4: {  	s2 =	simm.s32 $0x0;
	[sflag:s26] =	ssyncadd.s32 $0xFFFE7900  }
0x3a5: {  	v0 =	vld [tilespmem:s2+$0x18700];
	_ =	sdelay $0x6  }
0x3a6: {  	v2 =	vld [tilespmem:s2+$0x1A700]  }
0x3a7: {  	s5 =	simm.s32 $0x10;
	v1 =	vld.idx.msk [tilespmem:v0+s4+$0x0], $0xffff  }
0x3a8: {  	s6 =	simm.s32 $0x0;
	s3 =	simm.s32 $0x40;
	s7 =	simm.s32 $0x80;
	v0 =	vld [tilespmem:s5+$0x18700]  }
.LBB2_52:
0x3a9: {  	p0 =	sne.s32 s7, $0x7FC0;
	v3 =	vld [tilespmem:s6+$0x1C700];
	_ =	sdelay $0x2  }
0x3aa: {  	v2 =	vadd.f32 v2, v1;
	v1 =	vmul.f32 v1, v1;
	_ =	sdelay $0x1  }
0x3ab: {  	[tilespmem:s6+$0x1A700] =	vst v2;
	v1 =	vadd.f32 v3, v1  }
.Ltmp25:
0x3ac: {  	(pc) =	sbr.rel @p0 .LBB2_52-.Ltmp25, $4  }
0x3ad: {  	[tilespmem:s6+$0x1C700] =	vst v1;
	s6 =	smov.u32 s5  }
0x3ae: {  	v1 =	vld.idx.msk [tilespmem:v0+s4+$0x0], $0xffff  }
0x3af: {  	s5 =	sshra.s32 s7, $0x2;
	v2 =	vld [tilespmem:s6+$0x1A700]  }
0x3b0: {  	s7 =	sadd.s32 $0x40, s7;
	v0 =	vld [tilespmem:s5+$0x18700]  }
0x3b1: {  	v3 =	vld [tilespmem:s6+$0x1C700];
	_ =	sdelay $0x2  }
0x3b2: {  	v4 =	vmul.f32 v1, v1  }
0x3b3: {  	v60 =	vadd.f32 v2, v1  }
0x3b4: {  	v61 =	vadd.f32 v3, v4  }
0x3b5: {  	[tilespmem:s6+$0x1A700] =	vst v60  }
0x3b6: {  	[tilespmem:s6+$0x1C700] =	vst v61  }
0x3b7: {  	v0 =	vld.idx.msk [tilespmem:v0+s4+$0x0], $0xffff  }
0x3b8: {  	v1 =	vld [tilespmem:s5+$0x1A700]  }
0x3b9: {  	v2 =	vld [tilespmem:s5+$0x1C700];
	_ =	sdelay $0x2  }
0x3ba: {  	v62 =	vmul.f32 v0, v0  }
0x3bb: {  	v0 =	vadd.f32 v1, v0  }
0x3bc: {  	v63 =	vadd.f32 v2, v62  }
0x3bd: {  	[tilespmem:s5+$0x1A700] =	vst v0  }
0x3be: {  	[tilespmem:s5+$0x1C700] =	vst v63  }
.LBB2_54:
0x3bf: {  	p0 =	sne.s32 s3, $0x7FC0;
	v0 =	vld [tilespmem:s2+$0x1A700];
	_ =	sdelay $0x1  }
0x3c0: {  	v1 =	vld [tilespmem:s2+$0x1C700];
	_ =	sdelay $0x2  }
0x3c1: {  	v0 =	vmul.f32 v0, v0;
	_ =	sdelay $0x1  }
.Ltmp26:
0x3c2: {  	v0 =	vsub.f32 v0, v1;
	(pc) =	sbr.rel @p0 .LBB2_54-.Ltmp26, $3  }
0x3c3: {  	_ = 	snop  }
0x3c4: {  	v0 =	vmul.f32 $5.000000000e-01, v0;
	_ =	sdelay $0x1  }
0x3c5: {  	[tilespmem:s2+$0x1A700] =	vst v0;
	s2 =	sshra.s32 s3, $0x2;
	s3 =	sadd.s32 $0x40, s3  }
0x3c6: {  	v0 =	vld [tilespmem:s2+$0x1A700];
	_ =	sdelay $0x1  }
0x3c7: {  	v1 =	vld [tilespmem:s2+$0x1C700];
	_ =	sdelay $0x2  }
0x3c8: {  	v0 =	vmul.f32 v0, v0;
	_ =	sdelay $0x1  }
0x3c9: {  	v0 =	vsub.f32 v0, v1;
	_ =	sdelay $0x1  }
0x3ca: {  	s0 =	sadd.s32 $0x1, s0;
	v0 =	vmul.f32 $5.000000000e-01, v0  }
0x3cb: {  	p0 =	sne.s32 s0, s25  }
.Ltmp27:
0x3cc: {  	s7 =	rddreg [dreg:$0x1e];
	s3 =	simm.s32 $0x1A700;
	[tilespmem:s2+$0x1A700] =	vst v0;
	(pc) =	sbr.rel @p0 .LBB2_1-.Ltmp27, $4  }
0x3cd: {  	[hbm4b:s7+s28] =	stream.strided.scatter [tilespmem:s3], [sflag:$0x2], $0x2000, s29, s28, $0x38;
	[tilespmem:$0x1E700] =	vst v63  }
0x3ce: {  	_ =	swait.ge [sflag:s31], $0x2000  }
0x3cf: {  	[sflag:s31] =	ssyncset.done $0x0  }
0x3d0: {  	[sflag:s31] =	ssyncadd.s32 $0xFFFFE000  }
0x3d1: {  	_ =	sfence.sel $0x180000  }
0x3d2: {  	[bflag:$0x0] =	sbarrier.arrive $0xFFFF  }
0x3d3: {  	_ =	strace $0x90000047  }
0x3d4: {  	s0 =	stileid.u32;
	[bflag:$0x2] =	sbarrier.arrive $0xFFFF  }
0x3d5: {  	p0 =	sne.s32 s0, $0x0;
	s0 =	rddreg [dreg:$0x3]  }
0x3d6: {  	s0 =	sadd.s32 @!p0 $0x100000, s0  }
0x3d7: {  	[sflag:s0] =	ssyncadd.tile.s32 @!p0 $0x1;
	_ =	shalt  }
.Lfunc_end2:
_tile_overlayer_lowered:
.L_overlay_start_2:
0x3d8: {  	(tag) =	ssettag $0x2  }
0x3d9: {  	s0 =	rddreg [dreg:$0x0];
	s2 =	stileid.u32  }
0x3da: {  	s1 =	rddreg [dreg:$0x1];
	p0 =	sne.s32 s2, $0x0  }
0x3db: {  	s3 =	rddreg [dreg:$0x2];
	[bflag:$0x3] =	sbarrier.arrive $0xFFFF;
	s2 =	simm.s32 @!p0 $0x1C02  }
0x3dc: {  	[timem:s3], [sflag:s2] =	dma.local @!p0 [hbm:s0], s1  }
0x3dd: {  	s0 =	simm.s32 @!p0 $0x2  }
0x3de: {  	_ =	swait.ge @!p0 [sflag:s0], s1  }
0x3df: {  	s1 =	ssub.s32 @!p0 $0x0, s1;
	[sflag:s0] =	ssyncset.done @!p0 $0x0  }
0x3e0: {  	[sflag:s0] =	ssyncadd.s32 @!p0 s1  }
0x3e1: {  	[bflag:$0x3] =	sbarrier.arrive $0xFFFF  }
0x3e2: {  	_ =	shalt  }

</sc_bundles>
